<compile_context>
chip_gen: v7x
topology: tpu7x:2x2x1
jax: 0.10.2.dev20260603
libtpu: 0.0.44.dev20260713+nightly
codegen_flags: <defaults>
</compile_context>

<pallas_src>
import functools

import jax
import jax.numpy as jnp
from jax import lax
from jax.experimental import pallas as pl
from jax.experimental.pallas import tpu as pltpu
from jax.experimental.pallas import tpu_sc as plsc

N_NODES = 10000
N_EDGES = 160000
D_IN = 256
D_OUT = 256

HALF = D_IN // 2
NC = 2
NS = 16
CHUNK = 128
CHUNKS_PER_TILE = 80
BLK = 20
NBLK = CHUNKS_PER_TILE // BLK
EDGES_PER_TILE = CHUNKS_PER_TILE * CHUNK
E_PAD = NS * EDGES_PER_TILE
ROWS_PER_TILE = 632
N_PAD = NS * ROWS_PER_TILE
ACC_ROWS = N_PAD
LAST_ROWS = N_NODES - (NS - 1) * ROWS_PER_TILE


def _sc_scatter(feat_cat, src2, dst_r):

    @functools.partial(
        pl.kernel,
        out_type=jax.ShapeDtypeStruct((NC, N_PAD, HALF), jnp.float32),
        mesh=plsc.VectorSubcoreMesh(core_axis_name="c", subcore_axis_name="s"),
        scratch_types=[
            pltpu.VMEM_SHARED((ACC_ROWS, HALF), jnp.float32),
            pltpu.VMEM((BLK, CHUNK), jnp.int32),
            pltpu.VMEM((BLK, CHUNK), jnp.int32),
            pltpu.VMEM((CHUNKS_PER_TILE, CHUNK), jnp.int32),
            pltpu.VMEM((CHUNK, HALF), jnp.float32),
            pltpu.VMEM((CHUNK, HALF), jnp.float32),
            pltpu.SemaphoreType.DMA,
            pltpu.SemaphoreType.DMA,
            pltpu.SemaphoreType.DMA,
            pltpu.SemaphoreType.DMA,
        ],
    )
    def k(feat_hbm, src_hbm, dst_hbm, h_hbm, acc, src_0, src_1, dst_v,
          rows_a, rows_b, sem_a, sem_b, sem_i0, sem_i1):
        src_bufs = (src_0, src_1)
        idx_sems = (sem_i0, sem_i1)
        c = lax.axis_index("c")
        s = lax.axis_index("s")
        row0 = s * ROWS_PER_TILE
        @pl.when(s < NS - 1)
        def _():
            pltpu.sync_copy(
                feat_hbm.at[pl.ds(c * N_NODES + row0, ROWS_PER_TILE)],
                acc.at[pl.ds(row0, ROWS_PER_TILE)],
            )

        @pl.when(s == NS - 1)
        def _():
            pltpu.sync_copy(
                feat_hbm.at[pl.ds(c * N_NODES + (NS - 1) * ROWS_PER_TILE,
                                  LAST_ROWS)],
                acc.at[pl.ds((NS - 1) * ROWS_PER_TILE, LAST_ROWS)],
            )
        pltpu.sync_copy(dst_hbm.at[s], dst_v)
        pltpu.sync_copy(src_hbm.at[c, s, 0], src_0)
        pltpu.async_copy(src_hbm.at[c, s, 1], src_1, sem_i1)
        plsc.subcore_barrier()

        pltpu.async_copy(feat_hbm.at[src_0.at[0]], rows_a, sem_a)

        for blk in range(NBLK):
            ib = src_bufs[blk % 2]
            base = blk * BLK

            @pl.loop(0, BLK, step=2)
            def _(jj):
                pltpu.async_copy(feat_hbm.at[ib.at[jj + 1]], rows_b, sem_b)
                pltpu.make_async_copy(
                    feat_hbm.at[ib.at[jj]], rows_a, sem_a).wait()
                pltpu.sync_copy(rows_a, acc.at[dst_v.at[base + jj]], add=True)

                @pl.when(jj + 2 < BLK)
                def _():
                    pltpu.async_copy(feat_hbm.at[ib.at[jj + 2]], rows_a, sem_a)

                pltpu.make_async_copy(
                    feat_hbm.at[ib.at[jj + 1]], rows_b, sem_b).wait()
                pltpu.sync_copy(
                    rows_b, acc.at[dst_v.at[base + jj + 1]], add=True)

            if blk + 2 < NBLK:
                pltpu.async_copy(
                    src_hbm.at[c, s, blk + 2], ib, idx_sems[blk % 2])
            if blk + 1 < NBLK:
                nb = src_bufs[(blk + 1) % 2]
                pltpu.make_async_copy(
                    src_hbm.at[c, s, blk + 1], nb, idx_sems[(blk + 1) % 2]
                ).wait()
                pltpu.async_copy(feat_hbm.at[nb.at[0]], rows_a, sem_a)

        plsc.subcore_barrier()
        pltpu.sync_copy(
            acc.at[pl.ds(row0, ROWS_PER_TILE)],
            h_hbm.at[c, pl.ds(row0, ROWS_PER_TILE)],
        )

    return k(feat_cat, src2, dst_r)


ROW_BLK = 2000


def _mm_body(h0_ref, h1_ref, wl_ref, wr_ref, b_ref, o_ref):
    o_ref[...] = (
        jnp.dot(h0_ref[0], wl_ref[...], preferred_element_type=jnp.float32)
        + jnp.dot(h1_ref[0], wr_ref[...], preferred_element_type=jnp.float32)
        + b_ref[...]
    )


def _tc_linear(h2, W, b):
    wl = W[:, :HALF].T
    wr = W[:, HALF:].T
    b2 = b.reshape(1, D_OUT)
    return pl.pallas_call(
        _mm_body,
        grid=(N_NODES // ROW_BLK,),
        in_specs=[
            pl.BlockSpec((1, ROW_BLK, HALF), lambda i: (0, i, 0)),
            pl.BlockSpec((1, ROW_BLK, HALF), lambda i: (1, i, 0)),
            pl.BlockSpec((HALF, D_OUT), lambda i: (0, 0)),
            pl.BlockSpec((HALF, D_OUT), lambda i: (0, 0)),
            pl.BlockSpec((1, D_OUT), lambda i: (0, 0)),
        ],
        out_specs=pl.BlockSpec((ROW_BLK, D_OUT), lambda i: (i, 0)),
        out_shape=jax.ShapeDtypeStruct((N_NODES, D_OUT), jnp.float32),
    )(h2, h2, wl, wr, b2)


@jax.jit
def kernel(feature, edge_index, W, b):
    src = edge_index[0].astype(jnp.int32)
    dst = edge_index[1].astype(jnp.int32)
    pad = E_PAD - N_EDGES
    src_p = jnp.concatenate(
        [src, jnp.arange(pad, dtype=jnp.int32) % N_NODES])
    dst_p = jnp.concatenate(
        [dst, N_NODES + (jnp.arange(pad, dtype=jnp.int32) % (N_PAD - N_NODES))])
    src_r = src_p.reshape(NS, NBLK, BLK, CHUNK)
    src2 = jnp.stack([src_r, src_r + N_NODES])
    dst_r = dst_p.reshape(NS, CHUNKS_PER_TILE, CHUNK)
    feat_cat = feature.reshape(N_NODES, NC, HALF).transpose(1, 0, 2).reshape(
        NC * N_NODES, HALF)

    h2 = _sc_scatter(feat_cat, src2, dst_r)
    return _tc_linear(h2, W, b)

# --- scband reference (transcript-rebuilt; emitter-appended) ---
"""Pipeline reference for scband-gcnlayer-sum-4449586119321 (READ-ONLY COPY).

The authoritative reference and input builder live on the scoring server;
editing this copy changes nothing except your own understanding.
"""

import jax, jax.numpy as jnp
import numpy as np

N_NODES = 10000
N_EDGES = 160000
D_IN = 256
D_OUT = 256

def setup_inputs(seed: int = 0) -> dict:
    key = jax.random.key(seed)
    k1, k2, k3, k4 = jax.random.split(key, 4)
    feature = jax.random.normal(k1, (N_NODES, D_IN), dtype=jnp.float32)
    edge_index = jax.random.randint(k2, (2, N_EDGES), 0, N_NODES, dtype=jnp.int64)
    # nn.Linear(in_feats, out_feats): weight [out, in], bias [out]
    bound = 1.0 / np.sqrt(D_IN)
    W = jax.random.uniform(k3, (D_OUT, D_IN), minval=-bound, maxval=bound, dtype=jnp.float32)
    b = jax.random.uniform(k4, (D_OUT,), minval=-bound, maxval=bound, dtype=jnp.float32)
    return {"feature": feature, "edge_index": edge_index, "W": W, "b": b}

def reference(feature, edge_index, W, b):
    src = edge_index[0]
    dst = edge_index[1]
    # gcn_msg = copy_u('vector','m'); gcn_reduce = sum('m','vector')
    msgs = jnp.take(feature, src, axis=0)                     # gather: m = x[src]
    agg = jnp.zeros((N_NODES, D_IN), dtype=feature.dtype).at[dst].add(msgs)  # scatter-add sum reduce
    h = agg + feature                                         # residual add of original feature
    out = h @ W.T + b                                         # self.linear(h)
    return out

if __name__ == "__main__":
    import jax
    _d = setup_inputs()
    print(jax.jit(kernel)(*tuple(_d.values())))

</pallas_src>

<mosaic_0001>
#map = affine_map<(d0, d1) -> (0, 0)>
#map1 = affine_map<(d0, d1) -> (0, 0, 0, 0, 0)>
#map2 = affine_map<(d0, d1) -> (0, 0, 0)>
module attributes {stable_mosaic.version = 14 : i64} {
  func.func @k(%arg0: i32, %arg1: i32, %arg2: memref<20000x128xf32, #tpu.memory_space<hbm>>, %arg3: memref<2x16x4x20x128xi32, #tpu.memory_space<hbm>>, %arg4: memref<16x80x128xi32, #tpu.memory_space<hbm>>, %arg5: memref<2x10112x128xf32, #tpu.memory_space<hbm>>, %arg6: memref<10112x128xf32, #tpu.memory_space<vmem_shared>>, %arg7: memref<20x128xi32, #tpu.memory_space<vmem>>, %arg8: memref<20x128xi32, #tpu.memory_space<vmem>>, %arg9: memref<80x128xi32, #tpu.memory_space<vmem>>, %arg10: memref<128x128xf32, #tpu.memory_space<vmem>>, %arg11: memref<128x128xf32, #tpu.memory_space<vmem>>, %arg12: memref<!tpu.dma_semaphore, #tpu.memory_space<semaphore_mem>>, %arg13: memref<!tpu.dma_semaphore, #tpu.memory_space<semaphore_mem>>, %arg14: memref<!tpu.dma_semaphore, #tpu.memory_space<semaphore_mem>>, %arg15: memref<!tpu.dma_semaphore, #tpu.memory_space<semaphore_mem>>) attributes {dimension_semantics = [#tpu.dimension_semantics<core_parallel>, #tpu.dimension_semantics<subcore_parallel>], iteration_bounds = array<i64: 2, 16>, scalar_prefetch = 0 : i64, scratch_operands = 10 : i64, tpu.core_type = #tpu.core_type<sc_vector_subcore>, window_params = [{transform_indices = #map}, {transform_indices = #map1}, {transform_indices = #map2}, {transform_indices = #map2}]} {
    %mul3A = arith.constant 632 : i32
    %mul3A_0 = arith.muli %arg1, %mul3A : i32
    %lt3A = arith.constant 15 : i32
    %lt3A_1 = arith.cmpi slt, %arg1, %lt3A : i32
    %convert_element_type3A = arith.extui %lt3A_1 : i1 to i32
    %cond3A = arith.constant 0 : i32
    %cond3A_2 = arith.cmpi ne, %convert_element_type3A, %cond3A : i32
    scf.if %cond3A_2 {
      %mul3A_107 = arith.constant 10000 : i32
      %mul3A_108 = arith.muli %arg0, %mul3A_107 : i32
      %add3A = arith.addi %mul3A_108, %mul3A_0 : i32
      "tpu.region"() ({
        %run_scoped3A_109 = tpu.sem_alloc : memref<!tpu.dma_semaphore, #tpu.memory_space<semaphore_mem>>
        %dma_start3A_110 = arith.constant 0 : i32
        %dma_start3A_111 = tpu.memref_slice %arg6[%mul3A_0, %dma_start3A_110] : memref<10112x128xf32, #tpu.memory_space<vmem_shared>> -> memref<632x128xf32, #tpu.memory_space<vmem_shared>>
        %dma_start3A_112 = arith.constant 0 : i32
        %dma_start3A_113 = tpu.memref_slice %arg2[%add3A, %dma_start3A_112] : memref<20000x128xf32, #tpu.memory_space<hbm>> -> memref<632x128xf32, #tpu.memory_space<hbm>>
        tpu.enqueue_dma source(%dma_start3A_113 : memref<632x128xf32, #tpu.memory_space<hbm>>) target(%dma_start3A_111 : memref<632x128xf32, #tpu.memory_space<vmem_shared>>) target_semaphore(%run_scoped3A_109 : memref<!tpu.dma_semaphore, #tpu.memory_space<semaphore_mem>>)
        %dma_wait3A_114 = arith.constant 0 : i32
        %dma_wait3A_115 = tpu.memref_slice %arg6[%mul3A_0, %dma_wait3A_114] : memref<10112x128xf32, #tpu.memory_space<vmem_shared>> -> memref<632x128xf32, #tpu.memory_space<vmem_shared>>
        %dma_wait3A_116 = arith.constant 0 : i32
        %dma_wait3A_117 = tpu.memref_slice %arg2[%add3A, %dma_wait3A_116] : memref<20000x128xf32, #tpu.memory_space<hbm>> -> memref<632x128xf32, #tpu.memory_space<hbm>>
        tpu.wait_dma2 semaphore(%run_scoped3A_109 : memref<!tpu.dma_semaphore, #tpu.memory_space<semaphore_mem>>) src(%dma_wait3A_117 : memref<632x128xf32, #tpu.memory_space<hbm>>) dst(%dma_wait3A_115 : memref<632x128xf32, #tpu.memory_space<vmem_shared>>)
        tpu.yield
      }) : () -> ()
    } else {
    }
    %eq3A = arith.constant 15 : i32
    %eq3A_3 = arith.cmpi eq, %arg1, %eq3A : i32
    %convert_element_type3A_4 = arith.extui %eq3A_3 : i1 to i32
    %cond3A_5 = arith.constant 0 : i32
    %cond3A_6 = arith.cmpi ne, %convert_element_type3A_4, %cond3A_5 : i32
    scf.if %cond3A_6 {
      %mul3A_107 = arith.constant 10000 : i32
      %mul3A_108 = arith.muli %arg0, %mul3A_107 : i32
      %add3A = arith.constant 9480 : i32
      %add3A_109 = arith.addi %mul3A_108, %add3A : i32
      "tpu.region"() ({
        %run_scoped3A_110 = tpu.sem_alloc : memref<!tpu.dma_semaphore, #tpu.memory_space<semaphore_mem>>
        %dma_start3A_111 = arith.constant 9480 : i32
        %dma_start3A_112 = arith.constant 0 : i32
        %dma_start3A_113 = tpu.memref_slice %arg6[%dma_start3A_111, %dma_start3A_112] : memref<10112x128xf32, #tpu.memory_space<vmem_shared>> -> memref<520x128xf32, #tpu.memory_space<vmem_shared>>
        %dma_start3A_114 = arith.constant 0 : i32
        %dma_start3A_115 = tpu.memref_slice %arg2[%add3A_109, %dma_start3A_114] : memref<20000x128xf32, #tpu.memory_space<hbm>> -> memref<520x128xf32, #tpu.memory_space<hbm>>
        tpu.enqueue_dma source(%dma_start3A_115 : memref<520x128xf32, #tpu.memory_space<hbm>>) target(%dma_start3A_113 : memref<520x128xf32, #tpu.memory_space<vmem_shared>>) target_semaphore(%run_scoped3A_110 : memref<!tpu.dma_semaphore, #tpu.memory_space<semaphore_mem>>)
        %dma_wait3A_116 = arith.constant 9480 : i32
        %dma_wait3A_117 = arith.constant 0 : i32
        %dma_wait3A_118 = tpu.memref_slice %arg6[%dma_wait3A_116, %dma_wait3A_117] : memref<10112x128xf32, #tpu.memory_space<vmem_shared>> -> memref<520x128xf32, #tpu.memory_space<vmem_shared>>
        %dma_wait3A_119 = arith.constant 0 : i32
        %dma_wait3A_120 = tpu.memref_slice %arg2[%add3A_109, %dma_wait3A_119] : memref<20000x128xf32, #tpu.memory_space<hbm>> -> memref<520x128xf32, #tpu.memory_space<hbm>>
        tpu.wait_dma2 semaphore(%run_scoped3A_110 : memref<!tpu.dma_semaphore, #tpu.memory_space<semaphore_mem>>) src(%dma_wait3A_120 : memref<520x128xf32, #tpu.memory_space<hbm>>) dst(%dma_wait3A_118 : memref<520x128xf32, #tpu.memory_space<vmem_shared>>)
        tpu.yield
      }) : () -> ()
    } else {
    }
    "tpu.region"() ({
      %run_scoped3A_107 = tpu.sem_alloc : memref<!tpu.dma_semaphore, #tpu.memory_space<semaphore_mem>>
      %dma_start3A_108 = arith.constant 0 : i32
      %dma_start3A_109 = arith.constant 0 : i32
      %dma_start3A_110 = tpu.memref_slice %arg4[%arg1, %dma_start3A_108, %dma_start3A_109] : memref<16x80x128xi32, #tpu.memory_space<hbm>> -> memref<1x80x128xi32, #tpu.memory_space<hbm>>
      %dma_start3A_111 = tpu.memref_squeeze %dma_start3A_110 : memref<1x80x128xi32, #tpu.memory_space<hbm>> -> memref<80x128xi32, #tpu.memory_space<hbm>>
      %dma_start3A_112 = arith.constant 0 : i32
      %dma_start3A_113 = arith.constant 0 : i32
      %dma_start3A_114 = tpu.memref_slice %arg4[%arg1, %dma_start3A_112, %dma_start3A_113] : memref<16x80x128xi32, #tpu.memory_space<hbm>> -> memref<1x80x128xi32, #tpu.memory_space<hbm>>
      %dma_start3A_115 = tpu.memref_squeeze %dma_start3A_114 : memref<1x80x128xi32, #tpu.memory_space<hbm>> -> memref<80x128xi32, #tpu.memory_space<hbm>>
      tpu.enqueue_dma source(%dma_start3A_115 : memref<80x128xi32, #tpu.memory_space<hbm>>) target(%arg9 : memref<80x128xi32, #tpu.memory_space<vmem>>) target_semaphore(%run_scoped3A_107 : memref<!tpu.dma_semaphore, #tpu.memory_space<semaphore_mem>>)
      %dma_wait3A_116 = arith.constant 0 : i32
      %dma_wait3A_117 = arith.constant 0 : i32
      %dma_wait3A_118 = tpu.memref_slice %arg4[%arg1, %dma_wait3A_116, %dma_wait3A_117] : memref<16x80x128xi32, #tpu.memory_space<hbm>> -> memref<1x80x128xi32, #tpu.memory_space<hbm>>
      %dma_wait3A_119 = tpu.memref_squeeze %dma_wait3A_118 : memref<1x80x128xi32, #tpu.memory_space<hbm>> -> memref<80x128xi32, #tpu.memory_space<hbm>>
      %dma_wait3A_120 = arith.constant 0 : i32
      %dma_wait3A_121 = arith.constant 0 : i32
      %dma_wait3A_122 = tpu.memref_slice %arg4[%arg1, %dma_wait3A_120, %dma_wait3A_121] : memref<16x80x128xi32, #tpu.memory_space<hbm>> -> memref<1x80x128xi32, #tpu.memory_space<hbm>>
      %dma_wait3A_123 = tpu.memref_squeeze %dma_wait3A_122 : memref<1x80x128xi32, #tpu.memory_space<hbm>> -> memref<80x128xi32, #tpu.memory_space<hbm>>
      tpu.wait_dma2 semaphore(%run_scoped3A_107 : memref<!tpu.dma_semaphore, #tpu.memory_space<semaphore_mem>>) src(%dma_wait3A_123 : memref<80x128xi32, #tpu.memory_space<hbm>>) dst(%arg9 : memref<80x128xi32, #tpu.memory_space<vmem>>)
      tpu.yield
    }) : () -> ()
    %run_scoped3A = arith.constant 0 : i32
    "tpu.region"() ({
      %run_scoped3A_107 = tpu.sem_alloc : memref<!tpu.dma_semaphore, #tpu.memory_space<semaphore_mem>>
      %dma_start3A_108 = arith.constant 0 : i32
      %dma_start3A_109 = arith.constant 0 : i32
      %dma_start3A_110 = tpu.memref_slice %arg3[%arg0, %arg1, %run_scoped3A, %dma_start3A_108, %dma_start3A_109] : memref<2x16x4x20x128xi32, #tpu.memory_space<hbm>> -> memref<1x1x1x20x128xi32, #tpu.memory_space<hbm>>
      %dma_start3A_111 = tpu.memref_squeeze %dma_start3A_110 : memref<1x1x1x20x128xi32, #tpu.memory_space<hbm>> -> memref<20x128xi32, #tpu.memory_space<hbm>>
      %dma_start3A_112 = arith.constant 0 : i32
      %dma_start3A_113 = arith.constant 0 : i32
      %dma_start3A_114 = tpu.memref_slice %arg3[%arg0, %arg1, %run_scoped3A, %dma_start3A_112, %dma_start3A_113] : memref<2x16x4x20x128xi32, #tpu.memory_space<hbm>> -> memref<1x1x1x20x128xi32, #tpu.memory_space<hbm>>
      %dma_start3A_115 = tpu.memref_squeeze %dma_start3A_114 : memref<1x1x1x20x128xi32, #tpu.memory_space<hbm>> -> memref<20x128xi32, #tpu.memory_space<hbm>>
      tpu.enqueue_dma source(%dma_start3A_115 : memref<20x128xi32, #tpu.memory_space<hbm>>) target(%arg7 : memref<20x128xi32, #tpu.memory_space<vmem>>) target_semaphore(%run_scoped3A_107 : memref<!tpu.dma_semaphore, #tpu.memory_space<semaphore_mem>>)
      %dma_wait3A_116 = arith.constant 0 : i32
      %dma_wait3A_117 = arith.constant 0 : i32
      %dma_wait3A_118 = tpu.memref_slice %arg3[%arg0, %arg1, %run_scoped3A, %dma_wait3A_116, %dma_wait3A_117] : memref<2x16x4x20x128xi32, #tpu.memory_space<hbm>> -> memref<1x1x1x20x128xi32, #tpu.memory_space<hbm>>
      %dma_wait3A_119 = tpu.memref_squeeze %dma_wait3A_118 : memref<1x1x1x20x128xi32, #tpu.memory_space<hbm>> -> memref<20x128xi32, #tpu.memory_space<hbm>>
      %dma_wait3A_120 = arith.constant 0 : i32
      %dma_wait3A_121 = arith.constant 0 : i32
      %dma_wait3A_122 = tpu.memref_slice %arg3[%arg0, %arg1, %run_scoped3A, %dma_wait3A_120, %dma_wait3A_121] : memref<2x16x4x20x128xi32, #tpu.memory_space<hbm>> -> memref<1x1x1x20x128xi32, #tpu.memory_space<hbm>>
      %dma_wait3A_123 = tpu.memref_squeeze %dma_wait3A_122 : memref<1x1x1x20x128xi32, #tpu.memory_space<hbm>> -> memref<20x128xi32, #tpu.memory_space<hbm>>
      tpu.wait_dma2 semaphore(%run_scoped3A_107 : memref<!tpu.dma_semaphore, #tpu.memory_space<semaphore_mem>>) src(%dma_wait3A_123 : memref<20x128xi32, #tpu.memory_space<hbm>>) dst(%arg7 : memref<20x128xi32, #tpu.memory_space<vmem>>)
      tpu.yield
    }) : () -> ()
    %dma_start3A = arith.constant 1 : i32
    %dma_start3A_7 = arith.constant 0 : i32
    %dma_start3A_8 = arith.constant 0 : i32
    %dma_start3A_9 = tpu.memref_slice %arg3[%arg0, %arg1, %dma_start3A, %dma_start3A_7, %dma_start3A_8] : memref<2x16x4x20x128xi32, #tpu.memory_space<hbm>> -> memref<1x1x1x20x128xi32, #tpu.memory_space<hbm>>
    %dma_start3A_10 = tpu.memref_squeeze %dma_start3A_9 : memref<1x1x1x20x128xi32, #tpu.memory_space<hbm>> -> memref<20x128xi32, #tpu.memory_space<hbm>>
    %dma_start3A_11 = arith.constant 0 : i32
    %dma_start3A_12 = arith.constant 0 : i32
    %dma_start3A_13 = tpu.memref_slice %arg3[%arg0, %arg1, %dma_start3A, %dma_start3A_11, %dma_start3A_12] : memref<2x16x4x20x128xi32, #tpu.memory_space<hbm>> -> memref<1x1x1x20x128xi32, #tpu.memory_space<hbm>>
    %dma_start3A_14 = tpu.memref_squeeze %dma_start3A_13 : memref<1x1x1x20x128xi32, #tpu.memory_space<hbm>> -> memref<20x128xi32, #tpu.memory_space<hbm>>
    tpu.enqueue_dma source(%dma_start3A_14 : memref<20x128xi32, #tpu.memory_space<hbm>>) target(%arg8 : memref<20x128xi32, #tpu.memory_space<vmem>>) target_semaphore(%arg15 : memref<!tpu.dma_semaphore, #tpu.memory_space<semaphore_mem>>)
    %barrier3A = arith.constant 0 : index
    tpu.barrier barrier_id(%barrier3A)
    %dma_start3A_15 = arith.constant 0 : i32
    %dma_start3A_16 = arith.constant 0 : i32
    %dma_start3A_17 = tpu.memref_slice %arg7[%dma_start3A_15, %dma_start3A_16] : memref<20x128xi32, #tpu.memory_space<vmem>> -> memref<1x128xi32, #tpu.memory_space<vmem>>
    %dma_start3A_18 = tpu.memref_squeeze %dma_start3A_17 : memref<1x128xi32, #tpu.memory_space<vmem>> -> memref<128xi32, #tpu.memory_space<vmem>>
    %dma_start3A_19 = arith.constant 0 : i32
    %dma_start3A_20 = arith.constant 0 : i32
    %dma_start3A_21 = tpu.memref_slice %arg2[%dma_start3A_19, %dma_start3A_20] : memref<20000x128xf32, #tpu.memory_space<hbm>> -> memref<20000x128xf32, #tpu.memory_space<hbm>>
    tpu.enqueue_indirect_dma source(%dma_start3A_21 : memref<20000x128xf32, #tpu.memory_space<hbm>>) target(%arg10 : memref<128x128xf32, #tpu.memory_space<vmem>>) offsets(%dma_start3A_18 : memref<128xi32, #tpu.memory_space<vmem>>) semaphore(%arg12 : memref<!tpu.dma_semaphore, #tpu.memory_space<semaphore_mem>>)
    %scan3A = arith.constant 0 : i32
    %scan3A_22 = arith.constant 10 : i32
    %scan3A_23 = arith.addi %scan3A, %scan3A_22 : i32
    %scan3A_24 = arith.constant 1 : i32
    scf.for %scan3A_107 = %scan3A to %scan3A_23 step %scan3A_24  : i32 {
      %mul3A_108 = arith.constant 2 : i32
      %mul3A_109 = arith.muli %scan3A_107, %mul3A_108 : i32
      %add3A = arith.constant 0 : i32
      %add3A_110 = arith.addi %add3A, %mul3A_109 : i32
      %add3A_111 = arith.constant 1 : i32
      %add3A_112 = arith.addi %add3A_110, %add3A_111 : i32
      %dma_start3A_113 = arith.constant 0 : i32
      %dma_start3A_114 = tpu.memref_slice %arg7[%add3A_112, %dma_start3A_113] : memref<20x128xi32, #tpu.memory_space<vmem>> -> memref<1x128xi32, #tpu.memory_space<vmem>>
      %dma_start3A_115 = tpu.memref_squeeze %dma_start3A_114 : memref<1x128xi32, #tpu.memory_space<vmem>> -> memref<128xi32, #tpu.memory_space<vmem>>
      %dma_start3A_116 = arith.constant 0 : i32
      %dma_start3A_117 = arith.constant 0 : i32
      %dma_start3A_118 = tpu.memref_slice %arg2[%dma_start3A_116, %dma_start3A_117] : memref<20000x128xf32, #tpu.memory_space<hbm>> -> memref<20000x128xf32, #tpu.memory_space<hbm>>
      tpu.enqueue_indirect_dma source(%dma_start3A_118 : memref<20000x128xf32, #tpu.memory_space<hbm>>) target(%arg11 : memref<128x128xf32, #tpu.memory_space<vmem>>) offsets(%dma_start3A_115 : memref<128xi32, #tpu.memory_space<vmem>>) semaphore(%arg13 : memref<!tpu.dma_semaphore, #tpu.memory_space<semaphore_mem>>)
      %dma_wait3A_119 = arith.constant 0 : i32
      %dma_wait3A_120 = tpu.memref_slice %arg7[%add3A_110, %dma_wait3A_119] : memref<20x128xi32, #tpu.memory_space<vmem>> -> memref<1x128xi32, #tpu.memory_space<vmem>>
      %dma_wait3A_121 = tpu.memref_squeeze %dma_wait3A_120 : memref<1x128xi32, #tpu.memory_space<vmem>> -> memref<128xi32, #tpu.memory_space<vmem>>
      %dma_wait3A_122 = arith.constant 0 : i32
      %dma_wait3A_123 = arith.constant 0 : i32
      %dma_wait3A_124 = tpu.memref_slice %arg2[%dma_wait3A_122, %dma_wait3A_123] : memref<20000x128xf32, #tpu.memory_space<hbm>> -> memref<20000x128xf32, #tpu.memory_space<hbm>>
      tpu.wait_indirect_dma semaphore(%arg12 : memref<!tpu.dma_semaphore, #tpu.memory_space<semaphore_mem>>) src(%dma_wait3A_124 : memref<20000x128xf32, #tpu.memory_space<hbm>>) dst(%arg10 : memref<128x128xf32, #tpu.memory_space<vmem>>)
      %add3A_125 = arith.constant 0 : i32
      %add3A_126 = arith.addi %add3A_125, %add3A_110 : i32
      "tpu.region"() ({
        %run_scoped3A_146 = tpu.sem_alloc : memref<!tpu.dma_semaphore, #tpu.memory_space<semaphore_mem>>
        %dma_start3A_147 = arith.constant 0 : i32
        %dma_start3A_148 = tpu.memref_slice %arg9[%add3A_126, %dma_start3A_147] : memref<80x128xi32, #tpu.memory_space<vmem>> -> memref<1x128xi32, #tpu.memory_space<vmem>>
        %dma_start3A_149 = tpu.memref_squeeze %dma_start3A_148 : memref<1x128xi32, #tpu.memory_space<vmem>> -> memref<128xi32, #tpu.memory_space<vmem>>
        %dma_start3A_150 = arith.constant 0 : i32
        %dma_start3A_151 = arith.constant 0 : i32
        %dma_start3A_152 = tpu.memref_slice %arg6[%dma_start3A_150, %dma_start3A_151] : memref<10112x128xf32, #tpu.memory_space<vmem_shared>> -> memref<10112x128xf32, #tpu.memory_space<vmem_shared>>
        tpu.enqueue_indirect_dma source(%arg10 : memref<128x128xf32, #tpu.memory_space<vmem>>) target(%dma_start3A_152 : memref<10112x128xf32, #tpu.memory_space<vmem_shared>>) offsets(%dma_start3A_149 : memref<128xi32, #tpu.memory_space<vmem>>) semaphore(%run_scoped3A_146 : memref<!tpu.dma_semaphore, #tpu.memory_space<semaphore_mem>>) {add = true}
        %dma_wait3A_153 = arith.constant 0 : i32
        %dma_wait3A_154 = tpu.memref_slice %arg9[%add3A_126, %dma_wait3A_153] : memref<80x128xi32, #tpu.memory_space<vmem>> -> memref<1x128xi32, #tpu.memory_space<vmem>>
        %dma_wait3A_155 = tpu.memref_squeeze %dma_wait3A_154 : memref<1x128xi32, #tpu.memory_space<vmem>> -> memref<128xi32, #tpu.memory_space<vmem>>
        %dma_wait3A_156 = arith.constant 0 : i32
        %dma_wait3A_157 = arith.constant 0 : i32
        %dma_wait3A_158 = tpu.memref_slice %arg6[%dma_wait3A_156, %dma_wait3A_157] : memref<10112x128xf32, #tpu.memory_space<vmem_shared>> -> memref<10112x128xf32, #tpu.memory_space<vmem_shared>>
        tpu.wait_indirect_dma semaphore(%run_scoped3A_146 : memref<!tpu.dma_semaphore, #tpu.memory_space<semaphore_mem>>) src(%arg10 : memref<128x128xf32, #tpu.memory_space<vmem>>) dst(%dma_wait3A_158 : memref<10112x128xf32, #tpu.memory_space<vmem_shared>>)
        tpu.yield
      }) : () -> ()
      %add3A_127 = arith.constant 2 : i32
      %add3A_128 = arith.addi %add3A_110, %add3A_127 : i32
      %lt3A_129 = arith.constant 20 : i32
      %lt3A_130 = arith.cmpi slt, %add3A_128, %lt3A_129 : i32
      %convert_element_type3A_131 = arith.extui %lt3A_130 : i1 to i32
      %cond3A_132 = arith.constant 0 : i32
      %cond3A_133 = arith.cmpi ne, %convert_element_type3A_131, %cond3A_132 : i32
      scf.if %cond3A_133 {
        %add3A_146 = arith.constant 2 : i32
        %add3A_147 = arith.addi %add3A_110, %add3A_146 : i32
        %dma_start3A_148 = arith.constant 0 : i32
        %dma_start3A_149 = tpu.memref_slice %arg7[%add3A_147, %dma_start3A_148] : memref<20x128xi32, #tpu.memory_space<vmem>> -> memref<1x128xi32, #tpu.memory_space<vmem>>
        %dma_start3A_150 = tpu.memref_squeeze %dma_start3A_149 : memref<1x128xi32, #tpu.memory_space<vmem>> -> memref<128xi32, #tpu.memory_space<vmem>>
        %dma_start3A_151 = arith.constant 0 : i32
        %dma_start3A_152 = arith.constant 0 : i32
        %dma_start3A_153 = tpu.memref_slice %arg2[%dma_start3A_151, %dma_start3A_152] : memref<20000x128xf32, #tpu.memory_space<hbm>> -> memref<20000x128xf32, #tpu.memory_space<hbm>>
        tpu.enqueue_indirect_dma source(%dma_start3A_153 : memref<20000x128xf32, #tpu.memory_space<hbm>>) target(%arg10 : memref<128x128xf32, #tpu.memory_space<vmem>>) offsets(%dma_start3A_150 : memref<128xi32, #tpu.memory_space<vmem>>) semaphore(%arg12 : memref<!tpu.dma_semaphore, #tpu.memory_space<semaphore_mem>>)
      } else {
      }
      %add3A_134 = arith.constant 1 : i32
      %add3A_135 = arith.addi %add3A_110, %add3A_134 : i32
      %dma_wait3A_136 = arith.constant 0 : i32
      %dma_wait3A_137 = tpu.memref_slice %arg7[%add3A_135, %dma_wait3A_136] : memref<20x128xi32, #tpu.memory_space<vmem>> -> memref<1x128xi32, #tpu.memory_space<vmem>>
      %dma_wait3A_138 = tpu.memref_squeeze %dma_wait3A_137 : memref<1x128xi32, #tpu.memory_space<vmem>> -> memref<128xi32, #tpu.memory_space<vmem>>
      %dma_wait3A_139 = arith.constant 0 : i32
      %dma_wait3A_140 = arith.constant 0 : i32
      %dma_wait3A_141 = tpu.memref_slice %arg2[%dma_wait3A_139, %dma_wait3A_140] : memref<20000x128xf32, #tpu.memory_space<hbm>> -> memref<20000x128xf32, #tpu.memory_space<hbm>>
      tpu.wait_indirect_dma semaphore(%arg13 : memref<!tpu.dma_semaphore, #tpu.memory_space<semaphore_mem>>) src(%dma_wait3A_141 : memref<20000x128xf32, #tpu.memory_space<hbm>>) dst(%arg11 : memref<128x128xf32, #tpu.memory_space<vmem>>)
      %add3A_142 = arith.constant 0 : i32
      %add3A_143 = arith.addi %add3A_142, %add3A_110 : i32
      %add3A_144 = arith.constant 1 : i32
      %add3A_145 = arith.addi %add3A_143, %add3A_144 : i32
      "tpu.region"() ({
        %run_scoped3A_146 = tpu.sem_alloc : memref<!tpu.dma_semaphore, #tpu.memory_space<semaphore_mem>>
        %dma_start3A_147 = arith.constant 0 : i32
        %dma_start3A_148 = tpu.memref_slice %arg9[%add3A_145, %dma_start3A_147] : memref<80x128xi32, #tpu.memory_space<vmem>> -> memref<1x128xi32, #tpu.memory_space<vmem>>
        %dma_start3A_149 = tpu.memref_squeeze %dma_start3A_148 : memref<1x128xi32, #tpu.memory_space<vmem>> -> memref<128xi32, #tpu.memory_space<vmem>>
        %dma_start3A_150 = arith.constant 0 : i32
        %dma_start3A_151 = arith.constant 0 : i32
        %dma_start3A_152 = tpu.memref_slice %arg6[%dma_start3A_150, %dma_start3A_151] : memref<10112x128xf32, #tpu.memory_space<vmem_shared>> -> memref<10112x128xf32, #tpu.memory_space<vmem_shared>>
        tpu.enqueue_indirect_dma source(%arg11 : memref<128x128xf32, #tpu.memory_space<vmem>>) target(%dma_start3A_152 : memref<10112x128xf32, #tpu.memory_space<vmem_shared>>) offsets(%dma_start3A_149 : memref<128xi32, #tpu.memory_space<vmem>>) semaphore(%run_scoped3A_146 : memref<!tpu.dma_semaphore, #tpu.memory_space<semaphore_mem>>) {add = true}
        %dma_wait3A_153 = arith.constant 0 : i32
        %dma_wait3A_154 = tpu.memref_slice %arg9[%add3A_145, %dma_wait3A_153] : memref<80x128xi32, #tpu.memory_space<vmem>> -> memref<1x128xi32, #tpu.memory_space<vmem>>
        %dma_wait3A_155 = tpu.memref_squeeze %dma_wait3A_154 : memref<1x128xi32, #tpu.memory_space<vmem>> -> memref<128xi32, #tpu.memory_space<vmem>>
        %dma_wait3A_156 = arith.constant 0 : i32
        %dma_wait3A_157 = arith.constant 0 : i32
        %dma_wait3A_158 = tpu.memref_slice %arg6[%dma_wait3A_156, %dma_wait3A_157] : memref<10112x128xf32, #tpu.memory_space<vmem_shared>> -> memref<10112x128xf32, #tpu.memory_space<vmem_shared>>
        tpu.wait_indirect_dma semaphore(%run_scoped3A_146 : memref<!tpu.dma_semaphore, #tpu.memory_space<semaphore_mem>>) src(%arg11 : memref<128x128xf32, #tpu.memory_space<vmem>>) dst(%dma_wait3A_158 : memref<10112x128xf32, #tpu.memory_space<vmem_shared>>)
        tpu.yield
      }) : () -> ()
    }
    %scan3A_25 = arith.constant 10 : i32
    %dma_start3A_26 = arith.constant 2 : i32
    %dma_start3A_27 = arith.constant 0 : i32
    %dma_start3A_28 = arith.constant 0 : i32
    %dma_start3A_29 = tpu.memref_slice %arg3[%arg0, %arg1, %dma_start3A_26, %dma_start3A_27, %dma_start3A_28] : memref<2x16x4x20x128xi32, #tpu.memory_space<hbm>> -> memref<1x1x1x20x128xi32, #tpu.memory_space<hbm>>
    %dma_start3A_30 = tpu.memref_squeeze %dma_start3A_29 : memref<1x1x1x20x128xi32, #tpu.memory_space<hbm>> -> memref<20x128xi32, #tpu.memory_space<hbm>>
    %dma_start3A_31 = arith.constant 0 : i32
    %dma_start3A_32 = arith.constant 0 : i32
    %dma_start3A_33 = tpu.memref_slice %arg3[%arg0, %arg1, %dma_start3A_26, %dma_start3A_31, %dma_start3A_32] : memref<2x16x4x20x128xi32, #tpu.memory_space<hbm>> -> memref<1x1x1x20x128xi32, #tpu.memory_space<hbm>>
    %dma_start3A_34 = tpu.memref_squeeze %dma_start3A_33 : memref<1x1x1x20x128xi32, #tpu.memory_space<hbm>> -> memref<20x128xi32, #tpu.memory_space<hbm>>
    tpu.enqueue_dma source(%dma_start3A_34 : memref<20x128xi32, #tpu.memory_space<hbm>>) target(%arg7 : memref<20x128xi32, #tpu.memory_space<vmem>>) target_semaphore(%arg14 : memref<!tpu.dma_semaphore, #tpu.memory_space<semaphore_mem>>)
    %dma_wait3A = arith.constant 1 : i32
    %dma_wait3A_35 = arith.constant 0 : i32
    %dma_wait3A_36 = arith.constant 0 : i32
    %dma_wait3A_37 = tpu.memref_slice %arg3[%arg0, %arg1, %dma_wait3A, %dma_wait3A_35, %dma_wait3A_36] : memref<2x16x4x20x128xi32, #tpu.memory_space<hbm>> -> memref<1x1x1x20x128xi32, #tpu.memory_space<hbm>>
    %dma_wait3A_38 = tpu.memref_squeeze %dma_wait3A_37 : memref<1x1x1x20x128xi32, #tpu.memory_space<hbm>> -> memref<20x128xi32, #tpu.memory_space<hbm>>
    %dma_wait3A_39 = arith.constant 0 : i32
    %dma_wait3A_40 = arith.constant 0 : i32
    %dma_wait3A_41 = tpu.memref_slice %arg3[%arg0, %arg1, %dma_wait3A, %dma_wait3A_39, %dma_wait3A_40] : memref<2x16x4x20x128xi32, #tpu.memory_space<hbm>> -> memref<1x1x1x20x128xi32, #tpu.memory_space<hbm>>
    %dma_wait3A_42 = tpu.memref_squeeze %dma_wait3A_41 : memref<1x1x1x20x128xi32, #tpu.memory_space<hbm>> -> memref<20x128xi32, #tpu.memory_space<hbm>>
    tpu.wait_dma2 semaphore(%arg15 : memref<!tpu.dma_semaphore, #tpu.memory_space<semaphore_mem>>) src(%dma_wait3A_42 : memref<20x128xi32, #tpu.memory_space<hbm>>) dst(%arg8 : memref<20x128xi32, #tpu.memory_space<vmem>>)
    %dma_start3A_43 = arith.constant 0 : i32
    %dma_start3A_44 = arith.constant 0 : i32
    %dma_start3A_45 = tpu.memref_slice %arg8[%dma_start3A_43, %dma_start3A_44] : memref<20x128xi32, #tpu.memory_space<vmem>> -> memref<1x128xi32, #tpu.memory_space<vmem>>
    %dma_start3A_46 = tpu.memref_squeeze %dma_start3A_45 : memref<1x128xi32, #tpu.memory_space<vmem>> -> memref<128xi32, #tpu.memory_space<vmem>>
    %dma_start3A_47 = arith.constant 0 : i32
    %dma_start3A_48 = arith.constant 0 : i32
    %dma_start3A_49 = tpu.memref_slice %arg2[%dma_start3A_47, %dma_start3A_48] : memref<20000x128xf32, #tpu.memory_space<hbm>> -> memref<20000x128xf32, #tpu.memory_space<hbm>>
    tpu.enqueue_indirect_dma source(%dma_start3A_49 : memref<20000x128xf32, #tpu.memory_space<hbm>>) target(%arg10 : memref<128x128xf32, #tpu.memory_space<vmem>>) offsets(%dma_start3A_46 : memref<128xi32, #tpu.memory_space<vmem>>) semaphore(%arg12 : memref<!tpu.dma_semaphore, #tpu.memory_space<semaphore_mem>>)
    %scan3A_50 = arith.constant 0 : i32
    %scan3A_51 = arith.constant 10 : i32
    %scan3A_52 = arith.addi %scan3A_50, %scan3A_51 : i32
    %scan3A_53 = arith.constant 1 : i32
    scf.for %scan3A_107 = %scan3A_50 to %scan3A_52 step %scan3A_53  : i32 {
      %mul3A_108 = arith.constant 2 : i32
      %mul3A_109 = arith.muli %scan3A_107, %mul3A_108 : i32
      %add3A = arith.constant 0 : i32
      %add3A_110 = arith.addi %add3A, %mul3A_109 : i32
      %add3A_111 = arith.constant 1 : i32
      %add3A_112 = arith.addi %add3A_110, %add3A_111 : i32
      %dma_start3A_113 = arith.constant 0 : i32
      %dma_start3A_114 = tpu.memref_slice %arg8[%add3A_112, %dma_start3A_113] : memref<20x128xi32, #tpu.memory_space<vmem>> -> memref<1x128xi32, #tpu.memory_space<vmem>>
      %dma_start3A_115 = tpu.memref_squeeze %dma_start3A_114 : memref<1x128xi32, #tpu.memory_space<vmem>> -> memref<128xi32, #tpu.memory_space<vmem>>
      %dma_start3A_116 = arith.constant 0 : i32
      %dma_start3A_117 = arith.constant 0 : i32
      %dma_start3A_118 = tpu.memref_slice %arg2[%dma_start3A_116, %dma_start3A_117] : memref<20000x128xf32, #tpu.memory_space<hbm>> -> memref<20000x128xf32, #tpu.memory_space<hbm>>
      tpu.enqueue_indirect_dma source(%dma_start3A_118 : memref<20000x128xf32, #tpu.memory_space<hbm>>) target(%arg11 : memref<128x128xf32, #tpu.memory_space<vmem>>) offsets(%dma_start3A_115 : memref<128xi32, #tpu.memory_space<vmem>>) semaphore(%arg13 : memref<!tpu.dma_semaphore, #tpu.memory_space<semaphore_mem>>)
      %dma_wait3A_119 = arith.constant 0 : i32
      %dma_wait3A_120 = tpu.memref_slice %arg8[%add3A_110, %dma_wait3A_119] : memref<20x128xi32, #tpu.memory_space<vmem>> -> memref<1x128xi32, #tpu.memory_space<vmem>>
      %dma_wait3A_121 = tpu.memref_squeeze %dma_wait3A_120 : memref<1x128xi32, #tpu.memory_space<vmem>> -> memref<128xi32, #tpu.memory_space<vmem>>
      %dma_wait3A_122 = arith.constant 0 : i32
      %dma_wait3A_123 = arith.constant 0 : i32
      %dma_wait3A_124 = tpu.memref_slice %arg2[%dma_wait3A_122, %dma_wait3A_123] : memref<20000x128xf32, #tpu.memory_space<hbm>> -> memref<20000x128xf32, #tpu.memory_space<hbm>>
      tpu.wait_indirect_dma semaphore(%arg12 : memref<!tpu.dma_semaphore, #tpu.memory_space<semaphore_mem>>) src(%dma_wait3A_124 : memref<20000x128xf32, #tpu.memory_space<hbm>>) dst(%arg10 : memref<128x128xf32, #tpu.memory_space<vmem>>)
      %add3A_125 = arith.constant 20 : i32
      %add3A_126 = arith.addi %add3A_125, %add3A_110 : i32
      "tpu.region"() ({
        %run_scoped3A_146 = tpu.sem_alloc : memref<!tpu.dma_semaphore, #tpu.memory_space<semaphore_mem>>
        %dma_start3A_147 = arith.constant 0 : i32
        %dma_start3A_148 = tpu.memref_slice %arg9[%add3A_126, %dma_start3A_147] : memref<80x128xi32, #tpu.memory_space<vmem>> -> memref<1x128xi32, #tpu.memory_space<vmem>>
        %dma_start3A_149 = tpu.memref_squeeze %dma_start3A_148 : memref<1x128xi32, #tpu.memory_space<vmem>> -> memref<128xi32, #tpu.memory_space<vmem>>
        %dma_start3A_150 = arith.constant 0 : i32
        %dma_start3A_151 = arith.constant 0 : i32
        %dma_start3A_152 = tpu.memref_slice %arg6[%dma_start3A_150, %dma_start3A_151] : memref<10112x128xf32, #tpu.memory_space<vmem_shared>> -> memref<10112x128xf32, #tpu.memory_space<vmem_shared>>
        tpu.enqueue_indirect_dma source(%arg10 : memref<128x128xf32, #tpu.memory_space<vmem>>) target(%dma_start3A_152 : memref<10112x128xf32, #tpu.memory_space<vmem_shared>>) offsets(%dma_start3A_149 : memref<128xi32, #tpu.memory_space<vmem>>) semaphore(%run_scoped3A_146 : memref<!tpu.dma_semaphore, #tpu.memory_space<semaphore_mem>>) {add = true}
        %dma_wait3A_153 = arith.constant 0 : i32
        %dma_wait3A_154 = tpu.memref_slice %arg9[%add3A_126, %dma_wait3A_153] : memref<80x128xi32, #tpu.memory_space<vmem>> -> memref<1x128xi32, #tpu.memory_space<vmem>>
        %dma_wait3A_155 = tpu.memref_squeeze %dma_wait3A_154 : memref<1x128xi32, #tpu.memory_space<vmem>> -> memref<128xi32, #tpu.memory_space<vmem>>
        %dma_wait3A_156 = arith.constant 0 : i32
        %dma_wait3A_157 = arith.constant 0 : i32
        %dma_wait3A_158 = tpu.memref_slice %arg6[%dma_wait3A_156, %dma_wait3A_157] : memref<10112x128xf32, #tpu.memory_space<vmem_shared>> -> memref<10112x128xf32, #tpu.memory_space<vmem_shared>>
        tpu.wait_indirect_dma semaphore(%run_scoped3A_146 : memref<!tpu.dma_semaphore, #tpu.memory_space<semaphore_mem>>) src(%arg10 : memref<128x128xf32, #tpu.memory_space<vmem>>) dst(%dma_wait3A_158 : memref<10112x128xf32, #tpu.memory_space<vmem_shared>>)
        tpu.yield
      }) : () -> ()
      %add3A_127 = arith.constant 2 : i32
      %add3A_128 = arith.addi %add3A_110, %add3A_127 : i32
      %lt3A_129 = arith.constant 20 : i32
      %lt3A_130 = arith.cmpi slt, %add3A_128, %lt3A_129 : i32
      %convert_element_type3A_131 = arith.extui %lt3A_130 : i1 to i32
      %cond3A_132 = arith.constant 0 : i32
      %cond3A_133 = arith.cmpi ne, %convert_element_type3A_131, %cond3A_132 : i32
      scf.if %cond3A_133 {
        %add3A_146 = arith.constant 2 : i32
        %add3A_147 = arith.addi %add3A_110, %add3A_146 : i32
        %dma_start3A_148 = arith.constant 0 : i32
        %dma_start3A_149 = tpu.memref_slice %arg8[%add3A_147, %dma_start3A_148] : memref<20x128xi32, #tpu.memory_space<vmem>> -> memref<1x128xi32, #tpu.memory_space<vmem>>
        %dma_start3A_150 = tpu.memref_squeeze %dma_start3A_149 : memref<1x128xi32, #tpu.memory_space<vmem>> -> memref<128xi32, #tpu.memory_space<vmem>>
        %dma_start3A_151 = arith.constant 0 : i32
        %dma_start3A_152 = arith.constant 0 : i32
        %dma_start3A_153 = tpu.memref_slice %arg2[%dma_start3A_151, %dma_start3A_152] : memref<20000x128xf32, #tpu.memory_space<hbm>> -> memref<20000x128xf32, #tpu.memory_space<hbm>>
        tpu.enqueue_indirect_dma source(%dma_start3A_153 : memref<20000x128xf32, #tpu.memory_space<hbm>>) target(%arg10 : memref<128x128xf32, #tpu.memory_space<vmem>>) offsets(%dma_start3A_150 : memref<128xi32, #tpu.memory_space<vmem>>) semaphore(%arg12 : memref<!tpu.dma_semaphore, #tpu.memory_space<semaphore_mem>>)
      } else {
      }
      %add3A_134 = arith.constant 1 : i32
      %add3A_135 = arith.addi %add3A_110, %add3A_134 : i32
      %dma_wait3A_136 = arith.constant 0 : i32
      %dma_wait3A_137 = tpu.memref_slice %arg8[%add3A_135, %dma_wait3A_136] : memref<20x128xi32, #tpu.memory_space<vmem>> -> memref<1x128xi32, #tpu.memory_space<vmem>>
      %dma_wait3A_138 = tpu.memref_squeeze %dma_wait3A_137 : memref<1x128xi32, #tpu.memory_space<vmem>> -> memref<128xi32, #tpu.memory_space<vmem>>
      %dma_wait3A_139 = arith.constant 0 : i32
      %dma_wait3A_140 = arith.constant 0 : i32
      %dma_wait3A_141 = tpu.memref_slice %arg2[%dma_wait3A_139, %dma_wait3A_140] : memref<20000x128xf32, #tpu.memory_space<hbm>> -> memref<20000x128xf32, #tpu.memory_space<hbm>>
      tpu.wait_indirect_dma semaphore(%arg13 : memref<!tpu.dma_semaphore, #tpu.memory_space<semaphore_mem>>) src(%dma_wait3A_141 : memref<20000x128xf32, #tpu.memory_space<hbm>>) dst(%arg11 : memref<128x128xf32, #tpu.memory_space<vmem>>)
      %add3A_142 = arith.constant 20 : i32
      %add3A_143 = arith.addi %add3A_142, %add3A_110 : i32
      %add3A_144 = arith.constant 1 : i32
      %add3A_145 = arith.addi %add3A_143, %add3A_144 : i32
      "tpu.region"() ({
        %run_scoped3A_146 = tpu.sem_alloc : memref<!tpu.dma_semaphore, #tpu.memory_space<semaphore_mem>>
        %dma_start3A_147 = arith.constant 0 : i32
        %dma_start3A_148 = tpu.memref_slice %arg9[%add3A_145, %dma_start3A_147] : memref<80x128xi32, #tpu.memory_space<vmem>> -> memref<1x128xi32, #tpu.memory_space<vmem>>
        %dma_start3A_149 = tpu.memref_squeeze %dma_start3A_148 : memref<1x128xi32, #tpu.memory_space<vmem>> -> memref<128xi32, #tpu.memory_space<vmem>>
        %dma_start3A_150 = arith.constant 0 : i32
        %dma_start3A_151 = arith.constant 0 : i32
        %dma_start3A_152 = tpu.memref_slice %arg6[%dma_start3A_150, %dma_start3A_151] : memref<10112x128xf32, #tpu.memory_space<vmem_shared>> -> memref<10112x128xf32, #tpu.memory_space<vmem_shared>>
        tpu.enqueue_indirect_dma source(%arg11 : memref<128x128xf32, #tpu.memory_space<vmem>>) target(%dma_start3A_152 : memref<10112x128xf32, #tpu.memory_space<vmem_shared>>) offsets(%dma_start3A_149 : memref<128xi32, #tpu.memory_space<vmem>>) semaphore(%run_scoped3A_146 : memref<!tpu.dma_semaphore, #tpu.memory_space<semaphore_mem>>) {add = true}
        %dma_wait3A_153 = arith.constant 0 : i32
        %dma_wait3A_154 = tpu.memref_slice %arg9[%add3A_145, %dma_wait3A_153] : memref<80x128xi32, #tpu.memory_space<vmem>> -> memref<1x128xi32, #tpu.memory_space<vmem>>
        %dma_wait3A_155 = tpu.memref_squeeze %dma_wait3A_154 : memref<1x128xi32, #tpu.memory_space<vmem>> -> memref<128xi32, #tpu.memory_space<vmem>>
        %dma_wait3A_156 = arith.constant 0 : i32
        %dma_wait3A_157 = arith.constant 0 : i32
        %dma_wait3A_158 = tpu.memref_slice %arg6[%dma_wait3A_156, %dma_wait3A_157] : memref<10112x128xf32, #tpu.memory_space<vmem_shared>> -> memref<10112x128xf32, #tpu.memory_space<vmem_shared>>
        tpu.wait_indirect_dma semaphore(%run_scoped3A_146 : memref<!tpu.dma_semaphore, #tpu.memory_space<semaphore_mem>>) src(%arg11 : memref<128x128xf32, #tpu.memory_space<vmem>>) dst(%dma_wait3A_158 : memref<10112x128xf32, #tpu.memory_space<vmem_shared>>)
        tpu.yield
      }) : () -> ()
    }
    %scan3A_54 = arith.constant 10 : i32
    %dma_start3A_55 = arith.constant 3 : i32
    %dma_start3A_56 = arith.constant 0 : i32
    %dma_start3A_57 = arith.constant 0 : i32
    %dma_start3A_58 = tpu.memref_slice %arg3[%arg0, %arg1, %dma_start3A_55, %dma_start3A_56, %dma_start3A_57] : memref<2x16x4x20x128xi32, #tpu.memory_space<hbm>> -> memref<1x1x1x20x128xi32, #tpu.memory_space<hbm>>
    %dma_start3A_59 = tpu.memref_squeeze %dma_start3A_58 : memref<1x1x1x20x128xi32, #tpu.memory_space<hbm>> -> memref<20x128xi32, #tpu.memory_space<hbm>>
    %dma_start3A_60 = arith.constant 0 : i32
    %dma_start3A_61 = arith.constant 0 : i32
    %dma_start3A_62 = tpu.memref_slice %arg3[%arg0, %arg1, %dma_start3A_55, %dma_start3A_60, %dma_start3A_61] : memref<2x16x4x20x128xi32, #tpu.memory_space<hbm>> -> memref<1x1x1x20x128xi32, #tpu.memory_space<hbm>>
    %dma_start3A_63 = tpu.memref_squeeze %dma_start3A_62 : memref<1x1x1x20x128xi32, #tpu.memory_space<hbm>> -> memref<20x128xi32, #tpu.memory_space<hbm>>
    tpu.enqueue_dma source(%dma_start3A_63 : memref<20x128xi32, #tpu.memory_space<hbm>>) target(%arg8 : memref<20x128xi32, #tpu.memory_space<vmem>>) target_semaphore(%arg15 : memref<!tpu.dma_semaphore, #tpu.memory_space<semaphore_mem>>)
    %dma_wait3A_64 = arith.constant 2 : i32
    %dma_wait3A_65 = arith.constant 0 : i32
    %dma_wait3A_66 = arith.constant 0 : i32
    %dma_wait3A_67 = tpu.memref_slice %arg3[%arg0, %arg1, %dma_wait3A_64, %dma_wait3A_65, %dma_wait3A_66] : memref<2x16x4x20x128xi32, #tpu.memory_space<hbm>> -> memref<1x1x1x20x128xi32, #tpu.memory_space<hbm>>
    %dma_wait3A_68 = tpu.memref_squeeze %dma_wait3A_67 : memref<1x1x1x20x128xi32, #tpu.memory_space<hbm>> -> memref<20x128xi32, #tpu.memory_space<hbm>>
    %dma_wait3A_69 = arith.constant 0 : i32
    %dma_wait3A_70 = arith.constant 0 : i32
    %dma_wait3A_71 = tpu.memref_slice %arg3[%arg0, %arg1, %dma_wait3A_64, %dma_wait3A_69, %dma_wait3A_70] : memref<2x16x4x20x128xi32, #tpu.memory_space<hbm>> -> memref<1x1x1x20x128xi32, #tpu.memory_space<hbm>>
    %dma_wait3A_72 = tpu.memref_squeeze %dma_wait3A_71 : memref<1x1x1x20x128xi32, #tpu.memory_space<hbm>> -> memref<20x128xi32, #tpu.memory_space<hbm>>
    tpu.wait_dma2 semaphore(%arg14 : memref<!tpu.dma_semaphore, #tpu.memory_space<semaphore_mem>>) src(%dma_wait3A_72 : memref<20x128xi32, #tpu.memory_space<hbm>>) dst(%arg7 : memref<20x128xi32, #tpu.memory_space<vmem>>)
    %dma_start3A_73 = arith.constant 0 : i32
    %dma_start3A_74 = arith.constant 0 : i32
    %dma_start3A_75 = tpu.memref_slice %arg7[%dma_start3A_73, %dma_start3A_74] : memref<20x128xi32, #tpu.memory_space<vmem>> -> memref<1x128xi32, #tpu.memory_space<vmem>>
    %dma_start3A_76 = tpu.memref_squeeze %dma_start3A_75 : memref<1x128xi32, #tpu.memory_space<vmem>> -> memref<128xi32, #tpu.memory_space<vmem>>
    %dma_start3A_77 = arith.constant 0 : i32
    %dma_start3A_78 = arith.constant 0 : i32
    %dma_start3A_79 = tpu.memref_slice %arg2[%dma_start3A_77, %dma_start3A_78] : memref<20000x128xf32, #tpu.memory_space<hbm>> -> memref<20000x128xf32, #tpu.memory_space<hbm>>
    tpu.enqueue_indirect_dma source(%dma_start3A_79 : memref<20000x128xf32, #tpu.memory_space<hbm>>) target(%arg10 : memref<128x128xf32, #tpu.memory_space<vmem>>) offsets(%dma_start3A_76 : memref<128xi32, #tpu.memory_space<vmem>>) semaphore(%arg12 : memref<!tpu.dma_semaphore, #tpu.memory_space<semaphore_mem>>)
    %scan3A_80 = arith.constant 0 : i32
    %scan3A_81 = arith.constant 10 : i32
    %scan3A_82 = arith.addi %scan3A_80, %scan3A_81 : i32
    %scan3A_83 = arith.constant 1 : i32
    scf.for %scan3A_107 = %scan3A_80 to %scan3A_82 step %scan3A_83  : i32 {
      %mul3A_108 = arith.constant 2 : i32
      %mul3A_109 = arith.muli %scan3A_107, %mul3A_108 : i32
      %add3A = arith.constant 0 : i32
      %add3A_110 = arith.addi %add3A, %mul3A_109 : i32
      %add3A_111 = arith.constant 1 : i32
      %add3A_112 = arith.addi %add3A_110, %add3A_111 : i32
      %dma_start3A_113 = arith.constant 0 : i32
      %dma_start3A_114 = tpu.memref_slice %arg7[%add3A_112, %dma_start3A_113] : memref<20x128xi32, #tpu.memory_space<vmem>> -> memref<1x128xi32, #tpu.memory_space<vmem>>
      %dma_start3A_115 = tpu.memref_squeeze %dma_start3A_114 : memref<1x128xi32, #tpu.memory_space<vmem>> -> memref<128xi32, #tpu.memory_space<vmem>>
      %dma_start3A_116 = arith.constant 0 : i32
      %dma_start3A_117 = arith.constant 0 : i32
      %dma_start3A_118 = tpu.memref_slice %arg2[%dma_start3A_116, %dma_start3A_117] : memref<20000x128xf32, #tpu.memory_space<hbm>> -> memref<20000x128xf32, #tpu.memory_space<hbm>>
      tpu.enqueue_indirect_dma source(%dma_start3A_118 : memref<20000x128xf32, #tpu.memory_space<hbm>>) target(%arg11 : memref<128x128xf32, #tpu.memory_space<vmem>>) offsets(%dma_start3A_115 : memref<128xi32, #tpu.memory_space<vmem>>) semaphore(%arg13 : memref<!tpu.dma_semaphore, #tpu.memory_space<semaphore_mem>>)
      %dma_wait3A_119 = arith.constant 0 : i32
      %dma_wait3A_120 = tpu.memref_slice %arg7[%add3A_110, %dma_wait3A_119] : memref<20x128xi32, #tpu.memory_space<vmem>> -> memref<1x128xi32, #tpu.memory_space<vmem>>
      %dma_wait3A_121 = tpu.memref_squeeze %dma_wait3A_120 : memref<1x128xi32, #tpu.memory_space<vmem>> -> memref<128xi32, #tpu.memory_space<vmem>>
      %dma_wait3A_122 = arith.constant 0 : i32
      %dma_wait3A_123 = arith.constant 0 : i32
      %dma_wait3A_124 = tpu.memref_slice %arg2[%dma_wait3A_122, %dma_wait3A_123] : memref<20000x128xf32, #tpu.memory_space<hbm>> -> memref<20000x128xf32, #tpu.memory_space<hbm>>
      tpu.wait_indirect_dma semaphore(%arg12 : memref<!tpu.dma_semaphore, #tpu.memory_space<semaphore_mem>>) src(%dma_wait3A_124 : memref<20000x128xf32, #tpu.memory_space<hbm>>) dst(%arg10 : memref<128x128xf32, #tpu.memory_space<vmem>>)
      %add3A_125 = arith.constant 40 : i32
      %add3A_126 = arith.addi %add3A_125, %add3A_110 : i32
      "tpu.region"() ({
        %run_scoped3A_146 = tpu.sem_alloc : memref<!tpu.dma_semaphore, #tpu.memory_space<semaphore_mem>>
        %dma_start3A_147 = arith.constant 0 : i32
        %dma_start3A_148 = tpu.memref_slice %arg9[%add3A_126, %dma_start3A_147] : memref<80x128xi32, #tpu.memory_space<vmem>> -> memref<1x128xi32, #tpu.memory_space<vmem>>
        %dma_start3A_149 = tpu.memref_squeeze %dma_start3A_148 : memref<1x128xi32, #tpu.memory_space<vmem>> -> memref<128xi32, #tpu.memory_space<vmem>>
        %dma_start3A_150 = arith.constant 0 : i32
        %dma_start3A_151 = arith.constant 0 : i32
        %dma_start3A_152 = tpu.memref_slice %arg6[%dma_start3A_150, %dma_start3A_151] : memref<10112x128xf32, #tpu.memory_space<vmem_shared>> -> memref<10112x128xf32, #tpu.memory_space<vmem_shared>>
        tpu.enqueue_indirect_dma source(%arg10 : memref<128x128xf32, #tpu.memory_space<vmem>>) target(%dma_start3A_152 : memref<10112x128xf32, #tpu.memory_space<vmem_shared>>) offsets(%dma_start3A_149 : memref<128xi32, #tpu.memory_space<vmem>>) semaphore(%run_scoped3A_146 : memref<!tpu.dma_semaphore, #tpu.memory_space<semaphore_mem>>) {add = true}
        %dma_wait3A_153 = arith.constant 0 : i32
        %dma_wait3A_154 = tpu.memref_slice %arg9[%add3A_126, %dma_wait3A_153] : memref<80x128xi32, #tpu.memory_space<vmem>> -> memref<1x128xi32, #tpu.memory_space<vmem>>
        %dma_wait3A_155 = tpu.memref_squeeze %dma_wait3A_154 : memref<1x128xi32, #tpu.memory_space<vmem>> -> memref<128xi32, #tpu.memory_space<vmem>>
        %dma_wait3A_156 = arith.constant 0 : i32
        %dma_wait3A_157 = arith.constant 0 : i32
        %dma_wait3A_158 = tpu.memref_slice %arg6[%dma_wait3A_156, %dma_wait3A_157] : memref<10112x128xf32, #tpu.memory_space<vmem_shared>> -> memref<10112x128xf32, #tpu.memory_space<vmem_shared>>
        tpu.wait_indirect_dma semaphore(%run_scoped3A_146 : memref<!tpu.dma_semaphore, #tpu.memory_space<semaphore_mem>>) src(%arg10 : memref<128x128xf32, #tpu.memory_space<vmem>>) dst(%dma_wait3A_158 : memref<10112x128xf32, #tpu.memory_space<vmem_shared>>)
        tpu.yield
      }) : () -> ()
      %add3A_127 = arith.constant 2 : i32
      %add3A_128 = arith.addi %add3A_110, %add3A_127 : i32
      %lt3A_129 = arith.constant 20 : i32
      %lt3A_130 = arith.cmpi slt, %add3A_128, %lt3A_129 : i32
      %convert_element_type3A_131 = arith.extui %lt3A_130 : i1 to i32
      %cond3A_132 = arith.constant 0 : i32
      %cond3A_133 = arith.cmpi ne, %convert_element_type3A_131, %cond3A_132 : i32
      scf.if %cond3A_133 {
        %add3A_146 = arith.constant 2 : i32
        %add3A_147 = arith.addi %add3A_110, %add3A_146 : i32
        %dma_start3A_148 = arith.constant 0 : i32
        %dma_start3A_149 = tpu.memref_slice %arg7[%add3A_147, %dma_start3A_148] : memref<20x128xi32, #tpu.memory_space<vmem>> -> memref<1x128xi32, #tpu.memory_space<vmem>>
        %dma_start3A_150 = tpu.memref_squeeze %dma_start3A_149 : memref<1x128xi32, #tpu.memory_space<vmem>> -> memref<128xi32, #tpu.memory_space<vmem>>
        %dma_start3A_151 = arith.constant 0 : i32
        %dma_start3A_152 = arith.constant 0 : i32
        %dma_start3A_153 = tpu.memref_slice %arg2[%dma_start3A_151, %dma_start3A_152] : memref<20000x128xf32, #tpu.memory_space<hbm>> -> memref<20000x128xf32, #tpu.memory_space<hbm>>
        tpu.enqueue_indirect_dma source(%dma_start3A_153 : memref<20000x128xf32, #tpu.memory_space<hbm>>) target(%arg10 : memref<128x128xf32, #tpu.memory_space<vmem>>) offsets(%dma_start3A_150 : memref<128xi32, #tpu.memory_space<vmem>>) semaphore(%arg12 : memref<!tpu.dma_semaphore, #tpu.memory_space<semaphore_mem>>)
      } else {
      }
      %add3A_134 = arith.constant 1 : i32
      %add3A_135 = arith.addi %add3A_110, %add3A_134 : i32
      %dma_wait3A_136 = arith.constant 0 : i32
      %dma_wait3A_137 = tpu.memref_slice %arg7[%add3A_135, %dma_wait3A_136] : memref<20x128xi32, #tpu.memory_space<vmem>> -> memref<1x128xi32, #tpu.memory_space<vmem>>
      %dma_wait3A_138 = tpu.memref_squeeze %dma_wait3A_137 : memref<1x128xi32, #tpu.memory_space<vmem>> -> memref<128xi32, #tpu.memory_space<vmem>>
      %dma_wait3A_139 = arith.constant 0 : i32
      %dma_wait3A_140 = arith.constant 0 : i32
      %dma_wait3A_141 = tpu.memref_slice %arg2[%dma_wait3A_139, %dma_wait3A_140] : memref<20000x128xf32, #tpu.memory_space<hbm>> -> memref<20000x128xf32, #tpu.memory_space<hbm>>
      tpu.wait_indirect_dma semaphore(%arg13 : memref<!tpu.dma_semaphore, #tpu.memory_space<semaphore_mem>>) src(%dma_wait3A_141 : memref<20000x128xf32, #tpu.memory_space<hbm>>) dst(%arg11 : memref<128x128xf32, #tpu.memory_space<vmem>>)
      %add3A_142 = arith.constant 40 : i32
      %add3A_143 = arith.addi %add3A_142, %add3A_110 : i32
      %add3A_144 = arith.constant 1 : i32
      %add3A_145 = arith.addi %add3A_143, %add3A_144 : i32
      "tpu.region"() ({
        %run_scoped3A_146 = tpu.sem_alloc : memref<!tpu.dma_semaphore, #tpu.memory_space<semaphore_mem>>
        %dma_start3A_147 = arith.constant 0 : i32
        %dma_start3A_148 = tpu.memref_slice %arg9[%add3A_145, %dma_start3A_147] : memref<80x128xi32, #tpu.memory_space<vmem>> -> memref<1x128xi32, #tpu.memory_space<vmem>>
        %dma_start3A_149 = tpu.memref_squeeze %dma_start3A_148 : memref<1x128xi32, #tpu.memory_space<vmem>> -> memref<128xi32, #tpu.memory_space<vmem>>
        %dma_start3A_150 = arith.constant 0 : i32
        %dma_start3A_151 = arith.constant 0 : i32
        %dma_start3A_152 = tpu.memref_slice %arg6[%dma_start3A_150, %dma_start3A_151] : memref<10112x128xf32, #tpu.memory_space<vmem_shared>> -> memref<10112x128xf32, #tpu.memory_space<vmem_shared>>
        tpu.enqueue_indirect_dma source(%arg11 : memref<128x128xf32, #tpu.memory_space<vmem>>) target(%dma_start3A_152 : memref<10112x128xf32, #tpu.memory_space<vmem_shared>>) offsets(%dma_start3A_149 : memref<128xi32, #tpu.memory_space<vmem>>) semaphore(%run_scoped3A_146 : memref<!tpu.dma_semaphore, #tpu.memory_space<semaphore_mem>>) {add = true}
        %dma_wait3A_153 = arith.constant 0 : i32
        %dma_wait3A_154 = tpu.memref_slice %arg9[%add3A_145, %dma_wait3A_153] : memref<80x128xi32, #tpu.memory_space<vmem>> -> memref<1x128xi32, #tpu.memory_space<vmem>>
        %dma_wait3A_155 = tpu.memref_squeeze %dma_wait3A_154 : memref<1x128xi32, #tpu.memory_space<vmem>> -> memref<128xi32, #tpu.memory_space<vmem>>
        %dma_wait3A_156 = arith.constant 0 : i32
        %dma_wait3A_157 = arith.constant 0 : i32
        %dma_wait3A_158 = tpu.memref_slice %arg6[%dma_wait3A_156, %dma_wait3A_157] : memref<10112x128xf32, #tpu.memory_space<vmem_shared>> -> memref<10112x128xf32, #tpu.memory_space<vmem_shared>>
        tpu.wait_indirect_dma semaphore(%run_scoped3A_146 : memref<!tpu.dma_semaphore, #tpu.memory_space<semaphore_mem>>) src(%arg11 : memref<128x128xf32, #tpu.memory_space<vmem>>) dst(%dma_wait3A_158 : memref<10112x128xf32, #tpu.memory_space<vmem_shared>>)
        tpu.yield
      }) : () -> ()
    }
    %scan3A_84 = arith.constant 10 : i32
    %dma_wait3A_85 = arith.constant 3 : i32
    %dma_wait3A_86 = arith.constant 0 : i32
    %dma_wait3A_87 = arith.constant 0 : i32
    %dma_wait3A_88 = tpu.memref_slice %arg3[%arg0, %arg1, %dma_wait3A_85, %dma_wait3A_86, %dma_wait3A_87] : memref<2x16x4x20x128xi32, #tpu.memory_space<hbm>> -> memref<1x1x1x20x128xi32, #tpu.memory_space<hbm>>
    %dma_wait3A_89 = tpu.memref_squeeze %dma_wait3A_88 : memref<1x1x1x20x128xi32, #tpu.memory_space<hbm>> -> memref<20x128xi32, #tpu.memory_space<hbm>>
    %dma_wait3A_90 = arith.constant 0 : i32
    %dma_wait3A_91 = arith.constant 0 : i32
    %dma_wait3A_92 = tpu.memref_slice %arg3[%arg0, %arg1, %dma_wait3A_85, %dma_wait3A_90, %dma_wait3A_91] : memref<2x16x4x20x128xi32, #tpu.memory_space<hbm>> -> memref<1x1x1x20x128xi32, #tpu.memory_space<hbm>>
    %dma_wait3A_93 = tpu.memref_squeeze %dma_wait3A_92 : memref<1x1x1x20x128xi32, #tpu.memory_space<hbm>> -> memref<20x128xi32, #tpu.memory_space<hbm>>
    tpu.wait_dma2 semaphore(%arg15 : memref<!tpu.dma_semaphore, #tpu.memory_space<semaphore_mem>>) src(%dma_wait3A_93 : memref<20x128xi32, #tpu.memory_space<hbm>>) dst(%arg8 : memref<20x128xi32, #tpu.memory_space<vmem>>)
    %dma_start3A_94 = arith.constant 0 : i32
    %dma_start3A_95 = arith.constant 0 : i32
    %dma_start3A_96 = tpu.memref_slice %arg8[%dma_start3A_94, %dma_start3A_95] : memref<20x128xi32, #tpu.memory_space<vmem>> -> memref<1x128xi32, #tpu.memory_space<vmem>>
    %dma_start3A_97 = tpu.memref_squeeze %dma_start3A_96 : memref<1x128xi32, #tpu.memory_space<vmem>> -> memref<128xi32, #tpu.memory_space<vmem>>
    %dma_start3A_98 = arith.constant 0 : i32
    %dma_start3A_99 = arith.constant 0 : i32
    %dma_start3A_100 = tpu.memref_slice %arg2[%dma_start3A_98, %dma_start3A_99] : memref<20000x128xf32, #tpu.memory_space<hbm>> -> memref<20000x128xf32, #tpu.memory_space<hbm>>
    tpu.enqueue_indirect_dma source(%dma_start3A_100 : memref<20000x128xf32, #tpu.memory_space<hbm>>) target(%arg10 : memref<128x128xf32, #tpu.memory_space<vmem>>) offsets(%dma_start3A_97 : memref<128xi32, #tpu.memory_space<vmem>>) semaphore(%arg12 : memref<!tpu.dma_semaphore, #tpu.memory_space<semaphore_mem>>)
    %scan3A_101 = arith.constant 0 : i32
    %scan3A_102 = arith.constant 10 : i32
    %scan3A_103 = arith.addi %scan3A_101, %scan3A_102 : i32
    %scan3A_104 = arith.constant 1 : i32
    scf.for %scan3A_107 = %scan3A_101 to %scan3A_103 step %scan3A_104  : i32 {
      %mul3A_108 = arith.constant 2 : i32
      %mul3A_109 = arith.muli %scan3A_107, %mul3A_108 : i32
      %add3A = arith.constant 0 : i32
      %add3A_110 = arith.addi %add3A, %mul3A_109 : i32
      %add3A_111 = arith.constant 1 : i32
      %add3A_112 = arith.addi %add3A_110, %add3A_111 : i32
      %dma_start3A_113 = arith.constant 0 : i32
      %dma_start3A_114 = tpu.memref_slice %arg8[%add3A_112, %dma_start3A_113] : memref<20x128xi32, #tpu.memory_space<vmem>> -> memref<1x128xi32, #tpu.memory_space<vmem>>
      %dma_start3A_115 = tpu.memref_squeeze %dma_start3A_114 : memref<1x128xi32, #tpu.memory_space<vmem>> -> memref<128xi32, #tpu.memory_space<vmem>>
      %dma_start3A_116 = arith.constant 0 : i32
      %dma_start3A_117 = arith.constant 0 : i32
      %dma_start3A_118 = tpu.memref_slice %arg2[%dma_start3A_116, %dma_start3A_117] : memref<20000x128xf32, #tpu.memory_space<hbm>> -> memref<20000x128xf32, #tpu.memory_space<hbm>>
      tpu.enqueue_indirect_dma source(%dma_start3A_118 : memref<20000x128xf32, #tpu.memory_space<hbm>>) target(%arg11 : memref<128x128xf32, #tpu.memory_space<vmem>>) offsets(%dma_start3A_115 : memref<128xi32, #tpu.memory_space<vmem>>) semaphore(%arg13 : memref<!tpu.dma_semaphore, #tpu.memory_space<semaphore_mem>>)
      %dma_wait3A_119 = arith.constant 0 : i32
      %dma_wait3A_120 = tpu.memref_slice %arg8[%add3A_110, %dma_wait3A_119] : memref<20x128xi32, #tpu.memory_space<vmem>> -> memref<1x128xi32, #tpu.memory_space<vmem>>
      %dma_wait3A_121 = tpu.memref_squeeze %dma_wait3A_120 : memref<1x128xi32, #tpu.memory_space<vmem>> -> memref<128xi32, #tpu.memory_space<vmem>>
      %dma_wait3A_122 = arith.constant 0 : i32
      %dma_wait3A_123 = arith.constant 0 : i32
      %dma_wait3A_124 = tpu.memref_slice %arg2[%dma_wait3A_122, %dma_wait3A_123] : memref<20000x128xf32, #tpu.memory_space<hbm>> -> memref<20000x128xf32, #tpu.memory_space<hbm>>
      tpu.wait_indirect_dma semaphore(%arg12 : memref<!tpu.dma_semaphore, #tpu.memory_space<semaphore_mem>>) src(%dma_wait3A_124 : memref<20000x128xf32, #tpu.memory_space<hbm>>) dst(%arg10 : memref<128x128xf32, #tpu.memory_space<vmem>>)
      %add3A_125 = arith.constant 60 : i32
      %add3A_126 = arith.addi %add3A_125, %add3A_110 : i32
      "tpu.region"() ({
        %run_scoped3A_146 = tpu.sem_alloc : memref<!tpu.dma_semaphore, #tpu.memory_space<semaphore_mem>>
        %dma_start3A_147 = arith.constant 0 : i32
        %dma_start3A_148 = tpu.memref_slice %arg9[%add3A_126, %dma_start3A_147] : memref<80x128xi32, #tpu.memory_space<vmem>> -> memref<1x128xi32, #tpu.memory_space<vmem>>
        %dma_start3A_149 = tpu.memref_squeeze %dma_start3A_148 : memref<1x128xi32, #tpu.memory_space<vmem>> -> memref<128xi32, #tpu.memory_space<vmem>>
        %dma_start3A_150 = arith.constant 0 : i32
        %dma_start3A_151 = arith.constant 0 : i32
        %dma_start3A_152 = tpu.memref_slice %arg6[%dma_start3A_150, %dma_start3A_151] : memref<10112x128xf32, #tpu.memory_space<vmem_shared>> -> memref<10112x128xf32, #tpu.memory_space<vmem_shared>>
        tpu.enqueue_indirect_dma source(%arg10 : memref<128x128xf32, #tpu.memory_space<vmem>>) target(%dma_start3A_152 : memref<10112x128xf32, #tpu.memory_space<vmem_shared>>) offsets(%dma_start3A_149 : memref<128xi32, #tpu.memory_space<vmem>>) semaphore(%run_scoped3A_146 : memref<!tpu.dma_semaphore, #tpu.memory_space<semaphore_mem>>) {add = true}
        %dma_wait3A_153 = arith.constant 0 : i32
        %dma_wait3A_154 = tpu.memref_slice %arg9[%add3A_126, %dma_wait3A_153] : memref<80x128xi32, #tpu.memory_space<vmem>> -> memref<1x128xi32, #tpu.memory_space<vmem>>
        %dma_wait3A_155 = tpu.memref_squeeze %dma_wait3A_154 : memref<1x128xi32, #tpu.memory_space<vmem>> -> memref<128xi32, #tpu.memory_space<vmem>>
        %dma_wait3A_156 = arith.constant 0 : i32
        %dma_wait3A_157 = arith.constant 0 : i32
        %dma_wait3A_158 = tpu.memref_slice %arg6[%dma_wait3A_156, %dma_wait3A_157] : memref<10112x128xf32, #tpu.memory_space<vmem_shared>> -> memref<10112x128xf32, #tpu.memory_space<vmem_shared>>
        tpu.wait_indirect_dma semaphore(%run_scoped3A_146 : memref<!tpu.dma_semaphore, #tpu.memory_space<semaphore_mem>>) src(%arg10 : memref<128x128xf32, #tpu.memory_space<vmem>>) dst(%dma_wait3A_158 : memref<10112x128xf32, #tpu.memory_space<vmem_shared>>)
        tpu.yield
      }) : () -> ()
      %add3A_127 = arith.constant 2 : i32
      %add3A_128 = arith.addi %add3A_110, %add3A_127 : i32
      %lt3A_129 = arith.constant 20 : i32
      %lt3A_130 = arith.cmpi slt, %add3A_128, %lt3A_129 : i32
      %convert_element_type3A_131 = arith.extui %lt3A_130 : i1 to i32
      %cond3A_132 = arith.constant 0 : i32
      %cond3A_133 = arith.cmpi ne, %convert_element_type3A_131, %cond3A_132 : i32
      scf.if %cond3A_133 {
        %add3A_146 = arith.constant 2 : i32
        %add3A_147 = arith.addi %add3A_110, %add3A_146 : i32
        %dma_start3A_148 = arith.constant 0 : i32
        %dma_start3A_149 = tpu.memref_slice %arg8[%add3A_147, %dma_start3A_148] : memref<20x128xi32, #tpu.memory_space<vmem>> -> memref<1x128xi32, #tpu.memory_space<vmem>>
        %dma_start3A_150 = tpu.memref_squeeze %dma_start3A_149 : memref<1x128xi32, #tpu.memory_space<vmem>> -> memref<128xi32, #tpu.memory_space<vmem>>
        %dma_start3A_151 = arith.constant 0 : i32
        %dma_start3A_152 = arith.constant 0 : i32
        %dma_start3A_153 = tpu.memref_slice %arg2[%dma_start3A_151, %dma_start3A_152] : memref<20000x128xf32, #tpu.memory_space<hbm>> -> memref<20000x128xf32, #tpu.memory_space<hbm>>
        tpu.enqueue_indirect_dma source(%dma_start3A_153 : memref<20000x128xf32, #tpu.memory_space<hbm>>) target(%arg10 : memref<128x128xf32, #tpu.memory_space<vmem>>) offsets(%dma_start3A_150 : memref<128xi32, #tpu.memory_space<vmem>>) semaphore(%arg12 : memref<!tpu.dma_semaphore, #tpu.memory_space<semaphore_mem>>)
      } else {
      }
      %add3A_134 = arith.constant 1 : i32
      %add3A_135 = arith.addi %add3A_110, %add3A_134 : i32
      %dma_wait3A_136 = arith.constant 0 : i32
      %dma_wait3A_137 = tpu.memref_slice %arg8[%add3A_135, %dma_wait3A_136] : memref<20x128xi32, #tpu.memory_space<vmem>> -> memref<1x128xi32, #tpu.memory_space<vmem>>
      %dma_wait3A_138 = tpu.memref_squeeze %dma_wait3A_137 : memref<1x128xi32, #tpu.memory_space<vmem>> -> memref<128xi32, #tpu.memory_space<vmem>>
      %dma_wait3A_139 = arith.constant 0 : i32
      %dma_wait3A_140 = arith.constant 0 : i32
      %dma_wait3A_141 = tpu.memref_slice %arg2[%dma_wait3A_139, %dma_wait3A_140] : memref<20000x128xf32, #tpu.memory_space<hbm>> -> memref<20000x128xf32, #tpu.memory_space<hbm>>
      tpu.wait_indirect_dma semaphore(%arg13 : memref<!tpu.dma_semaphore, #tpu.memory_space<semaphore_mem>>) src(%dma_wait3A_141 : memref<20000x128xf32, #tpu.memory_space<hbm>>) dst(%arg11 : memref<128x128xf32, #tpu.memory_space<vmem>>)
      %add3A_142 = arith.constant 60 : i32
      %add3A_143 = arith.addi %add3A_142, %add3A_110 : i32
      %add3A_144 = arith.constant 1 : i32
      %add3A_145 = arith.addi %add3A_143, %add3A_144 : i32
      "tpu.region"() ({
        %run_scoped3A_146 = tpu.sem_alloc : memref<!tpu.dma_semaphore, #tpu.memory_space<semaphore_mem>>
        %dma_start3A_147 = arith.constant 0 : i32
        %dma_start3A_148 = tpu.memref_slice %arg9[%add3A_145, %dma_start3A_147] : memref<80x128xi32, #tpu.memory_space<vmem>> -> memref<1x128xi32, #tpu.memory_space<vmem>>
        %dma_start3A_149 = tpu.memref_squeeze %dma_start3A_148 : memref<1x128xi32, #tpu.memory_space<vmem>> -> memref<128xi32, #tpu.memory_space<vmem>>
        %dma_start3A_150 = arith.constant 0 : i32
        %dma_start3A_151 = arith.constant 0 : i32
        %dma_start3A_152 = tpu.memref_slice %arg6[%dma_start3A_150, %dma_start3A_151] : memref<10112x128xf32, #tpu.memory_space<vmem_shared>> -> memref<10112x128xf32, #tpu.memory_space<vmem_shared>>
        tpu.enqueue_indirect_dma source(%arg11 : memref<128x128xf32, #tpu.memory_space<vmem>>) target(%dma_start3A_152 : memref<10112x128xf32, #tpu.memory_space<vmem_shared>>) offsets(%dma_start3A_149 : memref<128xi32, #tpu.memory_space<vmem>>) semaphore(%run_scoped3A_146 : memref<!tpu.dma_semaphore, #tpu.memory_space<semaphore_mem>>) {add = true}
        %dma_wait3A_153 = arith.constant 0 : i32
        %dma_wait3A_154 = tpu.memref_slice %arg9[%add3A_145, %dma_wait3A_153] : memref<80x128xi32, #tpu.memory_space<vmem>> -> memref<1x128xi32, #tpu.memory_space<vmem>>
        %dma_wait3A_155 = tpu.memref_squeeze %dma_wait3A_154 : memref<1x128xi32, #tpu.memory_space<vmem>> -> memref<128xi32, #tpu.memory_space<vmem>>
        %dma_wait3A_156 = arith.constant 0 : i32
        %dma_wait3A_157 = arith.constant 0 : i32
        %dma_wait3A_158 = tpu.memref_slice %arg6[%dma_wait3A_156, %dma_wait3A_157] : memref<10112x128xf32, #tpu.memory_space<vmem_shared>> -> memref<10112x128xf32, #tpu.memory_space<vmem_shared>>
        tpu.wait_indirect_dma semaphore(%run_scoped3A_146 : memref<!tpu.dma_semaphore, #tpu.memory_space<semaphore_mem>>) src(%arg11 : memref<128x128xf32, #tpu.memory_space<vmem>>) dst(%dma_wait3A_158 : memref<10112x128xf32, #tpu.memory_space<vmem_shared>>)
        tpu.yield
      }) : () -> ()
    }
    %scan3A_105 = arith.constant 10 : i32
    %barrier3A_106 = arith.constant 0 : index
    tpu.barrier barrier_id(%barrier3A_106)
    "tpu.region"() ({
      %run_scoped3A_107 = tpu.sem_alloc : memref<!tpu.dma_semaphore, #tpu.memory_space<semaphore_mem>>
      %dma_start3A_108 = arith.constant 0 : i32
      %dma_start3A_109 = tpu.memref_slice %arg5[%arg0, %mul3A_0, %dma_start3A_108] : memref<2x10112x128xf32, #tpu.memory_space<hbm>> -> memref<1x632x128xf32, #tpu.memory_space<hbm>>
      %dma_start3A_110 = tpu.memref_squeeze %dma_start3A_109 : memref<1x632x128xf32, #tpu.memory_space<hbm>> -> memref<632x128xf32, #tpu.memory_space<hbm>>
      %dma_start3A_111 = arith.constant 0 : i32
      %dma_start3A_112 = tpu.memref_slice %arg6[%mul3A_0, %dma_start3A_111] : memref<10112x128xf32, #tpu.memory_space<vmem_shared>> -> memref<632x128xf32, #tpu.memory_space<vmem_shared>>
      tpu.enqueue_dma source(%dma_start3A_112 : memref<632x128xf32, #tpu.memory_space<vmem_shared>>) target(%dma_start3A_110 : memref<632x128xf32, #tpu.memory_space<hbm>>) target_semaphore(%run_scoped3A_107 : memref<!tpu.dma_semaphore, #tpu.memory_space<semaphore_mem>>)
      %dma_wait3A_113 = arith.constant 0 : i32
      %dma_wait3A_114 = tpu.memref_slice %arg5[%arg0, %mul3A_0, %dma_wait3A_113] : memref<2x10112x128xf32, #tpu.memory_space<hbm>> -> memref<1x632x128xf32, #tpu.memory_space<hbm>>
      %dma_wait3A_115 = tpu.memref_squeeze %dma_wait3A_114 : memref<1x632x128xf32, #tpu.memory_space<hbm>> -> memref<632x128xf32, #tpu.memory_space<hbm>>
      %dma_wait3A_116 = arith.constant 0 : i32
      %dma_wait3A_117 = tpu.memref_slice %arg6[%mul3A_0, %dma_wait3A_116] : memref<10112x128xf32, #tpu.memory_space<vmem_shared>> -> memref<632x128xf32, #tpu.memory_space<vmem_shared>>
      tpu.wait_dma2 semaphore(%run_scoped3A_107 : memref<!tpu.dma_semaphore, #tpu.memory_space<semaphore_mem>>) src(%dma_wait3A_117 : memref<632x128xf32, #tpu.memory_space<vmem_shared>>) dst(%dma_wait3A_115 : memref<632x128xf32, #tpu.memory_space<hbm>>)
      tpu.yield
    }) : () -> ()
    return
  }
}

module attributes {stable_mosaic.version = 14 : i64} {
  func.func @_mm_body(%arg0: i32, %arg1: memref<1x2000x128xf32, #tpu.memory_space<vmem>>, %arg2: memref<1x2000x128xf32, #tpu.memory_space<vmem>>, %arg3: memref<128x256xf32, #tpu.memory_space<vmem>>, %arg4: memref<128x256xf32, #tpu.memory_space<vmem>>, %arg5: memref<1x256xf32, #tpu.memory_space<vmem>>, %arg6: memref<2000x256xf32, #tpu.memory_space<vmem>>) attributes {dimension_semantics = [#tpu.dimension_semantics<arbitrary>], iteration_bounds = array<i64: 5>, scalar_prefetch = 0 : i64, scratch_operands = 0 : i64, tpu.core_type = #tpu.core_type<tc>, window_params = [{transform_indices = @transform_0, window_bounds = array<i64: 1, 2000, 128>}, {transform_indices = @transform_1, window_bounds = array<i64: 1, 2000, 128>}, {pipeline_mode = #tpu.pipeline_mode<synchronous>, transform_indices = @transform_2, window_bounds = array<i64: 128, 256>}, {pipeline_mode = #tpu.pipeline_mode<synchronous>, transform_indices = @transform_3, window_bounds = array<i64: 128, 256>}, {pipeline_mode = #tpu.pipeline_mode<synchronous>, transform_indices = @transform_4, window_bounds = array<i64: 1, 256>}, {transform_indices = @transform_5, window_bounds = array<i64: 2000, 256>}]} {
    %get3A = arith.constant 0 : index
    %get3A_0 = arith.constant 0 : index
    %get3A_1 = arith.constant 0 : index
    %get3A_2 = vector.load %arg1[%get3A, %get3A_0, %get3A_1] : memref<1x2000x128xf32, #tpu.memory_space<vmem>>, vector<1x2000x128xf32>
    %get3A_3 = vector.shape_cast %get3A_2 : vector<1x2000x128xf32> to vector<2000x128xf32>
    %get3A_4 = arith.constant 0 : index
    %get3A_5 = arith.constant 0 : index
    %get3A_6 = vector.load %arg3[%get3A_4, %get3A_5] : memref<128x256xf32, #tpu.memory_space<vmem>>, vector<128x256xf32>
    %dot_general3A = arith.constant dense<0.000000e+00> : vector<2000x256xf32>
    %dot_general3A_7 = tpu.matmul %get3A_3, %get3A_6, %dot_general3A {dimension_numbers = #tpu.dot_dimension_numbers<[1], [0], [0], [1], [0, 0, 1, 1], [], []>, transpose_lhs_hint = false} : vector<2000x128xf32>, vector<128x256xf32>, vector<2000x256xf32> -> vector<2000x256xf32>
    %get3A_8 = arith.constant 0 : index
    %get3A_9 = arith.constant 0 : index
    %get3A_10 = arith.constant 0 : index
    %get3A_11 = vector.load %arg2[%get3A_8, %get3A_9, %get3A_10] : memref<1x2000x128xf32, #tpu.memory_space<vmem>>, vector<1x2000x128xf32>
    %get3A_12 = vector.shape_cast %get3A_11 : vector<1x2000x128xf32> to vector<2000x128xf32>
    %get3A_13 = arith.constant 0 : index
    %get3A_14 = arith.constant 0 : index
    %get3A_15 = vector.load %arg4[%get3A_13, %get3A_14] : memref<128x256xf32, #tpu.memory_space<vmem>>, vector<128x256xf32>
    %dot_general3A_16 = arith.constant dense<0.000000e+00> : vector<2000x256xf32>
    %dot_general3A_17 = tpu.matmul %get3A_12, %get3A_15, %dot_general3A_16 {dimension_numbers = #tpu.dot_dimension_numbers<[1], [0], [0], [1], [0, 0, 1, 1], [], []>, transpose_lhs_hint = false} : vector<2000x128xf32>, vector<128x256xf32>, vector<2000x256xf32> -> vector<2000x256xf32>
    %add3A = arith.addf %dot_general3A_7, %dot_general3A_17 : vector<2000x256xf32>
    %get3A_18 = arith.constant 0 : index
    %get3A_19 = arith.constant 0 : index
    %get3A_20 = vector.load %arg5[%get3A_18, %get3A_19] : memref<1x256xf32, #tpu.memory_space<vmem>>, vector<1x256xf32>
    %add3A_21 = vector.broadcast %get3A_20 : vector<1x256xf32> to vector<2000x256xf32>
    %add3A_22 = arith.addf %add3A, %add3A_21 : vector<2000x256xf32>
    %swap3A = arith.constant 0 : index
    %swap3A_23 = arith.constant 0 : index
    %swap3A_24 = vector.load %arg6[%swap3A, %swap3A_23] : memref<2000x256xf32, #tpu.memory_space<vmem>>, vector<2000x256xf32>
    tpu.vector_store %arg6[%swap3A, %swap3A_23], %add3A_22 {strides = array<i32>} : memref<2000x256xf32, #tpu.memory_space<vmem>>, vector<2000x256xf32>,
    return
  }
  func.func @transform_0(%arg0: i32) -> (i32, i32, i32) {
    %c0_i32 = arith.constant 0 : i32
    %c0_i32_0 = arith.constant 0 : i32
    %c0_i32_1 = arith.constant 0 : i32
    return %c0_i32, %arg0, %c0_i32_0 : i32, i32, i32
  }
  func.func @transform_1(%arg0: i32) -> (i32, i32, i32) {
    %c1_i32 = arith.constant 1 : i32
    %c0_i32 = arith.constant 0 : i32
    %c0_i32_0 = arith.constant 0 : i32
    return %c1_i32, %arg0, %c0_i32 : i32, i32, i32
  }
  func.func @transform_2(%arg0: i32) -> (i32, i32) {
    %c0_i32 = arith.constant 0 : i32
    %c0_i32_0 = arith.constant 0 : i32
    %c0_i32_1 = arith.constant 0 : i32
    return %c0_i32, %c0_i32_0 : i32, i32
  }
  func.func @transform_3(%arg0: i32) -> (i32, i32) {
    %c0_i32 = arith.constant 0 : i32
    %c0_i32_0 = arith.constant 0 : i32
    %c0_i32_1 = arith.constant 0 : i32
    return %c0_i32, %c0_i32_0 : i32, i32
  }
  func.func @transform_4(%arg0: i32) -> (i32, i32) {
    %c0_i32 = arith.constant 0 : i32
    %c0_i32_0 = arith.constant 0 : i32
    %c0_i32_1 = arith.constant 0 : i32
    return %c0_i32, %c0_i32_0 : i32, i32
  }
  func.func @transform_5(%arg0: i32) -> (i32, i32) {
    %c0_i32 = arith.constant 0 : i32
    %c0_i32_0 = arith.constant 0 : i32
    return %arg0, %c0_i32 : i32, i32
  }
}

</mosaic_0001>

<sc_bundles>
// kernel: kernel.4.cloned.1.call-start
scs
__scs_entry_jumppad:
0x0: {  	(pc) =	sbr.rel $0x88, $3  }
0x1: {  	(tag) =	ssettag $0x0;
	lr =	simm.s32 $0x1  }
0x2: {  	[smem:$0x3F9D] =	sst lr;
	_ =	strace $0xD0000000  }
0x3: {  	_ = 	snop  }
0x4: {  	_ = 	snop  }
0x5: {  	_ = 	snop  }
0x6: {  	_ = 	snop  }
0x7: {  	_ = 	snop  }
__scs_overlays_trampoline_lowered:
0x8: {  	[smem:$0x3FAC] =	sst s0  }
0x9: {  	[smem:$0x3FAD] =	sst s1  }
0xa: {  	[smem:$0x3FAE] =	sst s2  }
0xb: {  	[smem:$0x3FAF] =	sst s3  }
0xc: {  	[smem:$0x3FB0] =	sst s4  }
0xd: {  	[smem:$0x3FB1] =	sst s5  }
0xe: {  	[smem:$0x3FB2] =	sst s6  }
0xf: {  	[smem:$0x3FB3] =	sst s7  }
0x10: {  	[smem:$0x3FB4] =	sst s8  }
0x11: {  	[smem:$0x3FB5] =	sst s9;
	s0 =	simm.s32 @!p0 $0x0  }
0x12: {  	s1 =	sld [smem:$0x3F9B];
	s0 =	simm.s32 @p0 $0x1  }
0x13: {  	[smem:$0x3FB6] =	sst s0;
	s0 =	simm.s32 @!p1 $0x0  }
0x14: {  	s2 =	sld [smem:$0x3F9A];
	s0 =	simm.s32 @p1 $0x1  }
0x15: {  	[smem:$0x3FB7] =	sst s0;
	s0 =	simm.s32 @!p2 $0x0  }
0x16: {  	s3 =	sld [smem:$0x3FDB];
	s0 =	simm.s32 @p2 $0x1  }
0x17: {  	s4 =	simm.s32 $0x1BF5;
	[smem:$0x3FB9] =	sst s0  }
0x18: {  	s0 =	sld [smem:$0x3F9C];
	_ =	swait.ge [sflag:s4], $0x0  }
0x19: {  	s7 =	sld [smem:$0x3F9D]  }
0x1a: {  	s8 =	sadd.s32 $0xFFFFE003, lr  }
0x1b: {  	s9 =	sadd.s32 $0xFFFFFEF7, lr;
	s5 =	simm.s32 $0xFFFFFFFF;
	p2 =	slt.u32 s8, $0xFFFFF086  }
0x1c: {  	p1 =	slt.u32 s9, $0xF7A;
	s5 =	simm.s32 @!p2 $0x0  }
0x1d: {  	s5 =	simm.s32 @p1 $0x1;
	p0 =	seq.s32 s7, s2  }
0x1e: {  	s7 =	smul.u32 @!p0 $0xF7A, s2;
	p2 =	seq.s32 @!p0 s5, $0x0  }
0x1f: {  	s9 =	smul.u32 $0xF7A, s1;
	s8 =	simm.s32 @!p0 $0x1BF5;
	p2 =	por !p2, p0  }
0x20: {  	[sflag:s8] =	ssyncset.s32 @!p0 $0xFFFFF086;
	s6 =	sadd.s32 @!p0 s3, s7;
	s7 =	simm.s32 @!p0 $0x108  }
0x21: {  	s3 =	sadd.s32 s3, s9;
	s6 =	sadd.s32 @!p0 $0x88, s6;
	s7 =	simm.s32 @p2 $0x1082  }
0x22: {  	[simem:s7], [sflag:s8] =	dma.local @!p0 [hbm:s6], $0xF7A  }
0x23: {  	s9 =	sor.u32 $0xD0000000, s2;
	s6 =	simm.s32 $0x108;
	_ =	swait.ge @!p0 [sflag:s8], $0x0  }
0x24: {  	s3 =	sadd.s32 $0x88, s3;
	s6 =	simm.s32 @!p1 $0x1082;
	[sflag:s4] =	ssyncset.s32 $0xFFFFF086  }
0x25: {  	[simem:s6], [sflag:s4] =	dma.local [hbm:s3], $0xF7A  }
0x26: {  	[smem:$0x3F9D] =	sst s1;
	(tag) =	ssettag s2;
	_ =	strace s9  }
0x27: {  	s1 =	sld [smem:$0x3FAD]  }
0x28: {  	s2 =	sld [smem:$0x3FAE]  }
0x29: {  	s4 =	sld [smem:$0x3FB0]  }
0x2a: {  	p0 =	seq.s32 s5, $0x0;
	s5 =	sld [smem:$0x3FB1]  }
0x2b: {  	s6 =	sld [smem:$0x3FB2]  }
0x2c: {  	s7 =	sld [smem:$0x3FB3]  }
0x2d: {  	s3 =	simm.s32 $0x108;
	s8 =	sld [smem:$0x3FB4]  }
0x2e: {  	s3 =	simm.s32 @!p0 $0x1082;
	s9 =	sld [smem:$0x3FB5]  }
0x2f: {  	lr =	sadd.s32 s0, s3;
	s0 =	sld [smem:$0x3FAC]  }
0x30: {  	s3 =	sld [smem:$0x3FAF]  }
0x31: {  	[smem:$0x3FB8] =	sst s10  }
0x32: {  	s10 =	sld [smem:$0x3FB6];
	_ =	sdelay $0x3  }
0x33: {  	p0 =	seq.s32 s10, $0x1;
	s10 =	sld [smem:$0x3FB8];
	_ =	sdelay $0x3  }
0x34: {  	[smem:$0x3FB8] =	sst s10  }
0x35: {  	s10 =	sld [smem:$0x3FB7];
	_ =	sdelay $0x3  }
0x36: {  	p1 =	seq.s32 s10, $0x1;
	s10 =	sld [smem:$0x3FB8];
	_ =	sdelay $0x3  }
0x37: {  	[smem:$0x3FB8] =	sst s10  }
0x38: {  	s10 =	sld [smem:$0x3FB9]  }
0x39: {  	_ = 	snop;
	(pc) =	sbr.ind lr, $3  }
0x3a: {  	_ = 	snop  }
0x3b: {  	_ = 	snop  }
0x3c: {  	p2 =	seq.s32 s10, $0x1;
	s10 =	sld [smem:$0x3FB8]  }
0x3d: {  	_ =	shalt  }
0x3e: {  	_ =	shalt  }
0x3f: {  	_ =	shalt  }
0x40: {  	_ =	shalt  }
0x41: {  	_ =	shalt  }
0x42: {  	_ =	shalt  }
0x43: {  	_ =	shalt  }
0x44: {  	_ =	shalt  }
0x45: {  	_ =	shalt  }
0x46: {  	_ =	shalt  }
0x47: {  	_ =	shalt  }
0x48: {  	_ =	shalt  }
0x49: {  	_ =	shalt  }
0x4a: {  	_ =	shalt  }
0x4b: {  	_ =	shalt  }
0x4c: {  	_ =	shalt  }
0x4d: {  	_ =	shalt  }
0x4e: {  	_ =	shalt  }
0x4f: {  	_ =	shalt  }
0x50: {  	_ =	shalt  }
0x51: {  	_ =	shalt  }
0x52: {  	_ =	shalt  }
0x53: {  	_ =	shalt  }
0x54: {  	_ =	shalt  }
0x55: {  	_ =	shalt  }
0x56: {  	_ =	shalt  }
0x57: {  	_ =	shalt  }
0x58: {  	_ =	shalt  }
0x59: {  	_ =	shalt  }
0x5a: {  	_ =	shalt  }
0x5b: {  	_ =	shalt  }
0x5c: {  	_ =	shalt  }
0x5d: {  	_ =	shalt  }
0x5e: {  	_ =	shalt  }
0x5f: {  	_ =	shalt  }
0x60: {  	_ =	shalt  }
0x61: {  	_ =	shalt  }
0x62: {  	_ =	shalt  }
0x63: {  	_ =	shalt  }
0x64: {  	_ =	shalt  }
0x65: {  	_ =	shalt  }
0x66: {  	_ =	shalt  }
0x67: {  	_ =	shalt  }
0x68: {  	_ =	shalt  }
0x69: {  	_ =	shalt  }
0x6a: {  	_ =	shalt  }
0x6b: {  	_ =	shalt  }
0x6c: {  	_ =	shalt  }
0x6d: {  	_ =	shalt  }
0x6e: {  	_ =	shalt  }
0x6f: {  	_ =	shalt  }
0x70: {  	_ =	shalt  }
0x71: {  	_ =	shalt  }
0x72: {  	_ =	shalt  }
0x73: {  	_ =	shalt  }
0x74: {  	_ =	shalt  }
0x75: {  	_ =	shalt  }
0x76: {  	_ =	shalt  }
0x77: {  	_ =	shalt  }
0x78: {  	_ =	shalt  }
0x79: {  	_ =	shalt  }
0x7a: {  	_ =	shalt  }
0x7b: {  	_ =	shalt  }
0x7c: {  	_ =	shalt  }
0x7d: {  	_ =	shalt  }
0x7e: {  	_ =	shalt  }
0x7f: {  	_ =	shalt  }
0x80: {  	_ =	shalt  }
0x81: {  	_ =	shalt  }
0x82: {  	_ =	shalt  }
0x83: {  	_ =	shalt  }
0x84: {  	_ =	shalt  }
0x85: {  	_ =	shalt  }
0x86: {  	_ =	shalt  }
0x87: {  	_ =	shalt  }
.Lfunc_end0:
.L_simem_size_0:
called_computation_lowered:
.L_overlay_start_0:
0x88: {  	s2 =	sld [smem:$0x3FD9]  }
0x89: {  	s3 =	sld [smem:$0x3FFE];
	_ =	sdelay $0x1  }
0x8a: {  	s1 =	srdreg.scid  }
0x8b: {  	s0 =	sand.u32 $0x1, s1  }
0x8c: {  	s17 =	sshll.u32 s0, $0xA;
	s2 =	sadd.s32 s3, s2  }
0x8d: {  	s2 =	sadd.s32 s2, s17  }
0x8e: {  	[smem:$0x3FC4] =	sst s2  }
0x8f: {  	_ = 	snop  }
0x90: {  	s2 =	sld [smem:$0x3FD0];
	(tm) =	ssettm $0x1  }
0x91: {  	s18 =	sld [smem:$0x3FFB];
	_ =	sdelay $0x3  }
0x92: {  	_ =	strace s18  }
0x93: {  	s3 =	sld [smem:$0x3FFC];
	_ =	sdelay $0x3  }
0x94: {  	_ =	strace s3  }
0x95: {  	s3 =	sld [smem:$0x3FFD];
	_ =	sdelay $0x3  }
0x96: {  	_ =	strace s3  }
0x97: {  	_ =	strace $0x8FFFFFFF  }
0x98: {  	s19 =	sld [smem:$0x3FDB];
	_ =	sdelay $0x1  }
0x99: {  	s4 =	simm.s32 $_scs_section_size  }
0x9a: {  	s5 =	simm.s32 $_size__tile_overlayer_lowered;
	s6 =	simm.s32 $_tile_overlayer_lowered  }
0x9b: {  	s22 =	simm.s32 $0x1BFF;
	s21 =	sshll.u32 s6, $0x1;
	s3 =	sadd.s32 s4, s19  }
0x9c: {  	s7 =	simm.s32 $0x0;
	s20 =	sshll.u32 s5, $0x1;
	s5 =	sadd.s32 s21, s3  }
0x9d: {  	[timem:s7], [sflag:s22] =	dma.local [hbm:s5], s20  }
0x9e: {  	_ =	swait.ge [sflag:s22], s20  }
0x9f: {  	s4 =	ssub.s32 $0x0, s20;
	[sflag:s22] =	ssyncset.done $0x0  }
0xa0: {  	[sflag:s22] =	ssyncadd.s32 s4;
	_ =	sdelay $0x1  }
0xa1: {  	s23 =	simm.s32 $0x1B8B  }
0xa2: {  	_ =	swait.ge [sflag:s23], $0x1  }
0xa3: {  	[sflag:s23] =	ssyncset.done $0x0  }
0xa4: {  	s25 =	simm.s32 $0x1B8E;
	s24 =	sld [smem:$0x3FFE];
	[sflag:s23] =	ssyncadd.s32 $0xFFFFFFFF  }
0xa5: {  	s26 =	simm.s32 $execute0_lowered;
	[smem:$0x3FD2] =	sst s25  }
0xa6: {  	s5 =	sshll.u32 s26, $0x1;
	_ =	strace $0x80000046;
	[dreg:$0x1] =	wrdreg $0xFFFFFFFF  }
0xa7: {  	s28 =	simm.s32 $_size_execute0_lowered;
	s3 =	sadd.s32 s3, s5;
	[dreg:$0x0] =	wrdreg $0x0  }
0xa8: {  	s5 =	sshll.u32 s28, $0x1;
	[dreg:$0x2] =	wrdreg s3  }
0xa9: {  	[dreg:$0x3] =	wrdreg s5  }
0xaa: {  	[dreg:$0x4] =	wrdreg $0xC0  }
0xab: {  	_ =	task [dreg:s7], $0x5FFFF  }
0xac: {  	[dreg:$0x1] =	wrdreg $0xFFFFFFFF  }
0xad: {  	[dreg:$0x0] =	wrdreg $0x60  }
0xae: {  	[dreg:$0x2] =	wrdreg s2  }
0xaf: {  	[dreg:$0x3] =	wrdreg s24  }
0xb0: {  	[dreg:$0x4] =	wrdreg $0x0  }
0xb1: {  	[dreg:$0x5] =	wrdreg $0x9  }
0xb2: {  	_ =	task.clear_ibuf [dreg:s7], $0x6FFFF;
	_ =	strace $0x90000046  }
0xb3: {  	s29 =	simm.s32 $0x9;
	_ =	strace $0x80000048  }
0xb4: {  	_ =	swait.ge [sflag:s29], $0x1  }
0xb5: {  	[sflag:s29] =	ssyncadd.s32 $0xFFFFFFFF  }
0xb6: {  	_ =	strace $0x90000048  }
0xb7: {  	_ =	sfence  }
0xb8: {  	s30 =	sld [smem:$0x0];
	_ =	sdelay $0x2  }
0xb9: {  	s31 =	sshll.u32 s1, $0xD;
	s1 =	sshrl.u32 s1, $0x2  }
0xba: {  	s3 =	sand.u32 $0x4000, s31;
	s1 =	sadd.s32 s1, s30  }
0xbb: {  	s0 =	sor.u32 s3, s0;
	s1 =	sshll.u32 s1, $0x11  }
0xbc: {  	s0 =	sor.u32 s1, s0  }
0xbd: {  	s0 =	sadd.s32 $0x8F2B, s0  }
0xbe: {  	[sflag:s0] =	ssyncadd.remote.s32 $0x1  }
0xbf: {  	_ =	sfence.sel $0xFFFF  }
0xc0: {  	[dreg:$0x0] =	wrdreg $0xFFFFFFFF;
	(pc) =	sbr.abs _section_cstart, $3  }
0xc1: {  	[dreg:$0x1] =	wrdreg $0xFFFFFFFF  }
0xc2: {  	_ =	task.clear_ibuf [dreg:s7], $0x2FFFF;
	_ =	strace $0x9FFFFFFF  }
0xc3: {  	(tm) =	ssettm $0x7FFFFFFF  }
tec
execute0_lowered:
.L_overlay_start_1:
0x0: {  	(tag) =	ssettag $0x1  }
0x1: {  	s2 =	rddreg [dreg:$0x0]  }
0x2: {  	s1 =	rddreg [dreg:$0x1]  }
0x3: {  	s3 =	rddreg [dreg:$0x2];
	s17 =	simm.s32 $0x0  }
0x4: {  	s12 =	simm.s32 $0x15480;
	[smem:$0x7FF] =	sst s17  }
0x5: {  	s13 =	simm.s32 $0x15500;
	_ =	strace $0x80000047;
	[dreg:$0xf] =	wrdreg s12  }
0x6: {  	s14 =	simm.s32 $0x15580;
	[dreg:$0x10] =	wrdreg s13  }
0x7: {  	s15 =	simm.s32 $0x15600;
	[dreg:$0x11] =	wrdreg s14  }
0x8: {  	s16 =	simm.s32 $0x15680;
	[dreg:$0x12] =	wrdreg s15  }
0x9: {  	s18 =	simm.s32 $0x15700;
	[dreg:$0x13] =	wrdreg s16  }
0xa: {  	s19 =	simm.s32 $0x15780;
	[dreg:$0x14] =	wrdreg s18  }
0xb: {  	s20 =	simm.s32 $0x15800;
	[dreg:$0x15] =	wrdreg s19  }
0xc: {  	s21 =	simm.s32 $0x15880;
	[dreg:$0x16] =	wrdreg s20  }
0xd: {  	s23 =	simm.s32 $0x15900;
	[dreg:$0x17] =	wrdreg s21  }
0xe: {  	[dreg:$0x18] =	wrdreg s23;
	s12 =	simm.s32 $0x16100  }
0xf: {  	s13 =	simm.s32 $0x16180;
	[smem:$0x7C5] =	sst s12  }
0x10: {  	s14 =	simm.s32 $0x16200;
	[smem:$0x7C6] =	sst s13  }
0x11: {  	s15 =	simm.s32 $0x16280;
	[smem:$0x7C7] =	sst s14  }
0x12: {  	s16 =	simm.s32 $0x16300;
	[smem:$0x7C8] =	sst s15  }
0x13: {  	s18 =	simm.s32 $0x16380;
	[smem:$0x7C9] =	sst s16  }
0x14: {  	s19 =	simm.s32 $0x16400;
	[smem:$0x7CA] =	sst s18  }
0x15: {  	s20 =	simm.s32 $0x16480;
	[smem:$0x7CB] =	sst s19  }
0x16: {  	s21 =	simm.s32 $0x16500;
	[smem:$0x7CC] =	sst s20  }
0x17: {  	s23 =	simm.s32 $0x16580;
	[smem:$0x7CD] =	sst s21  }
0x18: {  	s0 =	srdreg.scid;
	[smem:$0x7CE] =	sst s23;
	s12 =	simm.s32 $0x16D80  }
0x19: {  	s25 =	stileid.u32;
	s13 =	simm.s32 $0x16E00;
	[smem:$0x7DE] =	sst s12  }
0x1a: {  	s22 =	sand.u32 $0x1, s0;
	s14 =	simm.s32 $0x16E80;
	[smem:$0x7DF] =	sst s13  }
0x1b: {  	s5 =	smul.u32 $0x3000, s25;
	s15 =	simm.s32 $0x16F00;
	[smem:$0x7E0] =	sst s14  }
0x1c: {  	s6 =	smul.u32 $0x500, s25;
	s16 =	simm.s32 $0x16F80;
	[smem:$0x7E1] =	sst s15  }
0x1d: {  	s24 =	smul.u32 $0x2780, s25;
	s18 =	simm.s32 $0x17000;
	[smem:$0x7E2] =	sst s16  }
0x1e: {  	s10 =	smul.u32 $0x13C00, s25;
	s19 =	simm.s32 $0x17080;
	[smem:$0x7E3] =	sst s18  }
0x1f: {  	s0 =	smul.u32 $0x30000, s22;
	s20 =	simm.s32 $0x17100;
	[smem:$0x7E4] =	sst s19  }
0x20: {  	s7 =	smul.u32 $0x27100, s22;
	s21 =	simm.s32 $0x17180;
	[smem:$0x7E5] =	sst s20  }
0x21: {  	s6 =	sadd.s32 s6, s1;
	s23 =	simm.s32 $0x17200;
	[smem:$0x7E6] =	sst s21  }
0x22: {  	s0 =	sadd.s32 s5, s0;
	s31 =	sadd.s32 $0x800, s6;
	[smem:$0x7E7] =	sst s23  }
0x23: {  	s5 =	sadd.s32 s24, s7;
	s24 =	simm.s32 $0x15980;
	[dreg:$0x6] =	wrdreg s31  }
0x24: {  	s4 =	smul.u32 $0x4F000, s25;
	s12 =	simm.s32 $0x17A00;
	[dreg:$0x19] =	wrdreg s24  }
0x25: {  	s8 =	smul.u32 $0x138800, s22;
	s13 =	simm.s32 $0x17A80;
	[smem:$0x7F7] =	sst s12  }
0x26: {  	s9 =	smul.u32 $0x13C000, s22;
	s14 =	simm.s32 $0x17B00;
	[smem:$0x7F8] =	sst s13  }
0x27: {  	s26 =	sshrl.u32 s8, $0x3;
	s15 =	simm.s32 $0x17B80;
	[smem:$0x7F9] =	sst s14  }
0x28: {  	s6 =	sshrl.u32 s4, $0x2;
	s5 =	sadd.s32 s2, s5;
	[smem:$0x7FA] =	sst s15  }
0x29: {  	s28 =	sadd.s32 s10, s9;
	s4 =	sadd.s32 s6, s3;
	[dreg:$0x4] =	wrdreg s5  }
0x2a: {  	s7 =	sadd.s32 s2, s26;
	s26 =	simm.s32 $0x15A00;
	[smem:$0x7FB] =	sst s4  }
0x2b: {  	s30 =	sshrl.u32 s28, $0x3;
	s28 =	simm.s32 $0x15A80;
	[dreg:$0x1a] =	wrdreg s26  }
0x2c: {  	s31 =	simm.s32 $0x15C00;
	[dreg:$0x1b] =	wrdreg s28  }
0x2d: {  	s6 =	simm.s32 $0x15E00;
	[dreg:$0x1e] =	wrdreg s31  }
0x2e: {  	s0 =	sshrl.u32 s0, $0x3;
	s24 =	simm.s32 $0x16600;
	[smem:$0x7BF] =	sst s6  }
0x2f: {  	s0 =	sadd.s32 s0, s1;
	s29 =	sadd.s32 $0x25080, s7;
	[smem:$0x7CF] =	sst s24  }
0x30: {  	s1 =	sadd.s32 s30, s1;
	s30 =	simm.s32 $0x15B80;
	[dreg:$0x5] =	wrdreg s29  }
0x31: {  	s5 =	simm.s32 $0x15D80;
	[dreg:$0x1d] =	wrdreg s30  }
0x32: {  	s26 =	simm.s32 $0x16680;
	[smem:$0x7BE] =	sst s5  }
0x33: {  	s28 =	simm.s32 $0x16700;
	[smem:$0x7D0] =	sst s26  }
0x34: {  	s31 =	simm.s32 $0x16880;
	[smem:$0x7D1] =	sst s28  }
0x35: {  	s6 =	simm.s32 $0x16A80;
	[smem:$0x7D4] =	sst s31  }
0x36: {  	s24 =	simm.s32 $0x17280;
	[smem:$0x7D8] =	sst s6  }
0x37: {  	s8 =	sadd.s32 $0x5800, s0;
	[smem:$0x7E8] =	sst s24  }
0x38: {  	s9 =	sadd.s32 $0x5980, s0;
	[dreg:$0x7] =	wrdreg s8  }
0x39: {  	s10 =	sadd.s32 $0x5B00, s0;
	[dreg:$0x8] =	wrdreg s9  }
0x3a: {  	s0 =	sadd.s32 $0x5C80, s0;
	[dreg:$0x9] =	wrdreg s10  }
0x3b: {  	s11 =	sadd.s32 $0x11800, s1;
	[dreg:$0xa] =	wrdreg s0  }
0x3c: {  	s29 =	simm.s32 $0x15B00;
	[dreg:$0xb] =	wrdreg s11  }
0x3d: {  	s30 =	simm.s32 $0x16800;
	[dreg:$0x1c] =	wrdreg s29  }
0x3e: {  	s5 =	simm.s32 $0x16A00;
	[smem:$0x7D3] =	sst s30  }
0x3f: {  	s26 =	simm.s32 $0x17300;
	[smem:$0x7D7] =	sst s5  }
0x40: {  	s28 =	simm.s32 $0x17380;
	[smem:$0x7E9] =	sst s26  }
0x41: {  	p0 =	seq.s32 s25, $0xF;
	s31 =	simm.s32 $0x17500;
	[smem:$0x7EA] =	sst s28  }
0x42: {  	s7 =	sadd.s32 $0x128400, s3;
	s6 =	simm.s32 $0x17700;
	[smem:$0x7ED] =	sst s31  }
0x43: {  	s0 =	sshrl.u32 @p0 s7, $0x3;
	[smem:$0x7F1] =	sst s6  }
0x44: {  	s7 =	simm.s32 $0x15E80;
	[dreg:$0xe] =	wrdreg s0  }
0x45: {  	s8 =	simm.s32 $0x15F00;
	[smem:$0x7C0] =	sst s7  }
0x46: {  	s9 =	simm.s32 $0x15F80;
	[smem:$0x7C1] =	sst s8  }
0x47: {  	s10 =	simm.s32 $0x16000;
	[smem:$0x7C2] =	sst s9  }
0x48: {  	s11 =	simm.s32 $0x16080;
	[smem:$0x7C3] =	sst s10  }
0x49: {  	s29 =	simm.s32 $0x16780;
	[smem:$0x7C4] =	sst s11  }
0x4a: {  	s30 =	simm.s32 $0x17480;
	[smem:$0x7D2] =	sst s29  }
0x4b: {  	s5 =	simm.s32 $0x17680;
	[smem:$0x7EC] =	sst s30  }
0x4c: {  	s1 =	sshll.u32 @!p0 s25, $0x6;
	[smem:$0x7F0] =	sst s5  }
0x4d: {  	s0 =	sor.u32 @!p0 $0x1C05, s1;
	s5 =	rddreg [dreg:$0x5]  }
0x4e: {  	s1 =	simm.s32 $0x15C80;
	[dreg:$0xc] =	wrdreg s0  }
0x4f: {  	s7 =	simm.s32 $0x16B00;
	[dreg:$0x1f] =	wrdreg s1  }
0x50: {  	s8 =	simm.s32 $0x16B80;
	[smem:$0x7D9] =	sst s7  }
0x51: {  	s9 =	simm.s32 $0x16C00;
	[smem:$0x7DA] =	sst s8  }
0x52: {  	s10 =	simm.s32 $0x16C80;
	[smem:$0x7DB] =	sst s9  }
0x53: {  	s11 =	simm.s32 $0x16D00;
	[smem:$0x7DC] =	sst s10  }
0x54: {  	s29 =	simm.s32 $0x17400;
	[smem:$0x7DD] =	sst s11  }
0x55: {  	s0 =	sshrl.u32 @!p0 s4, $0x3;
	[smem:$0x7EB] =	sst s29  }
0x56: {  	s4 =	simm.s32 $0x15D00;
	[dreg:$0xd] =	wrdreg s0  }
0x57: {  	s1 =	simm.s32 $0x16900;
	[smem:$0x7BD] =	sst s4  }
0x58: {  	s7 =	simm.s32 $0x17780;
	[smem:$0x7D5] =	sst s1  }
0x59: {  	s8 =	simm.s32 $0x17800;
	[smem:$0x7F2] =	sst s7  }
0x5a: {  	s9 =	simm.s32 $0x17880;
	[smem:$0x7F3] =	sst s8  }
0x5b: {  	s10 =	simm.s32 $0x17900;
	[smem:$0x7F4] =	sst s9  }
0x5c: {  	s11 =	simm.s32 $0x17980;
	[smem:$0x7F5] =	sst s10  }
0x5d: {  	[smem:$0x7F6] =	sst s11  }
0x5e: {  	s4 =	simm.s32 $0x16980;
	s0 =	rddreg [dreg:$0xe]  }
0x5f: {  	s1 =	simm.s32 $0x17580;
	[smem:$0x7D6] =	sst s4  }
0x60: {  	[smem:$0x7EE] =	sst s1;
	s4 =	simm.s32 $0x17600  }
0x61: {  	s6 =	simm.s32 @p0 $0x5;
	s1 =	simm.s32 @p0 $0x1FC5;
	[smem:$0x7EF] =	sst s4  }
0x62: {  	[spmem:s0], [sflag:s1] =	dma.local @p0 [hbm:s5], $0x2080  }
0x63: {  	_ =	swait.ge @p0 [sflag:s6], $0x2080  }
0x64: {  	s0 =	rddreg [dreg:$0xd]  }
0x65: {  	s1 =	rddreg [dreg:$0x4];
	[sflag:s6] =	ssyncset.done @p0 $0x0  }
0x66: {  	s5 =	rddreg [dreg:$0xc];
	[sflag:s6] =	ssyncadd.s32 @p0 $0xFFFFDF80;
	s6 =	simm.s32 @!p0 $0x5  }
0x67: {  	[spmem:s0], [sflag:s5] =	dma.local @!p0 [hbm:s1], $0x2780  }
0x68: {  	_ =	swait.ge @!p0 [sflag:s6], $0x2780  }
0x69: {  	s18 =	simm.s32 $0x15400;
	[sflag:s6] =	ssyncset.done @!p0 $0x0  }
0x6a: {  	s8 =	simm.s32 $0x5;
	s16 =	rddreg [dreg:$0x6];
	[sflag:s6] =	ssyncadd.s32 @!p0 $0xFFFFD880  }
0x6b: {  	[tilespmem:s18], [sflag:$0x5] =	stream.linear.gather [hbm4b:s16+s17], $0x2800, $0x38;
	[tilespmem:$0x1FC00] =	vst v63  }
0x6c: {  	_ =	swait.ge [sflag:s8], $0x2800  }
0x6d: {  	[sflag:s8] =	ssyncset.done $0x0  }
0x6e: {  	s11 =	simm.s32 $0x13C00;
	s19 =	rddreg [dreg:$0x7];
	[sflag:s8] =	ssyncadd.s32 $0xFFFFD800  }
0x6f: {  	[tilespmem:s11], [sflag:$0x5] =	stream.linear.gather [hbm4b:s19+s17], $0xA00, $0x38;
	[tilespmem:$0x1FC00] =	vst v63  }
0x70: {  	_ =	swait.ge [sflag:s8], $0xA00  }
0x71: {  	[sflag:s8] =	ssyncset.done $0x0  }
0x72: {  	s4 =	simm.s32 $0x14800;
	s20 =	rddreg [dreg:$0x8];
	[sflag:s8] =	ssyncadd.s32 $0xFFFFF600  }
0x73: {  	[tilespmem:s4], [sflag:$0x4] =	stream.linear.gather [hbm4b:s20+s17], $0xA00, $0x38;
	[tilespmem:$0x1FC00] =	vst v63  }
0x74: {  	s12 =	simm.s32 $0x80;
	s13 =	simm.s32 $0x17C00;
	[bflag:$0x0] =	sbarrier.arrive $0xFFFF  }
0x75: {  	[tilespmem:s13], [sflag:$0x1] =	stream.indirect.gather [hbm4b:s2+s12], $0x80, s11, s12, $0xb8;
	[tilespmem:$0x1FC00] =	vst v63  }
0x76: {  	s15 =	simm.s32 $0x1BC00;
	s24 =	simm.s32 $0x13C80;
	s16 =	simm.s32 $0x1  }
0x77: {  	[tilespmem:s15], [sflag:$0x2] =	stream.indirect.gather [hbm4b:s2+s12], $0x80, s24, s12, $0xb8;
	[tilespmem:$0x1FC00] =	vst v63  }
0x78: {  	_ =	swait.ge [sflag:s16], $0x4000  }
0x79: {  	[sflag:s16] =	ssyncset.done $0x0  }
0x7a: {  	[sflag:s16] =	ssyncadd.s32 $0xFFFFC000  }
0x7b: {  	[spmem:s3] =	stream.indirect.scatter.add.f32 [tilespmem:s13], [sflag:$0x5], $0x80, s18, s12, $0xb8;
	[tilespmem:$0x1FC00] =	vst v63  }
0x7c: {  	_ =	swait.ge [sflag:s8], $0x4000  }
0x7d: {  	[sflag:s8] =	ssyncset.done $0x0  }
0x7e: {  	s21 =	simm.s32 $0x13D00;
	s18 =	simm.s32 $0x2;
	[sflag:s8] =	ssyncadd.s32 $0xFFFFC000  }
0x7f: {  	[tilespmem:s13], [sflag:$0x1] =	stream.indirect.gather [hbm4b:s2+s12], $0x80, s21, s12, $0xb8;
	[tilespmem:$0x1FC00] =	vst v63  }
0x80: {  	_ =	swait.ge [sflag:s18], $0x4000  }
0x81: {  	[sflag:s18] =	ssyncset.done $0x0  }
0x82: {  	s23 =	rddreg [dreg:$0xf];
	[sflag:s18] =	ssyncadd.s32 $0xFFFFC000  }
0x83: {  	[spmem:s3] =	stream.indirect.scatter.add.f32 [tilespmem:s15], [sflag:$0x5], $0x80, s23, s12, $0xb8;
	[tilespmem:$0x1FC00] =	vst v63  }
0x84: {  	_ =	swait.ge [sflag:s8], $0x4000  }
0x85: {  	[sflag:s8] =	ssyncset.done $0x0  }
0x86: {  	s26 =	simm.s32 $0x13D80;
	[sflag:s8] =	ssyncadd.s32 $0xFFFFC000  }
0x87: {  	[tilespmem:s15], [sflag:$0x2] =	stream.indirect.gather [hbm4b:s2+s12], $0x80, s26, s12, $0xb8;
	[tilespmem:$0x1FC00] =	vst v63  }
0x88: {  	_ =	swait.ge [sflag:s16], $0x4000  }
0x89: {  	[sflag:s16] =	ssyncset.done $0x0  }
0x8a: {  	s28 =	rddreg [dreg:$0x10];
	[sflag:s16] =	ssyncadd.s32 $0xFFFFC000  }
0x8b: {  	[spmem:s3] =	stream.indirect.scatter.add.f32 [tilespmem:s13], [sflag:$0x5], $0x80, s28, s12, $0xb8;
	[tilespmem:$0x1FC00] =	vst v63  }
0x8c: {  	_ =	swait.ge [sflag:s8], $0x4000  }
0x8d: {  	[sflag:s8] =	ssyncset.done $0x0  }
0x8e: {  	s29 =	simm.s32 $0x13E00;
	[sflag:s8] =	ssyncadd.s32 $0xFFFFC000  }
0x8f: {  	[tilespmem:s13], [sflag:$0x1] =	stream.indirect.gather [hbm4b:s2+s12], $0x80, s29, s12, $0xb8;
	[tilespmem:$0x1FC00] =	vst v63  }
0x90: {  	_ =	swait.ge [sflag:s18], $0x4000  }
0x91: {  	[sflag:s18] =	ssyncset.done $0x0  }
0x92: {  	s30 =	rddreg [dreg:$0x11];
	[sflag:s18] =	ssyncadd.s32 $0xFFFFC000  }
0x93: {  	[spmem:s3] =	stream.indirect.scatter.add.f32 [tilespmem:s15], [sflag:$0x5], $0x80, s30, s12, $0xb8;
	[tilespmem:$0x1FC00] =	vst v63  }
0x94: {  	_ =	swait.ge [sflag:s8], $0x4000  }
0x95: {  	[sflag:s8] =	ssyncset.done $0x0  }
0x96: {  	s31 =	simm.s32 $0x13E80;
	[sflag:s8] =	ssyncadd.s32 $0xFFFFC000  }
0x97: {  	[tilespmem:s15], [sflag:$0x2] =	stream.indirect.gather [hbm4b:s2+s12], $0x80, s31, s12, $0xb8;
	[tilespmem:$0x1FC00] =	vst v63  }
0x98: {  	_ =	swait.ge [sflag:s16], $0x4000  }
0x99: {  	[sflag:s16] =	ssyncset.done $0x0  }
0x9a: {  	s1 =	rddreg [dreg:$0x12];
	[sflag:s16] =	ssyncadd.s32 $0xFFFFC000  }
0x9b: {  	[spmem:s3] =	stream.indirect.scatter.add.f32 [tilespmem:s13], [sflag:$0x5], $0x80, s1, s12, $0xb8;
	[tilespmem:$0x1FC00] =	vst v63  }
0x9c: {  	_ =	swait.ge [sflag:s8], $0x4000  }
0x9d: {  	[sflag:s8] =	ssyncset.done $0x0  }
0x9e: {  	s5 =	simm.s32 $0x13F00;
	[sflag:s8] =	ssyncadd.s32 $0xFFFFC000  }
0x9f: {  	[tilespmem:s13], [sflag:$0x1] =	stream.indirect.gather [hbm4b:s2+s12], $0x80, s5, s12, $0xb8;
	[tilespmem:$0x1FC00] =	vst v63  }
0xa0: {  	_ =	swait.ge [sflag:s18], $0x4000  }
0xa1: {  	[sflag:s18] =	ssyncset.done $0x0  }
0xa2: {  	s6 =	rddreg [dreg:$0x13];
	[sflag:s18] =	ssyncadd.s32 $0xFFFFC000  }
0xa3: {  	[spmem:s3] =	stream.indirect.scatter.add.f32 [tilespmem:s15], [sflag:$0x5], $0x80, s6, s12, $0xb8;
	[tilespmem:$0x1FC00] =	vst v63  }
0xa4: {  	_ =	swait.ge [sflag:s8], $0x4000  }
0xa5: {  	[sflag:s8] =	ssyncset.done $0x0  }
0xa6: {  	s7 =	simm.s32 $0x13F80;
	[sflag:s8] =	ssyncadd.s32 $0xFFFFC000  }
0xa7: {  	[tilespmem:s15], [sflag:$0x2] =	stream.indirect.gather [hbm4b:s2+s12], $0x80, s7, s12, $0xb8;
	[tilespmem:$0x1FC00] =	vst v63  }
0xa8: {  	_ =	swait.ge [sflag:s16], $0x4000  }
0xa9: {  	[sflag:s16] =	ssyncset.done $0x0  }
0xaa: {  	s9 =	rddreg [dreg:$0x14];
	[sflag:s16] =	ssyncadd.s32 $0xFFFFC000  }
0xab: {  	[spmem:s3] =	stream.indirect.scatter.add.f32 [tilespmem:s13], [sflag:$0x5], $0x80, s9, s12, $0xb8;
	[tilespmem:$0x1FC00] =	vst v63  }
0xac: {  	_ =	swait.ge [sflag:s8], $0x4000  }
0xad: {  	[sflag:s8] =	ssyncset.done $0x0  }
0xae: {  	s10 =	simm.s32 $0x14000;
	[sflag:s8] =	ssyncadd.s32 $0xFFFFC000  }
0xaf: {  	[tilespmem:s13], [sflag:$0x1] =	stream.indirect.gather [hbm4b:s2+s12], $0x80, s10, s12, $0xb8;
	[tilespmem:$0x1FC00] =	vst v63  }
0xb0: {  	_ =	swait.ge [sflag:s18], $0x4000  }
0xb1: {  	[sflag:s18] =	ssyncset.done $0x0  }
0xb2: {  	s14 =	rddreg [dreg:$0x15];
	[sflag:s18] =	ssyncadd.s32 $0xFFFFC000  }
0xb3: {  	[spmem:s3] =	stream.indirect.scatter.add.f32 [tilespmem:s15], [sflag:$0x5], $0x80, s14, s12, $0xb8;
	[tilespmem:$0x1FC00] =	vst v63  }
0xb4: {  	_ =	swait.ge [sflag:s8], $0x4000  }
0xb5: {  	[sflag:s8] =	ssyncset.done $0x0  }
0xb6: {  	s19 =	simm.s32 $0x14080;
	[sflag:s8] =	ssyncadd.s32 $0xFFFFC000  }
0xb7: {  	[tilespmem:s15], [sflag:$0x2] =	stream.indirect.gather [hbm4b:s2+s12], $0x80, s19, s12, $0xb8;
	[tilespmem:$0x1FC00] =	vst v63  }
0xb8: {  	_ =	swait.ge [sflag:s16], $0x4000  }
0xb9: {  	[sflag:s16] =	ssyncset.done $0x0  }
0xba: {  	s20 =	rddreg [dreg:$0x16];
	[sflag:s16] =	ssyncadd.s32 $0xFFFFC000  }
0xbb: {  	[spmem:s3] =	stream.indirect.scatter.add.f32 [tilespmem:s13], [sflag:$0x5], $0x80, s20, s12, $0xb8;
	[tilespmem:$0x1FC00] =	vst v63  }
0xbc: {  	_ =	swait.ge [sflag:s8], $0x4000  }
0xbd: {  	[sflag:s8] =	ssyncset.done $0x0  }
0xbe: {  	s21 =	simm.s32 $0x14100;
	[sflag:s8] =	ssyncadd.s32 $0xFFFFC000  }
0xbf: {  	[tilespmem:s13], [sflag:$0x1] =	stream.indirect.gather [hbm4b:s2+s12], $0x80, s21, s12, $0xb8;
	[tilespmem:$0x1FC00] =	vst v63  }
0xc0: {  	_ =	swait.ge [sflag:s18], $0x4000  }
0xc1: {  	[sflag:s18] =	ssyncset.done $0x0  }
0xc2: {  	s23 =	rddreg [dreg:$0x17];
	[sflag:s18] =	ssyncadd.s32 $0xFFFFC000  }
0xc3: {  	[spmem:s3] =	stream.indirect.scatter.add.f32 [tilespmem:s15], [sflag:$0x5], $0x80, s23, s12, $0xb8;
	[tilespmem:$0x1FC00] =	vst v63  }
0xc4: {  	_ =	swait.ge [sflag:s8], $0x4000  }
0xc5: {  	[sflag:s8] =	ssyncset.done $0x0  }
0xc6: {  	s26 =	simm.s32 $0x14180;
	[sflag:s8] =	ssyncadd.s32 $0xFFFFC000  }
0xc7: {  	[tilespmem:s15], [sflag:$0x2] =	stream.indirect.gather [hbm4b:s2+s12], $0x80, s26, s12, $0xb8;
	[tilespmem:$0x1FC00] =	vst v63  }
0xc8: {  	_ =	swait.ge [sflag:s16], $0x4000  }
0xc9: {  	[sflag:s16] =	ssyncset.done $0x0  }
0xca: {  	s28 =	rddreg [dreg:$0x18];
	[sflag:s16] =	ssyncadd.s32 $0xFFFFC000  }
0xcb: {  	[spmem:s3] =	stream.indirect.scatter.add.f32 [tilespmem:s13], [sflag:$0x5], $0x80, s28, s12, $0xb8;
	[tilespmem:$0x1FC00] =	vst v63  }
0xcc: {  	_ =	swait.ge [sflag:s8], $0x4000  }
0xcd: {  	[sflag:s8] =	ssyncset.done $0x0  }
0xce: {  	s29 =	simm.s32 $0x14200;
	[sflag:s8] =	ssyncadd.s32 $0xFFFFC000  }
0xcf: {  	[tilespmem:s13], [sflag:$0x1] =	stream.indirect.gather [hbm4b:s2+s12], $0x80, s29, s12, $0xb8;
	[tilespmem:$0x1FC00] =	vst v63  }
0xd0: {  	_ =	swait.ge [sflag:s18], $0x4000  }
0xd1: {  	[sflag:s18] =	ssyncset.done $0x0  }
0xd2: {  	s30 =	rddreg [dreg:$0x19];
	[sflag:s18] =	ssyncadd.s32 $0xFFFFC000  }
0xd3: {  	[spmem:s3] =	stream.indirect.scatter.add.f32 [tilespmem:s15], [sflag:$0x5], $0x80, s30, s12, $0xb8;
	[tilespmem:$0x1FC00] =	vst v63  }
0xd4: {  	_ =	swait.ge [sflag:s8], $0x4000  }
0xd5: {  	[sflag:s8] =	ssyncset.done $0x0  }
0xd6: {  	s31 =	simm.s32 $0x14280;
	[sflag:s8] =	ssyncadd.s32 $0xFFFFC000  }
0xd7: {  	[tilespmem:s15], [sflag:$0x2] =	stream.indirect.gather [hbm4b:s2+s12], $0x80, s31, s12, $0xb8;
	[tilespmem:$0x1FC00] =	vst v63  }
0xd8: {  	_ =	swait.ge [sflag:s16], $0x4000  }
0xd9: {  	[sflag:s16] =	ssyncset.done $0x0  }
0xda: {  	s1 =	rddreg [dreg:$0x1a];
	[sflag:s16] =	ssyncadd.s32 $0xFFFFC000  }
0xdb: {  	[spmem:s3] =	stream.indirect.scatter.add.f32 [tilespmem:s13], [sflag:$0x5], $0x80, s1, s12, $0xb8;
	[tilespmem:$0x1FC00] =	vst v63  }
0xdc: {  	_ =	swait.ge [sflag:s8], $0x4000  }
0xdd: {  	[sflag:s8] =	ssyncset.done $0x0  }
0xde: {  	s5 =	simm.s32 $0x14300;
	[sflag:s8] =	ssyncadd.s32 $0xFFFFC000  }
0xdf: {  	[tilespmem:s13], [sflag:$0x1] =	stream.indirect.gather [hbm4b:s2+s12], $0x80, s5, s12, $0xb8;
	[tilespmem:$0x1FC00] =	vst v63  }
0xe0: {  	_ =	swait.ge [sflag:s18], $0x4000  }
0xe1: {  	[sflag:s18] =	ssyncset.done $0x0  }
0xe2: {  	s6 =	rddreg [dreg:$0x1b];
	[sflag:s18] =	ssyncadd.s32 $0xFFFFC000  }
0xe3: {  	[spmem:s3] =	stream.indirect.scatter.add.f32 [tilespmem:s15], [sflag:$0x5], $0x80, s6, s12, $0xb8;
	[tilespmem:$0x1FC00] =	vst v63  }
0xe4: {  	_ =	swait.ge [sflag:s8], $0x4000  }
0xe5: {  	[sflag:s8] =	ssyncset.done $0x0  }
0xe6: {  	s7 =	simm.s32 $0x14380;
	[sflag:s8] =	ssyncadd.s32 $0xFFFFC000  }
0xe7: {  	[tilespmem:s15], [sflag:$0x2] =	stream.indirect.gather [hbm4b:s2+s12], $0x80, s7, s12, $0xb8;
	[tilespmem:$0x1FC00] =	vst v63  }
0xe8: {  	_ =	swait.ge [sflag:s16], $0x4000  }
0xe9: {  	[sflag:s16] =	ssyncset.done $0x0  }
0xea: {  	s9 =	rddreg [dreg:$0x1c];
	[sflag:s16] =	ssyncadd.s32 $0xFFFFC000  }
0xeb: {  	[spmem:s3] =	stream.indirect.scatter.add.f32 [tilespmem:s13], [sflag:$0x5], $0x80, s9, s12, $0xb8;
	[tilespmem:$0x1FC00] =	vst v63  }
0xec: {  	_ =	swait.ge [sflag:s8], $0x4000  }
0xed: {  	[sflag:s8] =	ssyncset.done $0x0  }
0xee: {  	s10 =	simm.s32 $0x14400;
	[sflag:s8] =	ssyncadd.s32 $0xFFFFC000  }
0xef: {  	[tilespmem:s13], [sflag:$0x1] =	stream.indirect.gather [hbm4b:s2+s12], $0x80, s10, s12, $0xb8;
	[tilespmem:$0x1FC00] =	vst v63  }
0xf0: {  	_ =	swait.ge [sflag:s18], $0x4000  }
0xf1: {  	[sflag:s18] =	ssyncset.done $0x0  }
0xf2: {  	s14 =	rddreg [dreg:$0x1d];
	[sflag:s18] =	ssyncadd.s32 $0xFFFFC000  }
0xf3: {  	[spmem:s3] =	stream.indirect.scatter.add.f32 [tilespmem:s15], [sflag:$0x5], $0x80, s14, s12, $0xb8;
	[tilespmem:$0x1FC00] =	vst v63  }
0xf4: {  	_ =	swait.ge [sflag:s8], $0x4000  }
0xf5: {  	[sflag:s8] =	ssyncset.done $0x0  }
0xf6: {  	s19 =	simm.s32 $0x14480;
	[sflag:s8] =	ssyncadd.s32 $0xFFFFC000  }
0xf7: {  	[tilespmem:s15], [sflag:$0x2] =	stream.indirect.gather [hbm4b:s2+s12], $0x80, s19, s12, $0xb8;
	[tilespmem:$0x1FC00] =	vst v63  }
0xf8: {  	_ =	swait.ge [sflag:s16], $0x4000  }
0xf9: {  	[sflag:s16] =	ssyncset.done $0x0  }
0xfa: {  	s20 =	rddreg [dreg:$0x1e];
	[sflag:s16] =	ssyncadd.s32 $0xFFFFC000  }
0xfb: {  	[spmem:s3] =	stream.indirect.scatter.add.f32 [tilespmem:s13], [sflag:$0x5], $0x80, s20, s12, $0xb8;
	[tilespmem:$0x1FC00] =	vst v63  }
0xfc: {  	_ =	swait.ge [sflag:s8], $0x4000  }
0xfd: {  	[sflag:s8] =	ssyncset.done $0x0  }
0xfe: {  	s21 =	simm.s32 $0x14500;
	[sflag:s8] =	ssyncadd.s32 $0xFFFFC000  }
0xff: {  	[tilespmem:s13], [sflag:$0x1] =	stream.indirect.gather [hbm4b:s2+s12], $0x80, s21, s12, $0xb8;
	[tilespmem:$0x1FC00] =	vst v63  }
0x100: {  	_ =	swait.ge [sflag:s18], $0x4000  }
0x101: {  	[sflag:s18] =	ssyncset.done $0x0  }
0x102: {  	s23 =	rddreg [dreg:$0x1f];
	[sflag:s18] =	ssyncadd.s32 $0xFFFFC000  }
0x103: {  	[spmem:s3] =	stream.indirect.scatter.add.f32 [tilespmem:s15], [sflag:$0x5], $0x80, s23, s12, $0xb8;
	[tilespmem:$0x1FC00] =	vst v63  }
0x104: {  	_ =	swait.ge [sflag:s8], $0x4000  }
0x105: {  	[sflag:s8] =	ssyncset.done $0x0  }
0x106: {  	s26 =	simm.s32 $0x14580;
	[sflag:s8] =	ssyncadd.s32 $0xFFFFC000  }
0x107: {  	[tilespmem:s15], [sflag:$0x2] =	stream.indirect.gather [hbm4b:s2+s12], $0x80, s26, s12, $0xb8;
	[tilespmem:$0x1FC00] =	vst v63  }
0x108: {  	_ =	swait.ge [sflag:s16], $0x4000  }
0x109: {  	s28 =	sld [smem:$0x7BD]  }
0x10a: {  	[sflag:s16] =	ssyncset.done $0x0  }
0x10b: {  	[sflag:s16] =	ssyncadd.s32 $0xFFFFC000  }
0x10c: {  	[spmem:s3] =	stream.indirect.scatter.add.f32 [tilespmem:s13], [sflag:$0x5], $0x80, s28, s12, $0xb8;
	[tilespmem:$0x1FC00] =	vst v63  }
0x10d: {  	_ =	swait.ge [sflag:s8], $0x4000  }
0x10e: {  	[sflag:s8] =	ssyncset.done $0x0  }
0x10f: {  	[sflag:s8] =	ssyncadd.s32 $0xFFFFC000  }
0x110: {  	_ =	swait.ge [sflag:s18], $0x4000  }
0x111: {  	s29 =	sld [smem:$0x7BE]  }
0x112: {  	[sflag:s18] =	ssyncset.done $0x0  }
0x113: {  	[sflag:s18] =	ssyncadd.s32 $0xFFFFC000  }
0x114: {  	[spmem:s3] =	stream.indirect.scatter.add.f32 [tilespmem:s15], [sflag:$0x5], $0x80, s29, s12, $0xb8;
	[tilespmem:$0x1FC00] =	vst v63  }
0x115: {  	_ =	swait.ge [sflag:s8], $0x4000  }
0x116: {  	[sflag:s8] =	ssyncset.done $0x0  }
0x117: {  	s1 =	simm.s32 $0x4;
	s30 =	rddreg [dreg:$0x9];
	[sflag:s8] =	ssyncadd.s32 $0xFFFFC000  }
0x118: {  	[tilespmem:s11], [sflag:$0x3] =	stream.linear.gather [hbm4b:s30+s17], $0xA00, $0x38;
	[tilespmem:$0x1FC00] =	vst v63  }
0x119: {  	_ =	swait.ge [sflag:s1], $0xA00  }
0x11a: {  	[sflag:s1] =	ssyncset.done $0x0  }
0x11b: {  	[sflag:s1] =	ssyncadd.s32 $0xFFFFF600  }
0x11c: {  	[tilespmem:s13], [sflag:$0x1] =	stream.indirect.gather [hbm4b:s2+s12], $0x80, s4, s12, $0xb8;
	[tilespmem:$0x1FC00] =	vst v63  }
0x11d: {  	s31 =	simm.s32 $0x14880  }
0x11e: {  	[tilespmem:s15], [sflag:$0x2] =	stream.indirect.gather [hbm4b:s2+s12], $0x80, s31, s12, $0xb8;
	[tilespmem:$0x1FC00] =	vst v63  }
0x11f: {  	_ =	swait.ge [sflag:s16], $0x4000  }
0x120: {  	s5 =	sld [smem:$0x7BF]  }
0x121: {  	[sflag:s16] =	ssyncset.done $0x0  }
0x122: {  	[sflag:s16] =	ssyncadd.s32 $0xFFFFC000  }
0x123: {  	[spmem:s3] =	stream.indirect.scatter.add.f32 [tilespmem:s13], [sflag:$0x5], $0x80, s5, s12, $0xb8;
	[tilespmem:$0x1FC00] =	vst v63  }
0x124: {  	_ =	swait.ge [sflag:s8], $0x4000  }
0x125: {  	[sflag:s8] =	ssyncset.done $0x0  }
0x126: {  	s6 =	simm.s32 $0x14900;
	[sflag:s8] =	ssyncadd.s32 $0xFFFFC000  }
0x127: {  	[tilespmem:s13], [sflag:$0x1] =	stream.indirect.gather [hbm4b:s2+s12], $0x80, s6, s12, $0xb8;
	[tilespmem:$0x1FC00] =	vst v63  }
0x128: {  	_ =	swait.ge [sflag:s18], $0x4000  }
0x129: {  	s7 =	sld [smem:$0x7C0]  }
0x12a: {  	[sflag:s18] =	ssyncset.done $0x0  }
0x12b: {  	[sflag:s18] =	ssyncadd.s32 $0xFFFFC000  }
0x12c: {  	[spmem:s3] =	stream.indirect.scatter.add.f32 [tilespmem:s15], [sflag:$0x5], $0x80, s7, s12, $0xb8;
	[tilespmem:$0x1FC00] =	vst v63  }
0x12d: {  	_ =	swait.ge [sflag:s8], $0x4000  }
0x12e: {  	[sflag:s8] =	ssyncset.done $0x0  }
0x12f: {  	s9 =	simm.s32 $0x14980;
	[sflag:s8] =	ssyncadd.s32 $0xFFFFC000  }
0x130: {  	[tilespmem:s15], [sflag:$0x2] =	stream.indirect.gather [hbm4b:s2+s12], $0x80, s9, s12, $0xb8;
	[tilespmem:$0x1FC00] =	vst v63  }
0x131: {  	_ =	swait.ge [sflag:s16], $0x4000  }
0x132: {  	s10 =	sld [smem:$0x7C1]  }
0x133: {  	[sflag:s16] =	ssyncset.done $0x0  }
0x134: {  	[sflag:s16] =	ssyncadd.s32 $0xFFFFC000  }
0x135: {  	[spmem:s3] =	stream.indirect.scatter.add.f32 [tilespmem:s13], [sflag:$0x5], $0x80, s10, s12, $0xb8;
	[tilespmem:$0x1FC00] =	vst v63  }
0x136: {  	_ =	swait.ge [sflag:s8], $0x4000  }
0x137: {  	[sflag:s8] =	ssyncset.done $0x0  }
0x138: {  	s14 =	simm.s32 $0x14A00;
	[sflag:s8] =	ssyncadd.s32 $0xFFFFC000  }
0x139: {  	[tilespmem:s13], [sflag:$0x1] =	stream.indirect.gather [hbm4b:s2+s12], $0x80, s14, s12, $0xb8;
	[tilespmem:$0x1FC00] =	vst v63  }
0x13a: {  	_ =	swait.ge [sflag:s18], $0x4000  }
0x13b: {  	s19 =	sld [smem:$0x7C2]  }
0x13c: {  	[sflag:s18] =	ssyncset.done $0x0  }
0x13d: {  	[sflag:s18] =	ssyncadd.s32 $0xFFFFC000  }
0x13e: {  	[spmem:s3] =	stream.indirect.scatter.add.f32 [tilespmem:s15], [sflag:$0x5], $0x80, s19, s12, $0xb8;
	[tilespmem:$0x1FC00] =	vst v63  }
0x13f: {  	_ =	swait.ge [sflag:s8], $0x4000  }
0x140: {  	[sflag:s8] =	ssyncset.done $0x0  }
0x141: {  	s31 =	simm.s32 $0x14A80;
	[sflag:s8] =	ssyncadd.s32 $0xFFFFC000  }
0x142: {  	[tilespmem:s15], [sflag:$0x2] =	stream.indirect.gather [hbm4b:s2+s12], $0x80, s31, s12, $0xb8;
	[tilespmem:$0x1FC00] =	vst v63  }
0x143: {  	_ =	swait.ge [sflag:s16], $0x4000  }
0x144: {  	s20 =	sld [smem:$0x7C3]  }
0x145: {  	[sflag:s16] =	ssyncset.done $0x0  }
0x146: {  	[sflag:s16] =	ssyncadd.s32 $0xFFFFC000  }
0x147: {  	[spmem:s3] =	stream.indirect.scatter.add.f32 [tilespmem:s13], [sflag:$0x5], $0x80, s20, s12, $0xb8;
	[tilespmem:$0x1FC00] =	vst v63  }
0x148: {  	_ =	swait.ge [sflag:s8], $0x4000  }
0x149: {  	[sflag:s8] =	ssyncset.done $0x0  }
0x14a: {  	s30 =	simm.s32 $0x14B00;
	[sflag:s8] =	ssyncadd.s32 $0xFFFFC000  }
0x14b: {  	[tilespmem:s13], [sflag:$0x1] =	stream.indirect.gather [hbm4b:s2+s12], $0x80, s30, s12, $0xb8;
	[tilespmem:$0x1FC00] =	vst v63  }
0x14c: {  	_ =	swait.ge [sflag:s18], $0x4000  }
0x14d: {  	s21 =	sld [smem:$0x7C4]  }
0x14e: {  	[sflag:s18] =	ssyncset.done $0x0  }
0x14f: {  	[sflag:s18] =	ssyncadd.s32 $0xFFFFC000  }
0x150: {  	[spmem:s3] =	stream.indirect.scatter.add.f32 [tilespmem:s15], [sflag:$0x5], $0x80, s21, s12, $0xb8;
	[tilespmem:$0x1FC00] =	vst v63  }
0x151: {  	_ =	swait.ge [sflag:s8], $0x4000  }
0x152: {  	[sflag:s8] =	ssyncset.done $0x0  }
0x153: {  	s29 =	simm.s32 $0x14B80;
	[sflag:s8] =	ssyncadd.s32 $0xFFFFC000  }
0x154: {  	[tilespmem:s15], [sflag:$0x2] =	stream.indirect.gather [hbm4b:s2+s12], $0x80, s29, s12, $0xb8;
	[tilespmem:$0x1FC00] =	vst v63  }
0x155: {  	_ =	swait.ge [sflag:s16], $0x4000  }
0x156: {  	s23 =	sld [smem:$0x7C5]  }
0x157: {  	[sflag:s16] =	ssyncset.done $0x0  }
0x158: {  	[sflag:s16] =	ssyncadd.s32 $0xFFFFC000  }
0x159: {  	[spmem:s3] =	stream.indirect.scatter.add.f32 [tilespmem:s13], [sflag:$0x5], $0x80, s23, s12, $0xb8;
	[tilespmem:$0x1FC00] =	vst v63  }
0x15a: {  	_ =	swait.ge [sflag:s8], $0x4000  }
0x15b: {  	[sflag:s8] =	ssyncset.done $0x0  }
0x15c: {  	s28 =	simm.s32 $0x14C00;
	[sflag:s8] =	ssyncadd.s32 $0xFFFFC000  }
0x15d: {  	[tilespmem:s13], [sflag:$0x1] =	stream.indirect.gather [hbm4b:s2+s12], $0x80, s28, s12, $0xb8;
	[tilespmem:$0x1FC00] =	vst v63  }
0x15e: {  	_ =	swait.ge [sflag:s18], $0x4000  }
0x15f: {  	s26 =	sld [smem:$0x7C6]  }
0x160: {  	[sflag:s18] =	ssyncset.done $0x0  }
0x161: {  	[sflag:s18] =	ssyncadd.s32 $0xFFFFC000  }
0x162: {  	[spmem:s3] =	stream.indirect.scatter.add.f32 [tilespmem:s15], [sflag:$0x5], $0x80, s26, s12, $0xb8;
	[tilespmem:$0x1FC00] =	vst v63  }
0x163: {  	_ =	swait.ge [sflag:s8], $0x4000  }
0x164: {  	[sflag:s8] =	ssyncset.done $0x0  }
0x165: {  	s26 =	simm.s32 $0x14C80;
	[sflag:s8] =	ssyncadd.s32 $0xFFFFC000  }
0x166: {  	[tilespmem:s15], [sflag:$0x2] =	stream.indirect.gather [hbm4b:s2+s12], $0x80, s26, s12, $0xb8;
	[tilespmem:$0x1FC00] =	vst v63  }
0x167: {  	_ =	swait.ge [sflag:s16], $0x4000  }
0x168: {  	s5 =	sld [smem:$0x7C7]  }
0x169: {  	[sflag:s16] =	ssyncset.done $0x0  }
0x16a: {  	[sflag:s16] =	ssyncadd.s32 $0xFFFFC000  }
0x16b: {  	[spmem:s3] =	stream.indirect.scatter.add.f32 [tilespmem:s13], [sflag:$0x5], $0x80, s5, s12, $0xb8;
	[tilespmem:$0x1FC00] =	vst v63  }
0x16c: {  	_ =	swait.ge [sflag:s8], $0x4000  }
0x16d: {  	[sflag:s8] =	ssyncset.done $0x0  }
0x16e: {  	s23 =	simm.s32 $0x14D00;
	[sflag:s8] =	ssyncadd.s32 $0xFFFFC000  }
0x16f: {  	[tilespmem:s13], [sflag:$0x1] =	stream.indirect.gather [hbm4b:s2+s12], $0x80, s23, s12, $0xb8;
	[tilespmem:$0x1FC00] =	vst v63  }
0x170: {  	_ =	swait.ge [sflag:s18], $0x4000  }
0x171: {  	s6 =	sld [smem:$0x7C8]  }
0x172: {  	[sflag:s18] =	ssyncset.done $0x0  }
0x173: {  	[sflag:s18] =	ssyncadd.s32 $0xFFFFC000  }
0x174: {  	[spmem:s3] =	stream.indirect.scatter.add.f32 [tilespmem:s15], [sflag:$0x5], $0x80, s6, s12, $0xb8;
	[tilespmem:$0x1FC00] =	vst v63  }
0x175: {  	_ =	swait.ge [sflag:s8], $0x4000  }
0x176: {  	[sflag:s8] =	ssyncset.done $0x0  }
0x177: {  	s10 =	simm.s32 $0x14D80;
	[sflag:s8] =	ssyncadd.s32 $0xFFFFC000  }
0x178: {  	[tilespmem:s15], [sflag:$0x2] =	stream.indirect.gather [hbm4b:s2+s12], $0x80, s10, s12, $0xb8;
	[tilespmem:$0x1FC00] =	vst v63  }
0x179: {  	_ =	swait.ge [sflag:s16], $0x4000  }
0x17a: {  	s7 =	sld [smem:$0x7C9]  }
0x17b: {  	[sflag:s16] =	ssyncset.done $0x0  }
0x17c: {  	[sflag:s16] =	ssyncadd.s32 $0xFFFFC000  }
0x17d: {  	[spmem:s3] =	stream.indirect.scatter.add.f32 [tilespmem:s13], [sflag:$0x5], $0x80, s7, s12, $0xb8;
	[tilespmem:$0x1FC00] =	vst v63  }
0x17e: {  	_ =	swait.ge [sflag:s8], $0x4000  }
0x17f: {  	[sflag:s8] =	ssyncset.done $0x0  }
0x180: {  	s7 =	simm.s32 $0x14E00;
	[sflag:s8] =	ssyncadd.s32 $0xFFFFC000  }
0x181: {  	[tilespmem:s13], [sflag:$0x1] =	stream.indirect.gather [hbm4b:s2+s12], $0x80, s7, s12, $0xb8;
	[tilespmem:$0x1FC00] =	vst v63  }
0x182: {  	_ =	swait.ge [sflag:s18], $0x4000  }
0x183: {  	s9 =	sld [smem:$0x7CA]  }
0x184: {  	[sflag:s18] =	ssyncset.done $0x0  }
0x185: {  	[sflag:s18] =	ssyncadd.s32 $0xFFFFC000  }
0x186: {  	[spmem:s3] =	stream.indirect.scatter.add.f32 [tilespmem:s15], [sflag:$0x5], $0x80, s9, s12, $0xb8;
	[tilespmem:$0x1FC00] =	vst v63  }
0x187: {  	_ =	swait.ge [sflag:s8], $0x4000  }
0x188: {  	[sflag:s8] =	ssyncset.done $0x0  }
0x189: {  	s6 =	simm.s32 $0x14E80;
	[sflag:s8] =	ssyncadd.s32 $0xFFFFC000  }
0x18a: {  	[tilespmem:s15], [sflag:$0x2] =	stream.indirect.gather [hbm4b:s2+s12], $0x80, s6, s12, $0xb8;
	[tilespmem:$0x1FC00] =	vst v63  }
0x18b: {  	_ =	swait.ge [sflag:s16], $0x4000  }
0x18c: {  	s14 =	sld [smem:$0x7CB]  }
0x18d: {  	[sflag:s16] =	ssyncset.done $0x0  }
0x18e: {  	[sflag:s16] =	ssyncadd.s32 $0xFFFFC000  }
0x18f: {  	[spmem:s3] =	stream.indirect.scatter.add.f32 [tilespmem:s13], [sflag:$0x5], $0x80, s14, s12, $0xb8;
	[tilespmem:$0x1FC00] =	vst v63  }
0x190: {  	_ =	swait.ge [sflag:s8], $0x4000  }
0x191: {  	[sflag:s8] =	ssyncset.done $0x0  }
0x192: {  	s0 =	simm.s32 $0x14F00;
	[sflag:s8] =	ssyncadd.s32 $0xFFFFC000  }
0x193: {  	[tilespmem:s13], [sflag:$0x1] =	stream.indirect.gather [hbm4b:s2+s12], $0x80, s0, s12, $0xb8;
	[tilespmem:$0x1FC00] =	vst v63  }
0x194: {  	_ =	swait.ge [sflag:s18], $0x4000  }
0x195: {  	s19 =	sld [smem:$0x7CC]  }
0x196: {  	[sflag:s18] =	ssyncset.done $0x0  }
0x197: {  	[sflag:s18] =	ssyncadd.s32 $0xFFFFC000  }
0x198: {  	[spmem:s3] =	stream.indirect.scatter.add.f32 [tilespmem:s15], [sflag:$0x5], $0x80, s19, s12, $0xb8;
	[tilespmem:$0x1FC00] =	vst v63  }
0x199: {  	_ =	swait.ge [sflag:s8], $0x4000  }
0x19a: {  	[sflag:s8] =	ssyncset.done $0x0  }
0x19b: {  	s5 =	simm.s32 $0x14F80;
	[sflag:s8] =	ssyncadd.s32 $0xFFFFC000  }
0x19c: {  	[tilespmem:s15], [sflag:$0x2] =	stream.indirect.gather [hbm4b:s2+s12], $0x80, s5, s12, $0xb8;
	[tilespmem:$0x1FC00] =	vst v63  }
0x19d: {  	_ =	swait.ge [sflag:s16], $0x4000  }
0x19e: {  	s20 =	sld [smem:$0x7CD]  }
0x19f: {  	[sflag:s16] =	ssyncset.done $0x0  }
0x1a0: {  	[sflag:s16] =	ssyncadd.s32 $0xFFFFC000  }
0x1a1: {  	[spmem:s3] =	stream.indirect.scatter.add.f32 [tilespmem:s13], [sflag:$0x5], $0x80, s20, s12, $0xb8;
	[tilespmem:$0x1FC00] =	vst v63  }
0x1a2: {  	_ =	swait.ge [sflag:s8], $0x4000  }
0x1a3: {  	[sflag:s8] =	ssyncset.done $0x0  }
0x1a4: {  	s9 =	simm.s32 $0x15000;
	[sflag:s8] =	ssyncadd.s32 $0xFFFFC000  }
0x1a5: {  	[tilespmem:s13], [sflag:$0x1] =	stream.indirect.gather [hbm4b:s2+s12], $0x80, s9, s12, $0xb8;
	[tilespmem:$0x1FC00] =	vst v63  }
0x1a6: {  	_ =	swait.ge [sflag:s18], $0x4000  }
0x1a7: {  	s14 =	sld [smem:$0x7CE]  }
0x1a8: {  	[sflag:s18] =	ssyncset.done $0x0  }
0x1a9: {  	[sflag:s18] =	ssyncadd.s32 $0xFFFFC000  }
0x1aa: {  	[spmem:s3] =	stream.indirect.scatter.add.f32 [tilespmem:s15], [sflag:$0x5], $0x80, s14, s12, $0xb8;
	[tilespmem:$0x1FC00] =	vst v63  }
0x1ab: {  	_ =	swait.ge [sflag:s8], $0x4000  }
0x1ac: {  	[sflag:s8] =	ssyncset.done $0x0  }
0x1ad: {  	s14 =	simm.s32 $0x15080;
	[sflag:s8] =	ssyncadd.s32 $0xFFFFC000  }
0x1ae: {  	[tilespmem:s15], [sflag:$0x2] =	stream.indirect.gather [hbm4b:s2+s12], $0x80, s14, s12, $0xb8;
	[tilespmem:$0x1FC00] =	vst v63  }
0x1af: {  	_ =	swait.ge [sflag:s16], $0x4000  }
0x1b0: {  	s19 =	sld [smem:$0x7CF]  }
0x1b1: {  	[sflag:s16] =	ssyncset.done $0x0  }
0x1b2: {  	[sflag:s16] =	ssyncadd.s32 $0xFFFFC000  }
0x1b3: {  	[spmem:s3] =	stream.indirect.scatter.add.f32 [tilespmem:s13], [sflag:$0x5], $0x80, s19, s12, $0xb8;
	[tilespmem:$0x1FC00] =	vst v63  }
0x1b4: {  	_ =	swait.ge [sflag:s8], $0x4000  }
0x1b5: {  	[sflag:s8] =	ssyncset.done $0x0  }
0x1b6: {  	s19 =	simm.s32 $0x15100;
	[sflag:s8] =	ssyncadd.s32 $0xFFFFC000  }
0x1b7: {  	[tilespmem:s13], [sflag:$0x1] =	stream.indirect.gather [hbm4b:s2+s12], $0x80, s19, s12, $0xb8;
	[tilespmem:$0x1FC00] =	vst v63  }
0x1b8: {  	_ =	swait.ge [sflag:s18], $0x4000  }
0x1b9: {  	s20 =	sld [smem:$0x7D0]  }
0x1ba: {  	[sflag:s18] =	ssyncset.done $0x0  }
0x1bb: {  	[sflag:s18] =	ssyncadd.s32 $0xFFFFC000  }
0x1bc: {  	[spmem:s3] =	stream.indirect.scatter.add.f32 [tilespmem:s15], [sflag:$0x5], $0x80, s20, s12, $0xb8;
	[tilespmem:$0x1FC00] =	vst v63  }
0x1bd: {  	_ =	swait.ge [sflag:s8], $0x4000  }
0x1be: {  	[sflag:s8] =	ssyncset.done $0x0  }
0x1bf: {  	s20 =	simm.s32 $0x15180;
	[sflag:s8] =	ssyncadd.s32 $0xFFFFC000  }
0x1c0: {  	[tilespmem:s15], [sflag:$0x2] =	stream.indirect.gather [hbm4b:s2+s12], $0x80, s20, s12, $0xb8;
	[tilespmem:$0x1FC00] =	vst v63  }
0x1c1: {  	_ =	swait.ge [sflag:s16], $0x4000  }
0x1c2: {  	s21 =	sld [smem:$0x7D1]  }
0x1c3: {  	[sflag:s16] =	ssyncset.done $0x0  }
0x1c4: {  	[sflag:s16] =	ssyncadd.s32 $0xFFFFC000  }
0x1c5: {  	[spmem:s3] =	stream.indirect.scatter.add.f32 [tilespmem:s13], [sflag:$0x5], $0x80, s21, s12, $0xb8;
	[tilespmem:$0x1FC00] =	vst v63  }
0x1c6: {  	_ =	swait.ge [sflag:s8], $0x4000  }
0x1c7: {  	[sflag:s8] =	ssyncset.done $0x0  }
0x1c8: {  	[sflag:s8] =	ssyncadd.s32 $0xFFFFC000  }
0x1c9: {  	_ =	swait.ge [sflag:s18], $0x4000  }
0x1ca: {  	s21 =	sld [smem:$0x7D2]  }
0x1cb: {  	[sflag:s18] =	ssyncset.done $0x0  }
0x1cc: {  	[sflag:s18] =	ssyncadd.s32 $0xFFFFC000  }
0x1cd: {  	[spmem:s3] =	stream.indirect.scatter.add.f32 [tilespmem:s15], [sflag:$0x5], $0x80, s21, s12, $0xb8;
	[tilespmem:$0x1FC00] =	vst v63  }
0x1ce: {  	_ =	swait.ge [sflag:s8], $0x4000  }
0x1cf: {  	[sflag:s8] =	ssyncset.done $0x0  }
0x1d0: {  	s21 =	rddreg [dreg:$0xa];
	[sflag:s8] =	ssyncadd.s32 $0xFFFFC000  }
0x1d1: {  	[tilespmem:s4], [sflag:$0x4] =	stream.linear.gather [hbm4b:s21+s17], $0xA00, $0x38;
	[tilespmem:$0x1FC00] =	vst v63  }
0x1d2: {  	s21 =	simm.s32 $0x3  }
0x1d3: {  	_ =	swait.ge [sflag:s21], $0xA00  }
0x1d4: {  	[sflag:s21] =	ssyncset.done $0x0  }
0x1d5: {  	[sflag:s21] =	ssyncadd.s32 $0xFFFFF600  }
0x1d6: {  	[tilespmem:s13], [sflag:$0x1] =	stream.indirect.gather [hbm4b:s2+s12], $0x80, s11, s12, $0xb8;
	[tilespmem:$0x1FC00] =	vst v63  }
0x1d7: {  	_ = 	snop  }
0x1d8: {  	[tilespmem:s15], [sflag:$0x2] =	stream.indirect.gather [hbm4b:s2+s12], $0x80, s24, s12, $0xb8;
	[tilespmem:$0x1FC00] =	vst v63  }
0x1d9: {  	_ =	swait.ge [sflag:s16], $0x4000  }
0x1da: {  	s11 =	sld [smem:$0x7D3]  }
0x1db: {  	[sflag:s16] =	ssyncset.done $0x0  }
0x1dc: {  	[sflag:s16] =	ssyncadd.s32 $0xFFFFC000  }
0x1dd: {  	[spmem:s3] =	stream.indirect.scatter.add.f32 [tilespmem:s13], [sflag:$0x5], $0x80, s11, s12, $0xb8;
	[tilespmem:$0x1FC00] =	vst v63  }
0x1de: {  	_ =	swait.ge [sflag:s8], $0x4000  }
0x1df: {  	[sflag:s8] =	ssyncset.done $0x0  }
0x1e0: {  	s17 =	simm.s32 $0x13D00;
	[sflag:s8] =	ssyncadd.s32 $0xFFFFC000  }
0x1e1: {  	[tilespmem:s13], [sflag:$0x1] =	stream.indirect.gather [hbm4b:s2+s12], $0x80, s17, s12, $0xb8;
	[tilespmem:$0x1FC00] =	vst v63  }
0x1e2: {  	_ =	swait.ge [sflag:s18], $0x4000  }
0x1e3: {  	s21 =	sld [smem:$0x7D4]  }
0x1e4: {  	[sflag:s18] =	ssyncset.done $0x0  }
0x1e5: {  	[sflag:s18] =	ssyncadd.s32 $0xFFFFC000  }
0x1e6: {  	[spmem:s3] =	stream.indirect.scatter.add.f32 [tilespmem:s15], [sflag:$0x5], $0x80, s21, s12, $0xb8;
	[tilespmem:$0x1FC00] =	vst v63  }
0x1e7: {  	_ =	swait.ge [sflag:s8], $0x4000  }
0x1e8: {  	[sflag:s8] =	ssyncset.done $0x0  }
0x1e9: {  	s24 =	simm.s32 $0x13D80;
	[sflag:s8] =	ssyncadd.s32 $0xFFFFC000  }
0x1ea: {  	[tilespmem:s15], [sflag:$0x2] =	stream.indirect.gather [hbm4b:s2+s12], $0x80, s24, s12, $0xb8;
	[tilespmem:$0x1FC00] =	vst v63  }
0x1eb: {  	_ =	swait.ge [sflag:s16], $0x4000  }
0x1ec: {  	s11 =	sld [smem:$0x7D5]  }
0x1ed: {  	[sflag:s16] =	ssyncset.done $0x0  }
0x1ee: {  	[sflag:s16] =	ssyncadd.s32 $0xFFFFC000  }
0x1ef: {  	[spmem:s3] =	stream.indirect.scatter.add.f32 [tilespmem:s13], [sflag:$0x5], $0x80, s11, s12, $0xb8;
	[tilespmem:$0x1FC00] =	vst v63  }
0x1f0: {  	_ =	swait.ge [sflag:s8], $0x4000  }
0x1f1: {  	[sflag:s8] =	ssyncset.done $0x0  }
0x1f2: {  	s17 =	simm.s32 $0x13E00;
	[sflag:s8] =	ssyncadd.s32 $0xFFFFC000  }
0x1f3: {  	[tilespmem:s13], [sflag:$0x1] =	stream.indirect.gather [hbm4b:s2+s12], $0x80, s17, s12, $0xb8;
	[tilespmem:$0x1FC00] =	vst v63  }
0x1f4: {  	_ =	swait.ge [sflag:s18], $0x4000  }
0x1f5: {  	s21 =	sld [smem:$0x7D6]  }
0x1f6: {  	[sflag:s18] =	ssyncset.done $0x0  }
0x1f7: {  	[sflag:s18] =	ssyncadd.s32 $0xFFFFC000  }
0x1f8: {  	[spmem:s3] =	stream.indirect.scatter.add.f32 [tilespmem:s15], [sflag:$0x5], $0x80, s21, s12, $0xb8;
	[tilespmem:$0x1FC00] =	vst v63  }
0x1f9: {  	_ =	swait.ge [sflag:s8], $0x4000  }
0x1fa: {  	[sflag:s8] =	ssyncset.done $0x0  }
0x1fb: {  	s24 =	simm.s32 $0x13E80;
	[sflag:s8] =	ssyncadd.s32 $0xFFFFC000  }
0x1fc: {  	[tilespmem:s15], [sflag:$0x2] =	stream.indirect.gather [hbm4b:s2+s12], $0x80, s24, s12, $0xb8;
	[tilespmem:$0x1FC00] =	vst v63  }
0x1fd: {  	_ =	swait.ge [sflag:s16], $0x4000  }
0x1fe: {  	s11 =	sld [smem:$0x7D7]  }
0x1ff: {  	[sflag:s16] =	ssyncset.done $0x0  }
0x200: {  	[sflag:s16] =	ssyncadd.s32 $0xFFFFC000  }
0x201: {  	[spmem:s3] =	stream.indirect.scatter.add.f32 [tilespmem:s13], [sflag:$0x5], $0x80, s11, s12, $0xb8;
	[tilespmem:$0x1FC00] =	vst v63  }
0x202: {  	_ =	swait.ge [sflag:s8], $0x4000  }
0x203: {  	[sflag:s8] =	ssyncset.done $0x0  }
0x204: {  	s17 =	simm.s32 $0x13F00;
	[sflag:s8] =	ssyncadd.s32 $0xFFFFC000  }
0x205: {  	[tilespmem:s13], [sflag:$0x1] =	stream.indirect.gather [hbm4b:s2+s12], $0x80, s17, s12, $0xb8;
	[tilespmem:$0x1FC00] =	vst v63  }
0x206: {  	_ =	swait.ge [sflag:s18], $0x4000  }
0x207: {  	s21 =	sld [smem:$0x7D8]  }
0x208: {  	[sflag:s18] =	ssyncset.done $0x0  }
0x209: {  	[sflag:s18] =	ssyncadd.s32 $0xFFFFC000  }
0x20a: {  	[spmem:s3] =	stream.indirect.scatter.add.f32 [tilespmem:s15], [sflag:$0x5], $0x80, s21, s12, $0xb8;
	[tilespmem:$0x1FC00] =	vst v63  }
0x20b: {  	_ =	swait.ge [sflag:s8], $0x4000  }
0x20c: {  	[sflag:s8] =	ssyncset.done $0x0  }
0x20d: {  	s24 =	simm.s32 $0x13F80;
	[sflag:s8] =	ssyncadd.s32 $0xFFFFC000  }
0x20e: {  	[tilespmem:s15], [sflag:$0x2] =	stream.indirect.gather [hbm4b:s2+s12], $0x80, s24, s12, $0xb8;
	[tilespmem:$0x1FC00] =	vst v63  }
0x20f: {  	_ =	swait.ge [sflag:s16], $0x4000  }
0x210: {  	s11 =	sld [smem:$0x7D9]  }
0x211: {  	[sflag:s16] =	ssyncset.done $0x0  }
0x212: {  	[sflag:s16] =	ssyncadd.s32 $0xFFFFC000  }
0x213: {  	[spmem:s3] =	stream.indirect.scatter.add.f32 [tilespmem:s13], [sflag:$0x5], $0x80, s11, s12, $0xb8;
	[tilespmem:$0x1FC00] =	vst v63  }
0x214: {  	_ =	swait.ge [sflag:s8], $0x4000  }
0x215: {  	[sflag:s8] =	ssyncset.done $0x0  }
0x216: {  	s17 =	simm.s32 $0x14000;
	[sflag:s8] =	ssyncadd.s32 $0xFFFFC000  }
0x217: {  	[tilespmem:s13], [sflag:$0x1] =	stream.indirect.gather [hbm4b:s2+s12], $0x80, s17, s12, $0xb8;
	[tilespmem:$0x1FC00] =	vst v63  }
0x218: {  	_ =	swait.ge [sflag:s18], $0x4000  }
0x219: {  	s21 =	sld [smem:$0x7DA]  }
0x21a: {  	[sflag:s18] =	ssyncset.done $0x0  }
0x21b: {  	[sflag:s18] =	ssyncadd.s32 $0xFFFFC000  }
0x21c: {  	[spmem:s3] =	stream.indirect.scatter.add.f32 [tilespmem:s15], [sflag:$0x5], $0x80, s21, s12, $0xb8;
	[tilespmem:$0x1FC00] =	vst v63  }
0x21d: {  	_ =	swait.ge [sflag:s8], $0x4000  }
0x21e: {  	[sflag:s8] =	ssyncset.done $0x0  }
0x21f: {  	s24 =	simm.s32 $0x14080;
	[sflag:s8] =	ssyncadd.s32 $0xFFFFC000  }
0x220: {  	[tilespmem:s15], [sflag:$0x2] =	stream.indirect.gather [hbm4b:s2+s12], $0x80, s24, s12, $0xb8;
	[tilespmem:$0x1FC00] =	vst v63  }
0x221: {  	_ =	swait.ge [sflag:s16], $0x4000  }
0x222: {  	s11 =	sld [smem:$0x7DB]  }
0x223: {  	[sflag:s16] =	ssyncset.done $0x0  }
0x224: {  	[sflag:s16] =	ssyncadd.s32 $0xFFFFC000  }
0x225: {  	[spmem:s3] =	stream.indirect.scatter.add.f32 [tilespmem:s13], [sflag:$0x5], $0x80, s11, s12, $0xb8;
	[tilespmem:$0x1FC00] =	vst v63  }
0x226: {  	_ =	swait.ge [sflag:s8], $0x4000  }
0x227: {  	[sflag:s8] =	ssyncset.done $0x0  }
0x228: {  	s17 =	simm.s32 $0x14100;
	[sflag:s8] =	ssyncadd.s32 $0xFFFFC000  }
0x229: {  	[tilespmem:s13], [sflag:$0x1] =	stream.indirect.gather [hbm4b:s2+s12], $0x80, s17, s12, $0xb8;
	[tilespmem:$0x1FC00] =	vst v63  }
0x22a: {  	_ =	swait.ge [sflag:s18], $0x4000  }
0x22b: {  	s21 =	sld [smem:$0x7DC]  }
0x22c: {  	[sflag:s18] =	ssyncset.done $0x0  }
0x22d: {  	[sflag:s18] =	ssyncadd.s32 $0xFFFFC000  }
0x22e: {  	[spmem:s3] =	stream.indirect.scatter.add.f32 [tilespmem:s15], [sflag:$0x5], $0x80, s21, s12, $0xb8;
	[tilespmem:$0x1FC00] =	vst v63  }
0x22f: {  	_ =	swait.ge [sflag:s8], $0x4000  }
0x230: {  	[sflag:s8] =	ssyncset.done $0x0  }
0x231: {  	s24 =	simm.s32 $0x14180;
	[sflag:s8] =	ssyncadd.s32 $0xFFFFC000  }
0x232: {  	[tilespmem:s15], [sflag:$0x2] =	stream.indirect.gather [hbm4b:s2+s12], $0x80, s24, s12, $0xb8;
	[tilespmem:$0x1FC00] =	vst v63  }
0x233: {  	_ =	swait.ge [sflag:s16], $0x4000  }
0x234: {  	s11 =	sld [smem:$0x7DD]  }
0x235: {  	[sflag:s16] =	ssyncset.done $0x0  }
0x236: {  	[sflag:s16] =	ssyncadd.s32 $0xFFFFC000  }
0x237: {  	[spmem:s3] =	stream.indirect.scatter.add.f32 [tilespmem:s13], [sflag:$0x5], $0x80, s11, s12, $0xb8;
	[tilespmem:$0x1FC00] =	vst v63  }
0x238: {  	_ =	swait.ge [sflag:s8], $0x4000  }
0x239: {  	[sflag:s8] =	ssyncset.done $0x0  }
0x23a: {  	s17 =	simm.s32 $0x14200;
	[sflag:s8] =	ssyncadd.s32 $0xFFFFC000  }
0x23b: {  	[tilespmem:s13], [sflag:$0x1] =	stream.indirect.gather [hbm4b:s2+s12], $0x80, s17, s12, $0xb8;
	[tilespmem:$0x1FC00] =	vst v63  }
0x23c: {  	_ =	swait.ge [sflag:s18], $0x4000  }
0x23d: {  	s21 =	sld [smem:$0x7DE]  }
0x23e: {  	[sflag:s18] =	ssyncset.done $0x0  }
0x23f: {  	[sflag:s18] =	ssyncadd.s32 $0xFFFFC000  }
0x240: {  	[spmem:s3] =	stream.indirect.scatter.add.f32 [tilespmem:s15], [sflag:$0x5], $0x80, s21, s12, $0xb8;
	[tilespmem:$0x1FC00] =	vst v63  }
0x241: {  	_ =	swait.ge [sflag:s8], $0x4000  }
0x242: {  	[sflag:s8] =	ssyncset.done $0x0  }
0x243: {  	s24 =	simm.s32 $0x14280;
	[sflag:s8] =	ssyncadd.s32 $0xFFFFC000  }
0x244: {  	[tilespmem:s15], [sflag:$0x2] =	stream.indirect.gather [hbm4b:s2+s12], $0x80, s24, s12, $0xb8;
	[tilespmem:$0x1FC00] =	vst v63  }
0x245: {  	_ =	swait.ge [sflag:s16], $0x4000  }
0x246: {  	s11 =	sld [smem:$0x7DF]  }
0x247: {  	[sflag:s16] =	ssyncset.done $0x0  }
0x248: {  	[sflag:s16] =	ssyncadd.s32 $0xFFFFC000  }
0x249: {  	[spmem:s3] =	stream.indirect.scatter.add.f32 [tilespmem:s13], [sflag:$0x5], $0x80, s11, s12, $0xb8;
	[tilespmem:$0x1FC00] =	vst v63  }
0x24a: {  	_ =	swait.ge [sflag:s8], $0x4000  }
0x24b: {  	[sflag:s8] =	ssyncset.done $0x0  }
0x24c: {  	s17 =	simm.s32 $0x14300;
	[sflag:s8] =	ssyncadd.s32 $0xFFFFC000  }
0x24d: {  	[tilespmem:s13], [sflag:$0x1] =	stream.indirect.gather [hbm4b:s2+s12], $0x80, s17, s12, $0xb8;
	[tilespmem:$0x1FC00] =	vst v63  }
0x24e: {  	_ =	swait.ge [sflag:s18], $0x4000  }
0x24f: {  	s21 =	sld [smem:$0x7E0]  }
0x250: {  	[sflag:s18] =	ssyncset.done $0x0  }
0x251: {  	[sflag:s18] =	ssyncadd.s32 $0xFFFFC000  }
0x252: {  	[spmem:s3] =	stream.indirect.scatter.add.f32 [tilespmem:s15], [sflag:$0x5], $0x80, s21, s12, $0xb8;
	[tilespmem:$0x1FC00] =	vst v63  }
0x253: {  	_ =	swait.ge [sflag:s8], $0x4000  }
0x254: {  	[sflag:s8] =	ssyncset.done $0x0  }
0x255: {  	s24 =	simm.s32 $0x14380;
	[sflag:s8] =	ssyncadd.s32 $0xFFFFC000  }
0x256: {  	[tilespmem:s15], [sflag:$0x2] =	stream.indirect.gather [hbm4b:s2+s12], $0x80, s24, s12, $0xb8;
	[tilespmem:$0x1FC00] =	vst v63  }
0x257: {  	_ =	swait.ge [sflag:s16], $0x4000  }
0x258: {  	s11 =	sld [smem:$0x7E1]  }
0x259: {  	[sflag:s16] =	ssyncset.done $0x0  }
0x25a: {  	[sflag:s16] =	ssyncadd.s32 $0xFFFFC000  }
0x25b: {  	[spmem:s3] =	stream.indirect.scatter.add.f32 [tilespmem:s13], [sflag:$0x5], $0x80, s11, s12, $0xb8;
	[tilespmem:$0x1FC00] =	vst v63  }
0x25c: {  	_ =	swait.ge [sflag:s8], $0x4000  }
0x25d: {  	[sflag:s8] =	ssyncset.done $0x0  }
0x25e: {  	s17 =	simm.s32 $0x14400;
	[sflag:s8] =	ssyncadd.s32 $0xFFFFC000  }
0x25f: {  	[tilespmem:s13], [sflag:$0x1] =	stream.indirect.gather [hbm4b:s2+s12], $0x80, s17, s12, $0xb8;
	[tilespmem:$0x1FC00] =	vst v63  }
0x260: {  	_ =	swait.ge [sflag:s18], $0x4000  }
0x261: {  	s21 =	sld [smem:$0x7E2]  }
0x262: {  	[sflag:s18] =	ssyncset.done $0x0  }
0x263: {  	[sflag:s18] =	ssyncadd.s32 $0xFFFFC000  }
0x264: {  	[spmem:s3] =	stream.indirect.scatter.add.f32 [tilespmem:s15], [sflag:$0x5], $0x80, s21, s12, $0xb8;
	[tilespmem:$0x1FC00] =	vst v63  }
0x265: {  	_ =	swait.ge [sflag:s8], $0x4000  }
0x266: {  	[sflag:s8] =	ssyncset.done $0x0  }
0x267: {  	s24 =	simm.s32 $0x14480;
	[sflag:s8] =	ssyncadd.s32 $0xFFFFC000  }
0x268: {  	[tilespmem:s15], [sflag:$0x2] =	stream.indirect.gather [hbm4b:s2+s12], $0x80, s24, s12, $0xb8;
	[tilespmem:$0x1FC00] =	vst v63  }
0x269: {  	_ =	swait.ge [sflag:s16], $0x4000  }
0x26a: {  	s11 =	sld [smem:$0x7E3]  }
0x26b: {  	[sflag:s16] =	ssyncset.done $0x0  }
0x26c: {  	[sflag:s16] =	ssyncadd.s32 $0xFFFFC000  }
0x26d: {  	[spmem:s3] =	stream.indirect.scatter.add.f32 [tilespmem:s13], [sflag:$0x5], $0x80, s11, s12, $0xb8;
	[tilespmem:$0x1FC00] =	vst v63  }
0x26e: {  	_ =	swait.ge [sflag:s8], $0x4000  }
0x26f: {  	[sflag:s8] =	ssyncset.done $0x0  }
0x270: {  	s17 =	simm.s32 $0x14500;
	[sflag:s8] =	ssyncadd.s32 $0xFFFFC000  }
0x271: {  	[tilespmem:s13], [sflag:$0x1] =	stream.indirect.gather [hbm4b:s2+s12], $0x80, s17, s12, $0xb8;
	[tilespmem:$0x1FC00] =	vst v63  }
0x272: {  	_ =	swait.ge [sflag:s18], $0x4000  }
0x273: {  	s21 =	sld [smem:$0x7E4]  }
0x274: {  	[sflag:s18] =	ssyncset.done $0x0  }
0x275: {  	[sflag:s18] =	ssyncadd.s32 $0xFFFFC000  }
0x276: {  	[spmem:s3] =	stream.indirect.scatter.add.f32 [tilespmem:s15], [sflag:$0x5], $0x80, s21, s12, $0xb8;
	[tilespmem:$0x1FC00] =	vst v63  }
0x277: {  	_ =	swait.ge [sflag:s8], $0x4000  }
0x278: {  	[sflag:s8] =	ssyncset.done $0x0  }
0x279: {  	s24 =	simm.s32 $0x14580;
	[sflag:s8] =	ssyncadd.s32 $0xFFFFC000  }
0x27a: {  	[tilespmem:s15], [sflag:$0x2] =	stream.indirect.gather [hbm4b:s2+s12], $0x80, s24, s12, $0xb8;
	[tilespmem:$0x1FC00] =	vst v63  }
0x27b: {  	_ =	swait.ge [sflag:s16], $0x4000  }
0x27c: {  	s17 =	sld [smem:$0x7E5]  }
0x27d: {  	[sflag:s16] =	ssyncset.done $0x0  }
0x27e: {  	[sflag:s16] =	ssyncadd.s32 $0xFFFFC000  }
0x27f: {  	[spmem:s3] =	stream.indirect.scatter.add.f32 [tilespmem:s13], [sflag:$0x5], $0x80, s17, s12, $0xb8;
	[tilespmem:$0x1FC00] =	vst v63  }
0x280: {  	_ =	swait.ge [sflag:s8], $0x4000  }
0x281: {  	[sflag:s8] =	ssyncset.done $0x0  }
0x282: {  	[sflag:s8] =	ssyncadd.s32 $0xFFFFC000  }
0x283: {  	_ =	swait.ge [sflag:s18], $0x4000  }
0x284: {  	s21 =	sld [smem:$0x7E6]  }
0x285: {  	[sflag:s18] =	ssyncset.done $0x0  }
0x286: {  	[sflag:s18] =	ssyncadd.s32 $0xFFFFC000  }
0x287: {  	[spmem:s3] =	stream.indirect.scatter.add.f32 [tilespmem:s15], [sflag:$0x5], $0x80, s21, s12, $0xb8;
	[tilespmem:$0x1FC00] =	vst v63  }
0x288: {  	_ =	swait.ge [sflag:s8], $0x4000  }
0x289: {  	[sflag:s8] =	ssyncset.done $0x0  }
0x28a: {  	[sflag:s8] =	ssyncadd.s32 $0xFFFFC000  }
0x28b: {  	_ =	swait.ge [sflag:s1], $0xA00  }
0x28c: {  	[sflag:s1] =	ssyncset.done $0x0  }
0x28d: {  	[sflag:s1] =	ssyncadd.s32 $0xFFFFF600  }
0x28e: {  	[tilespmem:s13], [sflag:$0x1] =	stream.indirect.gather [hbm4b:s2+s12], $0x80, s4, s12, $0xb8;
	[tilespmem:$0x1FC00] =	vst v63  }
0x28f: {  	s24 =	simm.s32 $0x14880  }
0x290: {  	[tilespmem:s15], [sflag:$0x2] =	stream.indirect.gather [hbm4b:s2+s12], $0x80, s24, s12, $0xb8;
	[tilespmem:$0x1FC00] =	vst v63  }
0x291: {  	_ =	swait.ge [sflag:s16], $0x4000  }
0x292: {  	s1 =	sld [smem:$0x7E7]  }
0x293: {  	[sflag:s16] =	ssyncset.done $0x0  }
0x294: {  	[sflag:s16] =	ssyncadd.s32 $0xFFFFC000  }
0x295: {  	[spmem:s3] =	stream.indirect.scatter.add.f32 [tilespmem:s13], [sflag:$0x5], $0x80, s1, s12, $0xb8;
	[tilespmem:$0x1FC00] =	vst v63  }
0x296: {  	_ =	swait.ge [sflag:s8], $0x4000  }
0x297: {  	[sflag:s8] =	ssyncset.done $0x0  }
0x298: {  	s4 =	simm.s32 $0x14900;
	[sflag:s8] =	ssyncadd.s32 $0xFFFFC000  }
0x299: {  	[tilespmem:s13], [sflag:$0x1] =	stream.indirect.gather [hbm4b:s2+s12], $0x80, s4, s12, $0xb8;
	[tilespmem:$0x1FC00] =	vst v63  }
0x29a: {  	_ =	swait.ge [sflag:s18], $0x4000  }
0x29b: {  	s11 =	sld [smem:$0x7E8]  }
0x29c: {  	[sflag:s18] =	ssyncset.done $0x0  }
0x29d: {  	[sflag:s18] =	ssyncadd.s32 $0xFFFFC000  }
0x29e: {  	[spmem:s3] =	stream.indirect.scatter.add.f32 [tilespmem:s15], [sflag:$0x5], $0x80, s11, s12, $0xb8;
	[tilespmem:$0x1FC00] =	vst v63  }
0x29f: {  	_ =	swait.ge [sflag:s8], $0x4000  }
0x2a0: {  	[sflag:s8] =	ssyncset.done $0x0  }
0x2a1: {  	s17 =	simm.s32 $0x14980;
	[sflag:s8] =	ssyncadd.s32 $0xFFFFC000  }
0x2a2: {  	[tilespmem:s15], [sflag:$0x2] =	stream.indirect.gather [hbm4b:s2+s12], $0x80, s17, s12, $0xb8;
	[tilespmem:$0x1FC00] =	vst v63  }
0x2a3: {  	_ =	swait.ge [sflag:s16], $0x4000  }
0x2a4: {  	s21 =	sld [smem:$0x7E9]  }
0x2a5: {  	[sflag:s16] =	ssyncset.done $0x0  }
0x2a6: {  	[sflag:s16] =	ssyncadd.s32 $0xFFFFC000  }
0x2a7: {  	[spmem:s3] =	stream.indirect.scatter.add.f32 [tilespmem:s13], [sflag:$0x5], $0x80, s21, s12, $0xb8;
	[tilespmem:$0x1FC00] =	vst v63  }
0x2a8: {  	_ =	swait.ge [sflag:s8], $0x4000  }
0x2a9: {  	[sflag:s8] =	ssyncset.done $0x0  }
0x2aa: {  	s24 =	simm.s32 $0x14A00;
	[sflag:s8] =	ssyncadd.s32 $0xFFFFC000  }
0x2ab: {  	[tilespmem:s13], [sflag:$0x1] =	stream.indirect.gather [hbm4b:s2+s12], $0x80, s24, s12, $0xb8;
	[tilespmem:$0x1FC00] =	vst v63  }
0x2ac: {  	_ =	swait.ge [sflag:s18], $0x4000  }
0x2ad: {  	s4 =	sld [smem:$0x7EA]  }
0x2ae: {  	[sflag:s18] =	ssyncset.done $0x0  }
0x2af: {  	[sflag:s18] =	ssyncadd.s32 $0xFFFFC000  }
0x2b0: {  	[spmem:s3] =	stream.indirect.scatter.add.f32 [tilespmem:s15], [sflag:$0x5], $0x80, s4, s12, $0xb8;
	[tilespmem:$0x1FC00] =	vst v63  }
0x2b1: {  	_ =	swait.ge [sflag:s8], $0x4000  }
0x2b2: {  	[sflag:s8] =	ssyncset.done $0x0  }
0x2b3: {  	[sflag:s8] =	ssyncadd.s32 $0xFFFFC000  }
0x2b4: {  	[tilespmem:s15], [sflag:$0x2] =	stream.indirect.gather [hbm4b:s2+s12], $0x80, s31, s12, $0xb8;
	[tilespmem:$0x1FC00] =	vst v63  }
0x2b5: {  	_ =	swait.ge [sflag:s16], $0x4000  }
0x2b6: {  	s11 =	sld [smem:$0x7EB]  }
0x2b7: {  	[sflag:s16] =	ssyncset.done $0x0  }
0x2b8: {  	[sflag:s16] =	ssyncadd.s32 $0xFFFFC000  }
0x2b9: {  	[spmem:s3] =	stream.indirect.scatter.add.f32 [tilespmem:s13], [sflag:$0x5], $0x80, s11, s12, $0xb8;
	[tilespmem:$0x1FC00] =	vst v63  }
0x2ba: {  	_ =	swait.ge [sflag:s8], $0x4000  }
0x2bb: {  	[sflag:s8] =	ssyncset.done $0x0  }
0x2bc: {  	[sflag:s8] =	ssyncadd.s32 $0xFFFFC000  }
0x2bd: {  	[tilespmem:s13], [sflag:$0x1] =	stream.indirect.gather [hbm4b:s2+s12], $0x80, s30, s12, $0xb8;
	[tilespmem:$0x1FC00] =	vst v63  }
0x2be: {  	_ =	swait.ge [sflag:s18], $0x4000  }
0x2bf: {  	s17 =	sld [smem:$0x7EC]  }
0x2c0: {  	[sflag:s18] =	ssyncset.done $0x0  }
0x2c1: {  	[sflag:s18] =	ssyncadd.s32 $0xFFFFC000  }
0x2c2: {  	[spmem:s3] =	stream.indirect.scatter.add.f32 [tilespmem:s15], [sflag:$0x5], $0x80, s17, s12, $0xb8;
	[tilespmem:$0x1FC00] =	vst v63  }
0x2c3: {  	_ =	swait.ge [sflag:s8], $0x4000  }
0x2c4: {  	[sflag:s8] =	ssyncset.done $0x0  }
0x2c5: {  	[sflag:s8] =	ssyncadd.s32 $0xFFFFC000  }
0x2c6: {  	[tilespmem:s15], [sflag:$0x2] =	stream.indirect.gather [hbm4b:s2+s12], $0x80, s29, s12, $0xb8;
	[tilespmem:$0x1FC00] =	vst v63  }
0x2c7: {  	_ =	swait.ge [sflag:s16], $0x4000  }
0x2c8: {  	s21 =	sld [smem:$0x7ED]  }
0x2c9: {  	[sflag:s16] =	ssyncset.done $0x0  }
0x2ca: {  	[sflag:s16] =	ssyncadd.s32 $0xFFFFC000  }
0x2cb: {  	[spmem:s3] =	stream.indirect.scatter.add.f32 [tilespmem:s13], [sflag:$0x5], $0x80, s21, s12, $0xb8;
	[tilespmem:$0x1FC00] =	vst v63  }
0x2cc: {  	_ =	swait.ge [sflag:s8], $0x4000  }
0x2cd: {  	[sflag:s8] =	ssyncset.done $0x0  }
0x2ce: {  	[sflag:s8] =	ssyncadd.s32 $0xFFFFC000  }
0x2cf: {  	[tilespmem:s13], [sflag:$0x1] =	stream.indirect.gather [hbm4b:s2+s12], $0x80, s28, s12, $0xb8;
	[tilespmem:$0x1FC00] =	vst v63  }
0x2d0: {  	_ =	swait.ge [sflag:s18], $0x4000  }
0x2d1: {  	s29 =	sld [smem:$0x7EE]  }
0x2d2: {  	[sflag:s18] =	ssyncset.done $0x0  }
0x2d3: {  	[sflag:s18] =	ssyncadd.s32 $0xFFFFC000  }
0x2d4: {  	[spmem:s3] =	stream.indirect.scatter.add.f32 [tilespmem:s15], [sflag:$0x5], $0x80, s29, s12, $0xb8;
	[tilespmem:$0x1FC00] =	vst v63  }
0x2d5: {  	_ =	swait.ge [sflag:s8], $0x4000  }
0x2d6: {  	[sflag:s8] =	ssyncset.done $0x0  }
0x2d7: {  	[sflag:s8] =	ssyncadd.s32 $0xFFFFC000  }
0x2d8: {  	[tilespmem:s15], [sflag:$0x2] =	stream.indirect.gather [hbm4b:s2+s12], $0x80, s26, s12, $0xb8;
	[tilespmem:$0x1FC00] =	vst v63  }
0x2d9: {  	_ =	swait.ge [sflag:s16], $0x4000  }
0x2da: {  	s30 =	sld [smem:$0x7EF]  }
0x2db: {  	[sflag:s16] =	ssyncset.done $0x0  }
0x2dc: {  	[sflag:s16] =	ssyncadd.s32 $0xFFFFC000  }
0x2dd: {  	[spmem:s3] =	stream.indirect.scatter.add.f32 [tilespmem:s13], [sflag:$0x5], $0x80, s30, s12, $0xb8;
	[tilespmem:$0x1FC00] =	vst v63  }
0x2de: {  	_ =	swait.ge [sflag:s8], $0x4000  }
0x2df: {  	[sflag:s8] =	ssyncset.done $0x0  }
0x2e0: {  	[sflag:s8] =	ssyncadd.s32 $0xFFFFC000  }
0x2e1: {  	[tilespmem:s13], [sflag:$0x1] =	stream.indirect.gather [hbm4b:s2+s12], $0x80, s23, s12, $0xb8;
	[tilespmem:$0x1FC00] =	vst v63  }
0x2e2: {  	_ =	swait.ge [sflag:s18], $0x4000  }
0x2e3: {  	s31 =	sld [smem:$0x7F0]  }
0x2e4: {  	[sflag:s18] =	ssyncset.done $0x0  }
0x2e5: {  	[sflag:s18] =	ssyncadd.s32 $0xFFFFC000  }
0x2e6: {  	[spmem:s3] =	stream.indirect.scatter.add.f32 [tilespmem:s15], [sflag:$0x5], $0x80, s31, s12, $0xb8;
	[tilespmem:$0x1FC00] =	vst v63  }
0x2e7: {  	_ =	swait.ge [sflag:s8], $0x4000  }
0x2e8: {  	[sflag:s8] =	ssyncset.done $0x0  }
0x2e9: {  	[sflag:s8] =	ssyncadd.s32 $0xFFFFC000  }
0x2ea: {  	[tilespmem:s15], [sflag:$0x2] =	stream.indirect.gather [hbm4b:s2+s12], $0x80, s10, s12, $0xb8;
	[tilespmem:$0x1FC00] =	vst v63  }
0x2eb: {  	_ =	swait.ge [sflag:s16], $0x4000  }
0x2ec: {  	s1 =	sld [smem:$0x7F1]  }
0x2ed: {  	[sflag:s16] =	ssyncset.done $0x0  }
0x2ee: {  	[sflag:s16] =	ssyncadd.s32 $0xFFFFC000  }
0x2ef: {  	[spmem:s3] =	stream.indirect.scatter.add.f32 [tilespmem:s13], [sflag:$0x5], $0x80, s1, s12, $0xb8;
	[tilespmem:$0x1FC00] =	vst v63  }
0x2f0: {  	_ =	swait.ge [sflag:s8], $0x4000  }
0x2f1: {  	[sflag:s8] =	ssyncset.done $0x0  }
0x2f2: {  	[sflag:s8] =	ssyncadd.s32 $0xFFFFC000  }
0x2f3: {  	[tilespmem:s13], [sflag:$0x1] =	stream.indirect.gather [hbm4b:s2+s12], $0x80, s7, s12, $0xb8;
	[tilespmem:$0x1FC00] =	vst v63  }
0x2f4: {  	_ =	swait.ge [sflag:s18], $0x4000  }
0x2f5: {  	s4 =	sld [smem:$0x7F2]  }
0x2f6: {  	[sflag:s18] =	ssyncset.done $0x0  }
0x2f7: {  	[sflag:s18] =	ssyncadd.s32 $0xFFFFC000  }
0x2f8: {  	[spmem:s3] =	stream.indirect.scatter.add.f32 [tilespmem:s15], [sflag:$0x5], $0x80, s4, s12, $0xb8;
	[tilespmem:$0x1FC00] =	vst v63  }
0x2f9: {  	_ =	swait.ge [sflag:s8], $0x4000  }
0x2fa: {  	[sflag:s8] =	ssyncset.done $0x0  }
0x2fb: {  	[sflag:s8] =	ssyncadd.s32 $0xFFFFC000  }
0x2fc: {  	[tilespmem:s15], [sflag:$0x2] =	stream.indirect.gather [hbm4b:s2+s12], $0x80, s6, s12, $0xb8;
	[tilespmem:$0x1FC00] =	vst v63  }
0x2fd: {  	_ =	swait.ge [sflag:s16], $0x4000  }
0x2fe: {  	s6 =	sld [smem:$0x7F3]  }
0x2ff: {  	[sflag:s16] =	ssyncset.done $0x0  }
0x300: {  	[sflag:s16] =	ssyncadd.s32 $0xFFFFC000  }
0x301: {  	[spmem:s3] =	stream.indirect.scatter.add.f32 [tilespmem:s13], [sflag:$0x5], $0x80, s6, s12, $0xb8;
	[tilespmem:$0x1FC00] =	vst v63  }
0x302: {  	_ =	swait.ge [sflag:s8], $0x4000  }
0x303: {  	[sflag:s8] =	ssyncset.done $0x0  }
0x304: {  	[sflag:s8] =	ssyncadd.s32 $0xFFFFC000  }
0x305: {  	[tilespmem:s13], [sflag:$0x1] =	stream.indirect.gather [hbm4b:s2+s12], $0x80, s0, s12, $0xb8;
	[tilespmem:$0x1FC00] =	vst v63  }
0x306: {  	_ =	swait.ge [sflag:s18], $0x4000  }
0x307: {  	s7 =	sld [smem:$0x7F4]  }
0x308: {  	[sflag:s18] =	ssyncset.done $0x0  }
0x309: {  	[sflag:s18] =	ssyncadd.s32 $0xFFFFC000  }
0x30a: {  	[spmem:s3] =	stream.indirect.scatter.add.f32 [tilespmem:s15], [sflag:$0x5], $0x80, s7, s12, $0xb8;
	[tilespmem:$0x1FC00] =	vst v63  }
0x30b: {  	_ =	swait.ge [sflag:s8], $0x4000  }
0x30c: {  	[sflag:s8] =	ssyncset.done $0x0  }
0x30d: {  	[sflag:s8] =	ssyncadd.s32 $0xFFFFC000  }
0x30e: {  	[tilespmem:s15], [sflag:$0x2] =	stream.indirect.gather [hbm4b:s2+s12], $0x80, s5, s12, $0xb8;
	[tilespmem:$0x1FC00] =	vst v63  }
0x30f: {  	_ =	swait.ge [sflag:s16], $0x4000  }
0x310: {  	s10 =	sld [smem:$0x7F5]  }
0x311: {  	[sflag:s16] =	ssyncset.done $0x0  }
0x312: {  	[sflag:s16] =	ssyncadd.s32 $0xFFFFC000  }
0x313: {  	[spmem:s3] =	stream.indirect.scatter.add.f32 [tilespmem:s13], [sflag:$0x5], $0x80, s10, s12, $0xb8;
	[tilespmem:$0x1FC00] =	vst v63  }
0x314: {  	_ =	swait.ge [sflag:s8], $0x4000  }
0x315: {  	[sflag:s8] =	ssyncset.done $0x0  }
0x316: {  	[sflag:s8] =	ssyncadd.s32 $0xFFFFC000  }
0x317: {  	[tilespmem:s13], [sflag:$0x1] =	stream.indirect.gather [hbm4b:s2+s12], $0x80, s9, s12, $0xb8;
	[tilespmem:$0x1FC00] =	vst v63  }
0x318: {  	_ =	swait.ge [sflag:s18], $0x4000  }
0x319: {  	s11 =	sld [smem:$0x7F6]  }
0x31a: {  	[sflag:s18] =	ssyncset.done $0x0  }
0x31b: {  	[sflag:s18] =	ssyncadd.s32 $0xFFFFC000  }
0x31c: {  	[spmem:s3] =	stream.indirect.scatter.add.f32 [tilespmem:s15], [sflag:$0x5], $0x80, s11, s12, $0xb8;
	[tilespmem:$0x1FC00] =	vst v63  }
0x31d: {  	_ =	swait.ge [sflag:s8], $0x4000  }
0x31e: {  	[sflag:s8] =	ssyncset.done $0x0  }
0x31f: {  	[sflag:s8] =	ssyncadd.s32 $0xFFFFC000  }
0x320: {  	[tilespmem:s15], [sflag:$0x2] =	stream.indirect.gather [hbm4b:s2+s12], $0x80, s14, s12, $0xb8;
	[tilespmem:$0x1FC00] =	vst v63  }
0x321: {  	_ =	swait.ge [sflag:s16], $0x4000  }
0x322: {  	s14 =	sld [smem:$0x7F7]  }
0x323: {  	[sflag:s16] =	ssyncset.done $0x0  }
0x324: {  	[sflag:s16] =	ssyncadd.s32 $0xFFFFC000  }
0x325: {  	[spmem:s3] =	stream.indirect.scatter.add.f32 [tilespmem:s13], [sflag:$0x5], $0x80, s14, s12, $0xb8;
	[tilespmem:$0x1FC00] =	vst v63  }
0x326: {  	_ =	swait.ge [sflag:s8], $0x4000  }
0x327: {  	[sflag:s8] =	ssyncset.done $0x0  }
0x328: {  	[sflag:s8] =	ssyncadd.s32 $0xFFFFC000  }
0x329: {  	[tilespmem:s13], [sflag:$0x1] =	stream.indirect.gather [hbm4b:s2+s12], $0x80, s19, s12, $0xb8;
	[tilespmem:$0x1FC00] =	vst v63  }
0x32a: {  	_ =	swait.ge [sflag:s18], $0x4000  }
0x32b: {  	s17 =	sld [smem:$0x7F8]  }
0x32c: {  	[sflag:s18] =	ssyncset.done $0x0  }
0x32d: {  	[sflag:s18] =	ssyncadd.s32 $0xFFFFC000  }
0x32e: {  	[spmem:s3] =	stream.indirect.scatter.add.f32 [tilespmem:s15], [sflag:$0x5], $0x80, s17, s12, $0xb8;
	[tilespmem:$0x1FC00] =	vst v63  }
0x32f: {  	_ =	swait.ge [sflag:s8], $0x4000  }
0x330: {  	[sflag:s8] =	ssyncset.done $0x0  }
0x331: {  	[sflag:s8] =	ssyncadd.s32 $0xFFFFC000  }
0x332: {  	[tilespmem:s15], [sflag:$0x2] =	stream.indirect.gather [hbm4b:s2+s12], $0x80, s20, s12, $0xb8;
	[tilespmem:$0x1FC00] =	vst v63  }
0x333: {  	_ =	swait.ge [sflag:s16], $0x4000  }
0x334: {  	s19 =	sld [smem:$0x7F9]  }
0x335: {  	[sflag:s16] =	ssyncset.done $0x0  }
0x336: {  	[sflag:s16] =	ssyncadd.s32 $0xFFFFC000  }
0x337: {  	[spmem:s3] =	stream.indirect.scatter.add.f32 [tilespmem:s13], [sflag:$0x5], $0x80, s19, s12, $0xb8;
	[tilespmem:$0x1FC00] =	vst v63  }
0x338: {  	_ =	swait.ge [sflag:s8], $0x4000  }
0x339: {  	[sflag:s8] =	ssyncset.done $0x0  }
0x33a: {  	[sflag:s8] =	ssyncadd.s32 $0xFFFFC000  }
0x33b: {  	_ =	swait.ge [sflag:s18], $0x4000  }
0x33c: {  	s20 =	sld [smem:$0x7FA]  }
0x33d: {  	[sflag:s18] =	ssyncset.done $0x0  }
0x33e: {  	s22 =	ssub.s32 $0x2, s22;
	[sflag:s18] =	ssyncadd.s32 $0xFFFFC000  }
0x33f: {  	[spmem:s3] =	stream.indirect.scatter.add.f32 [tilespmem:s15], [sflag:$0x5], $0x80, s20, s12, $0xb8;
	[tilespmem:$0x1FC00] =	vst v63  }
0x340: {  	s24 =	sshrl.u32 s22, $0x1;
	_ =	swait.ge [sflag:s8], $0x4000  }
0x341: {  	s28 =	ssub.s32 s22, s24;
	[sflag:s8] =	ssyncset.done $0x0  }
0x342: {  	s31 =	smax.u32 s28, $0x1;
	[sflag:s8] =	ssyncadd.s32 $0xFFFFC000  }
0x343: {  	s24 =	sadd.s32 $0xFFFFFFFF, s31;
	[bflag:$0x0] =	sbarrier.arrive $0xFFFF  }
0x344: {  	p1 =	sne.s32 s24, $0x0;
	s30 =	sld [smem:$0x7FB]  }
.Ltmp0:
0x345: {  	s26 =	sshll.u32 s25, $0x6;
	(pc) =	sbr.rel @!p1 .LBB2_3-.Ltmp0, $4  }
0x346: {  	s29 =	sor.u32 $0x1C05, s26;
	s21 =	rddreg [dreg:$0xb]  }
0x347: {  	[smem:$0x7FC] =	sst s29;
	s1 =	sshrl.u32 s30, $0x3  }
0x348: {  	[smem:$0x7FD] =	sst s1  }
0x349: {  	[hbm:s21], [sflag:s29] =	dma.local [spmem:s1], $0x2780  }
0x34a: {  	s4 =	simm.s32 $0x14800;
	s5 =	simm.s32 $0x14900;
	s6 =	simm.s32 $0x14980  }
0x34b: {  	s7 =	simm.s32 $0x14A00;
	s9 =	simm.s32 $0x14A80;
	s10 =	simm.s32 $0x14B00  }
0x34c: {  	s14 =	simm.s32 $0x14B80;
	s19 =	simm.s32 $0x14C00;
	s20 =	simm.s32 $0x14C80  }
0x34d: {  	s21 =	simm.s32 $0x14D00;
	s22 =	simm.s32 $0x14D80;
	s23 =	simm.s32 $0x14E00  }
0x34e: {  	s29 =	simm.s32 $0x14F80;
	s30 =	simm.s32 $0x15000;
	s31 =	simm.s32 $0x15080  }
.LBB2_2:
0x34f: {  	_ =	swait.ge [sflag:s8], $0x2780  }
0x350: {  	s28 =	simm.s32 @p0 $0x1FC5;
	s25 =	rddreg [dreg:$0xe];
	[sflag:s8] =	ssyncset.done $0x0  }
0x351: {  	s0 =	simm.s32 @p0 $0x5;
	s26 =	rddreg [dreg:$0x5];
	[sflag:s8] =	ssyncadd.s32 $0xFFFFD880  }
0x352: {  	[spmem:s25], [sflag:s28] =	dma.local @p0 [hbm:s26], $0x2080  }
0x353: {  	_ =	swait.ge @p0 [sflag:s0], $0x2080  }
0x354: {  	s25 =	rddreg [dreg:$0xd]  }
0x355: {  	[sflag:s0] =	ssyncset.done @p0 $0x0;
	s26 =	rddreg [dreg:$0x4]  }
0x356: {  	s28 =	rddreg [dreg:$0xc];
	[sflag:s0] =	ssyncadd.s32 @p0 $0xFFFFDF80;
	s0 =	simm.s32 @!p0 $0x5  }
0x357: {  	[spmem:s25], [sflag:s28] =	dma.local @!p0 [hbm:s26], $0x2780  }
0x358: {  	_ =	swait.ge @!p0 [sflag:s0], $0x2780  }
0x359: {  	s17 =	simm.s32 $0x0;
	[sflag:s0] =	ssyncset.done @!p0 $0x0  }
0x35a: {  	s26 =	simm.s32 $0x15400;
	s11 =	rddreg [dreg:$0x6];
	[sflag:s0] =	ssyncadd.s32 @!p0 $0xFFFFD880  }
0x35b: {  	[tilespmem:s26], [sflag:$0x5] =	stream.linear.gather [hbm4b:s11+s17], $0x2800, $0x38;
	[tilespmem:$0x1FC00] =	vst v63  }
0x35c: {  	_ =	swait.ge [sflag:s8], $0x2800  }
0x35d: {  	[sflag:s8] =	ssyncset.done $0x0  }
0x35e: {  	s11 =	simm.s32 $0x13C00;
	s28 =	rddreg [dreg:$0x7];
	[sflag:s8] =	ssyncadd.s32 $0xFFFFD800  }
0x35f: {  	[tilespmem:s11], [sflag:$0x5] =	stream.linear.gather [hbm4b:s28+s17], $0xA00, $0x38;
	[tilespmem:$0x1FC00] =	vst v63  }
0x360: {  	_ =	swait.ge [sflag:s8], $0xA00  }
0x361: {  	[sflag:s8] =	ssyncset.done $0x0  }
0x362: {  	s0 =	rddreg [dreg:$0x8];
	[sflag:s8] =	ssyncadd.s32 $0xFFFFF600  }
0x363: {  	[tilespmem:s4], [sflag:$0x4] =	stream.linear.gather [hbm4b:s0+s17], $0xA00, $0x38;
	[tilespmem:$0x1FC00] =	vst v63  }
0x364: {  	[bflag:$0x0] =	sbarrier.arrive $0xFFFF  }
0x365: {  	[tilespmem:s13], [sflag:$0x1] =	stream.indirect.gather [hbm4b:s2+s12], $0x80, s11, s12, $0xb8;
	[tilespmem:$0x1FC00] =	vst v63  }
0x366: {  	s1 =	simm.s32 $0x13C80  }
0x367: {  	[tilespmem:s15], [sflag:$0x2] =	stream.indirect.gather [hbm4b:s2+s12], $0x80, s1, s12, $0xb8;
	[tilespmem:$0x1FC00] =	vst v63  }
0x368: {  	_ =	swait.ge [sflag:s16], $0x4000  }
0x369: {  	[sflag:s16] =	ssyncset.done $0x0  }
0x36a: {  	[sflag:s16] =	ssyncadd.s32 $0xFFFFC000  }
0x36b: {  	[spmem:s3] =	stream.indirect.scatter.add.f32 [tilespmem:s13], [sflag:$0x5], $0x80, s26, s12, $0xb8;
	[tilespmem:$0x1FC00] =	vst v63  }
0x36c: {  	_ =	swait.ge [sflag:s8], $0x4000  }
0x36d: {  	[sflag:s8] =	ssyncset.done $0x0  }
0x36e: {  	s25 =	simm.s32 $0x13D00;
	[sflag:s8] =	ssyncadd.s32 $0xFFFFC000  }
0x36f: {  	[tilespmem:s13], [sflag:$0x1] =	stream.indirect.gather [hbm4b:s2+s12], $0x80, s25, s12, $0xb8;
	[tilespmem:$0x1FC00] =	vst v63  }
0x370: {  	_ =	swait.ge [sflag:s18], $0x4000  }
0x371: {  	[sflag:s18] =	ssyncset.done $0x0  }
0x372: {  	s26 =	rddreg [dreg:$0xf];
	[sflag:s18] =	ssyncadd.s32 $0xFFFFC000  }
0x373: {  	[spmem:s3] =	stream.indirect.scatter.add.f32 [tilespmem:s15], [sflag:$0x5], $0x80, s26, s12, $0xb8;
	[tilespmem:$0x1FC00] =	vst v63  }
0x374: {  	_ =	swait.ge [sflag:s8], $0x4000  }
0x375: {  	[sflag:s8] =	ssyncset.done $0x0  }
0x376: {  	s28 =	simm.s32 $0x13D80;
	[sflag:s8] =	ssyncadd.s32 $0xFFFFC000  }
0x377: {  	[tilespmem:s15], [sflag:$0x2] =	stream.indirect.gather [hbm4b:s2+s12], $0x80, s28, s12, $0xb8;
	[tilespmem:$0x1FC00] =	vst v63  }
0x378: {  	_ =	swait.ge [sflag:s16], $0x4000  }
0x379: {  	[sflag:s16] =	ssyncset.done $0x0  }
0x37a: {  	s1 =	rddreg [dreg:$0x10];
	[sflag:s16] =	ssyncadd.s32 $0xFFFFC000  }
0x37b: {  	[spmem:s3] =	stream.indirect.scatter.add.f32 [tilespmem:s13], [sflag:$0x5], $0x80, s1, s12, $0xb8;
	[tilespmem:$0x1FC00] =	vst v63  }
0x37c: {  	_ =	swait.ge [sflag:s8], $0x4000  }
0x37d: {  	[sflag:s8] =	ssyncset.done $0x0  }
0x37e: {  	s25 =	simm.s32 $0x13E00;
	[sflag:s8] =	ssyncadd.s32 $0xFFFFC000  }
0x37f: {  	[tilespmem:s13], [sflag:$0x1] =	stream.indirect.gather [hbm4b:s2+s12], $0x80, s25, s12, $0xb8;
	[tilespmem:$0x1FC00] =	vst v63  }
0x380: {  	_ =	swait.ge [sflag:s18], $0x4000  }
0x381: {  	[sflag:s18] =	ssyncset.done $0x0  }
0x382: {  	s26 =	rddreg [dreg:$0x11];
	[sflag:s18] =	ssyncadd.s32 $0xFFFFC000  }
0x383: {  	[spmem:s3] =	stream.indirect.scatter.add.f32 [tilespmem:s15], [sflag:$0x5], $0x80, s26, s12, $0xb8;
	[tilespmem:$0x1FC00] =	vst v63  }
0x384: {  	_ =	swait.ge [sflag:s8], $0x4000  }
0x385: {  	[sflag:s8] =	ssyncset.done $0x0  }
0x386: {  	s28 =	simm.s32 $0x13E80;
	[sflag:s8] =	ssyncadd.s32 $0xFFFFC000  }
0x387: {  	[tilespmem:s15], [sflag:$0x2] =	stream.indirect.gather [hbm4b:s2+s12], $0x80, s28, s12, $0xb8;
	[tilespmem:$0x1FC00] =	vst v63  }
0x388: {  	_ =	swait.ge [sflag:s16], $0x4000  }
0x389: {  	[sflag:s16] =	ssyncset.done $0x0  }
0x38a: {  	s1 =	rddreg [dreg:$0x12];
	[sflag:s16] =	ssyncadd.s32 $0xFFFFC000  }
0x38b: {  	[spmem:s3] =	stream.indirect.scatter.add.f32 [tilespmem:s13], [sflag:$0x5], $0x80, s1, s12, $0xb8;
	[tilespmem:$0x1FC00] =	vst v63  }
0x38c: {  	_ =	swait.ge [sflag:s8], $0x4000  }
0x38d: {  	[sflag:s8] =	ssyncset.done $0x0  }
0x38e: {  	s25 =	simm.s32 $0x13F00;
	[sflag:s8] =	ssyncadd.s32 $0xFFFFC000  }
0x38f: {  	[tilespmem:s13], [sflag:$0x1] =	stream.indirect.gather [hbm4b:s2+s12], $0x80, s25, s12, $0xb8;
	[tilespmem:$0x1FC00] =	vst v63  }
0x390: {  	_ =	swait.ge [sflag:s18], $0x4000  }
0x391: {  	[sflag:s18] =	ssyncset.done $0x0  }
0x392: {  	s26 =	rddreg [dreg:$0x13];
	[sflag:s18] =	ssyncadd.s32 $0xFFFFC000  }
0x393: {  	[spmem:s3] =	stream.indirect.scatter.add.f32 [tilespmem:s15], [sflag:$0x5], $0x80, s26, s12, $0xb8;
	[tilespmem:$0x1FC00] =	vst v63  }
0x394: {  	_ =	swait.ge [sflag:s8], $0x4000  }
0x395: {  	[sflag:s8] =	ssyncset.done $0x0  }
0x396: {  	s28 =	simm.s32 $0x13F80;
	[sflag:s8] =	ssyncadd.s32 $0xFFFFC000  }
0x397: {  	[tilespmem:s15], [sflag:$0x2] =	stream.indirect.gather [hbm4b:s2+s12], $0x80, s28, s12, $0xb8;
	[tilespmem:$0x1FC00] =	vst v63  }
0x398: {  	_ =	swait.ge [sflag:s16], $0x4000  }
0x399: {  	[sflag:s16] =	ssyncset.done $0x0  }
0x39a: {  	s1 =	rddreg [dreg:$0x14];
	[sflag:s16] =	ssyncadd.s32 $0xFFFFC000  }
0x39b: {  	[spmem:s3] =	stream.indirect.scatter.add.f32 [tilespmem:s13], [sflag:$0x5], $0x80, s1, s12, $0xb8;
	[tilespmem:$0x1FC00] =	vst v63  }
0x39c: {  	_ =	swait.ge [sflag:s8], $0x4000  }
0x39d: {  	[sflag:s8] =	ssyncset.done $0x0  }
0x39e: {  	s25 =	simm.s32 $0x14000;
	[sflag:s8] =	ssyncadd.s32 $0xFFFFC000  }
0x39f: {  	[tilespmem:s13], [sflag:$0x1] =	stream.indirect.gather [hbm4b:s2+s12], $0x80, s25, s12, $0xb8;
	[tilespmem:$0x1FC00] =	vst v63  }
0x3a0: {  	_ =	swait.ge [sflag:s18], $0x4000  }
0x3a1: {  	[sflag:s18] =	ssyncset.done $0x0  }
0x3a2: {  	s26 =	rddreg [dreg:$0x15];
	[sflag:s18] =	ssyncadd.s32 $0xFFFFC000  }
0x3a3: {  	[spmem:s3] =	stream.indirect.scatter.add.f32 [tilespmem:s15], [sflag:$0x5], $0x80, s26, s12, $0xb8;
	[tilespmem:$0x1FC00] =	vst v63  }
0x3a4: {  	_ =	swait.ge [sflag:s8], $0x4000  }
0x3a5: {  	[sflag:s8] =	ssyncset.done $0x0  }
0x3a6: {  	s28 =	simm.s32 $0x14080;
	[sflag:s8] =	ssyncadd.s32 $0xFFFFC000  }
0x3a7: {  	[tilespmem:s15], [sflag:$0x2] =	stream.indirect.gather [hbm4b:s2+s12], $0x80, s28, s12, $0xb8;
	[tilespmem:$0x1FC00] =	vst v63  }
0x3a8: {  	_ =	swait.ge [sflag:s16], $0x4000  }
0x3a9: {  	[sflag:s16] =	ssyncset.done $0x0  }
0x3aa: {  	s1 =	rddreg [dreg:$0x16];
	[sflag:s16] =	ssyncadd.s32 $0xFFFFC000  }
0x3ab: {  	[spmem:s3] =	stream.indirect.scatter.add.f32 [tilespmem:s13], [sflag:$0x5], $0x80, s1, s12, $0xb8;
	[tilespmem:$0x1FC00] =	vst v63  }
0x3ac: {  	_ =	swait.ge [sflag:s8], $0x4000  }
0x3ad: {  	[sflag:s8] =	ssyncset.done $0x0  }
0x3ae: {  	s25 =	simm.s32 $0x14100;
	[sflag:s8] =	ssyncadd.s32 $0xFFFFC000  }
0x3af: {  	[tilespmem:s13], [sflag:$0x1] =	stream.indirect.gather [hbm4b:s2+s12], $0x80, s25, s12, $0xb8;
	[tilespmem:$0x1FC00] =	vst v63  }
0x3b0: {  	_ =	swait.ge [sflag:s18], $0x4000  }
0x3b1: {  	[sflag:s18] =	ssyncset.done $0x0  }
0x3b2: {  	s26 =	rddreg [dreg:$0x17];
	[sflag:s18] =	ssyncadd.s32 $0xFFFFC000  }
0x3b3: {  	[spmem:s3] =	stream.indirect.scatter.add.f32 [tilespmem:s15], [sflag:$0x5], $0x80, s26, s12, $0xb8;
	[tilespmem:$0x1FC00] =	vst v63  }
0x3b4: {  	_ =	swait.ge [sflag:s8], $0x4000  }
0x3b5: {  	[sflag:s8] =	ssyncset.done $0x0  }
0x3b6: {  	s28 =	simm.s32 $0x14180;
	[sflag:s8] =	ssyncadd.s32 $0xFFFFC000  }
0x3b7: {  	[tilespmem:s15], [sflag:$0x2] =	stream.indirect.gather [hbm4b:s2+s12], $0x80, s28, s12, $0xb8;
	[tilespmem:$0x1FC00] =	vst v63  }
0x3b8: {  	_ =	swait.ge [sflag:s16], $0x4000  }
0x3b9: {  	[sflag:s16] =	ssyncset.done $0x0  }
0x3ba: {  	[sflag:s16] =	ssyncadd.s32 $0xFFFFC000  }
0x3bb: {  	s1 =	rddreg [dreg:$0x18]  }
0x3bc: {  	[spmem:s3] =	stream.indirect.scatter.add.f32 [tilespmem:s13], [sflag:$0x5], $0x80, s1, s12, $0xb8;
	[tilespmem:$0x1FC00] =	vst v63  }
0x3bd: {  	_ =	swait.ge [sflag:s8], $0x4000  }
0x3be: {  	[sflag:s8] =	ssyncset.done $0x0  }
0x3bf: {  	s25 =	simm.s32 $0x14200;
	[sflag:s8] =	ssyncadd.s32 $0xFFFFC000  }
0x3c0: {  	[tilespmem:s13], [sflag:$0x1] =	stream.indirect.gather [hbm4b:s2+s12], $0x80, s25, s12, $0xb8;
	[tilespmem:$0x1FC00] =	vst v63  }
0x3c1: {  	_ =	swait.ge [sflag:s18], $0x4000  }
0x3c2: {  	[sflag:s18] =	ssyncset.done $0x0  }
0x3c3: {  	s26 =	rddreg [dreg:$0x19];
	[sflag:s18] =	ssyncadd.s32 $0xFFFFC000  }
0x3c4: {  	[spmem:s3] =	stream.indirect.scatter.add.f32 [tilespmem:s15], [sflag:$0x5], $0x80, s26, s12, $0xb8;
	[tilespmem:$0x1FC00] =	vst v63  }
0x3c5: {  	_ =	swait.ge [sflag:s8], $0x4000  }
0x3c6: {  	[sflag:s8] =	ssyncset.done $0x0  }
0x3c7: {  	s28 =	simm.s32 $0x14280;
	[sflag:s8] =	ssyncadd.s32 $0xFFFFC000  }
0x3c8: {  	[tilespmem:s15], [sflag:$0x2] =	stream.indirect.gather [hbm4b:s2+s12], $0x80, s28, s12, $0xb8;
	[tilespmem:$0x1FC00] =	vst v63  }
0x3c9: {  	_ =	swait.ge [sflag:s16], $0x4000  }
0x3ca: {  	[sflag:s16] =	ssyncset.done $0x0  }
0x3cb: {  	s1 =	rddreg [dreg:$0x1a];
	[sflag:s16] =	ssyncadd.s32 $0xFFFFC000  }
0x3cc: {  	[spmem:s3] =	stream.indirect.scatter.add.f32 [tilespmem:s13], [sflag:$0x5], $0x80, s1, s12, $0xb8;
	[tilespmem:$0x1FC00] =	vst v63  }
0x3cd: {  	_ =	swait.ge [sflag:s8], $0x4000  }
0x3ce: {  	[sflag:s8] =	ssyncset.done $0x0  }
0x3cf: {  	s25 =	simm.s32 $0x14300;
	[sflag:s8] =	ssyncadd.s32 $0xFFFFC000  }
0x3d0: {  	[tilespmem:s13], [sflag:$0x1] =	stream.indirect.gather [hbm4b:s2+s12], $0x80, s25, s12, $0xb8;
	[tilespmem:$0x1FC00] =	vst v63  }
0x3d1: {  	_ =	swait.ge [sflag:s18], $0x4000  }
0x3d2: {  	[sflag:s18] =	ssyncset.done $0x0  }
0x3d3: {  	s26 =	rddreg [dreg:$0x1b];
	[sflag:s18] =	ssyncadd.s32 $0xFFFFC000  }
0x3d4: {  	[spmem:s3] =	stream.indirect.scatter.add.f32 [tilespmem:s15], [sflag:$0x5], $0x80, s26, s12, $0xb8;
	[tilespmem:$0x1FC00] =	vst v63  }
0x3d5: {  	_ =	swait.ge [sflag:s8], $0x4000  }
0x3d6: {  	[sflag:s8] =	ssyncset.done $0x0  }
0x3d7: {  	s28 =	simm.s32 $0x14380;
	[sflag:s8] =	ssyncadd.s32 $0xFFFFC000  }
0x3d8: {  	[tilespmem:s15], [sflag:$0x2] =	stream.indirect.gather [hbm4b:s2+s12], $0x80, s28, s12, $0xb8;
	[tilespmem:$0x1FC00] =	vst v63  }
0x3d9: {  	_ =	swait.ge [sflag:s16], $0x4000  }
0x3da: {  	[sflag:s16] =	ssyncset.done $0x0  }
0x3db: {  	s1 =	rddreg [dreg:$0x1c];
	[sflag:s16] =	ssyncadd.s32 $0xFFFFC000  }
0x3dc: {  	[spmem:s3] =	stream.indirect.scatter.add.f32 [tilespmem:s13], [sflag:$0x5], $0x80, s1, s12, $0xb8;
	[tilespmem:$0x1FC00] =	vst v63  }
0x3dd: {  	_ =	swait.ge [sflag:s8], $0x4000  }
0x3de: {  	[sflag:s8] =	ssyncset.done $0x0  }
0x3df: {  	s25 =	simm.s32 $0x14400;
	[sflag:s8] =	ssyncadd.s32 $0xFFFFC000  }
0x3e0: {  	[tilespmem:s13], [sflag:$0x1] =	stream.indirect.gather [hbm4b:s2+s12], $0x80, s25, s12, $0xb8;
	[tilespmem:$0x1FC00] =	vst v63  }
0x3e1: {  	_ =	swait.ge [sflag:s18], $0x4000  }
0x3e2: {  	[sflag:s18] =	ssyncset.done $0x0  }
0x3e3: {  	s26 =	rddreg [dreg:$0x1d];
	[sflag:s18] =	ssyncadd.s32 $0xFFFFC000  }
0x3e4: {  	[spmem:s3] =	stream.indirect.scatter.add.f32 [tilespmem:s15], [sflag:$0x5], $0x80, s26, s12, $0xb8;
	[tilespmem:$0x1FC00] =	vst v63  }
0x3e5: {  	_ =	swait.ge [sflag:s8], $0x4000  }
0x3e6: {  	[sflag:s8] =	ssyncset.done $0x0  }
0x3e7: {  	s28 =	simm.s32 $0x14480;
	[sflag:s8] =	ssyncadd.s32 $0xFFFFC000  }
0x3e8: {  	[tilespmem:s15], [sflag:$0x2] =	stream.indirect.gather [hbm4b:s2+s12], $0x80, s28, s12, $0xb8;
	[tilespmem:$0x1FC00] =	vst v63  }
0x3e9: {  	_ =	swait.ge [sflag:s16], $0x4000  }
0x3ea: {  	[sflag:s16] =	ssyncset.done $0x0  }
0x3eb: {  	s1 =	rddreg [dreg:$0x1e];
	[sflag:s16] =	ssyncadd.s32 $0xFFFFC000  }
0x3ec: {  	[spmem:s3] =	stream.indirect.scatter.add.f32 [tilespmem:s13], [sflag:$0x5], $0x80, s1, s12, $0xb8;
	[tilespmem:$0x1FC00] =	vst v63  }
0x3ed: {  	_ =	swait.ge [sflag:s8], $0x4000  }
0x3ee: {  	[sflag:s8] =	ssyncset.done $0x0  }
0x3ef: {  	s25 =	simm.s32 $0x14500;
	[sflag:s8] =	ssyncadd.s32 $0xFFFFC000  }
0x3f0: {  	[tilespmem:s13], [sflag:$0x1] =	stream.indirect.gather [hbm4b:s2+s12], $0x80, s25, s12, $0xb8;
	[tilespmem:$0x1FC00] =	vst v63  }
0x3f1: {  	_ =	swait.ge [sflag:s18], $0x4000  }
0x3f2: {  	[sflag:s18] =	ssyncset.done $0x0  }
0x3f3: {  	s26 =	rddreg [dreg:$0x1f];
	[sflag:s18] =	ssyncadd.s32 $0xFFFFC000  }
0x3f4: {  	[spmem:s3] =	stream.indirect.scatter.add.f32 [tilespmem:s15], [sflag:$0x5], $0x80, s26, s12, $0xb8;
	[tilespmem:$0x1FC00] =	vst v63  }
0x3f5: {  	_ =	swait.ge [sflag:s8], $0x4000  }
0x3f6: {  	[sflag:s8] =	ssyncset.done $0x0  }
0x3f7: {  	s28 =	simm.s32 $0x14580;
	[sflag:s8] =	ssyncadd.s32 $0xFFFFC000  }
0x3f8: {  	[tilespmem:s15], [sflag:$0x2] =	stream.indirect.gather [hbm4b:s2+s12], $0x80, s28, s12, $0xb8;
	[tilespmem:$0x1FC00] =	vst v63  }
0x3f9: {  	_ =	swait.ge [sflag:s16], $0x4000  }
0x3fa: {  	s0 =	sld [smem:$0x7BD]  }
0x3fb: {  	[sflag:s16] =	ssyncset.done $0x0  }
0x3fc: {  	[sflag:s16] =	ssyncadd.s32 $0xFFFFC000  }
0x3fd: {  	[spmem:s3] =	stream.indirect.scatter.add.f32 [tilespmem:s13], [sflag:$0x5], $0x80, s0, s12, $0xb8;
	[tilespmem:$0x1FC00] =	vst v63  }
0x3fe: {  	_ =	swait.ge [sflag:s8], $0x4000  }
0x3ff: {  	[sflag:s8] =	ssyncset.done $0x0  }
0x400: {  	[sflag:s8] =	ssyncadd.s32 $0xFFFFC000  }
0x401: {  	_ =	swait.ge [sflag:s18], $0x4000  }
0x402: {  	s1 =	sld [smem:$0x7BE]  }
0x403: {  	[sflag:s18] =	ssyncset.done $0x0  }
0x404: {  	[sflag:s18] =	ssyncadd.s32 $0xFFFFC000  }
0x405: {  	[spmem:s3] =	stream.indirect.scatter.add.f32 [tilespmem:s15], [sflag:$0x5], $0x80, s1, s12, $0xb8;
	[tilespmem:$0x1FC00] =	vst v63  }
0x406: {  	_ =	swait.ge [sflag:s8], $0x4000  }
0x407: {  	[sflag:s8] =	ssyncset.done $0x0  }
0x408: {  	s0 =	simm.s32 $0x4;
	s26 =	rddreg [dreg:$0x9];
	[sflag:s8] =	ssyncadd.s32 $0xFFFFC000  }
0x409: {  	[tilespmem:s11], [sflag:$0x3] =	stream.linear.gather [hbm4b:s26+s17], $0xA00, $0x38;
	[tilespmem:$0x1FC00] =	vst v63  }
0x40a: {  	_ =	swait.ge [sflag:s0], $0xA00  }
0x40b: {  	[sflag:s0] =	ssyncset.done $0x0  }
0x40c: {  	[sflag:s0] =	ssyncadd.s32 $0xFFFFF600  }
0x40d: {  	[tilespmem:s13], [sflag:$0x1] =	stream.indirect.gather [hbm4b:s2+s12], $0x80, s4, s12, $0xb8;
	[tilespmem:$0x1FC00] =	vst v63  }
0x40e: {  	s1 =	simm.s32 $0x14880  }
0x40f: {  	[tilespmem:s15], [sflag:$0x2] =	stream.indirect.gather [hbm4b:s2+s12], $0x80, s1, s12, $0xb8;
	[tilespmem:$0x1FC00] =	vst v63  }
0x410: {  	_ =	swait.ge [sflag:s16], $0x4000  }
0x411: {  	s28 =	sld [smem:$0x7BF]  }
0x412: {  	[sflag:s16] =	ssyncset.done $0x0  }
0x413: {  	[sflag:s16] =	ssyncadd.s32 $0xFFFFC000  }
0x414: {  	[spmem:s3] =	stream.indirect.scatter.add.f32 [tilespmem:s13], [sflag:$0x5], $0x80, s28, s12, $0xb8;
	[tilespmem:$0x1FC00] =	vst v63  }
0x415: {  	_ =	swait.ge [sflag:s8], $0x4000  }
0x416: {  	[sflag:s8] =	ssyncset.done $0x0  }
0x417: {  	[sflag:s8] =	ssyncadd.s32 $0xFFFFC000  }
0x418: {  	[tilespmem:s13], [sflag:$0x1] =	stream.indirect.gather [hbm4b:s2+s12], $0x80, s5, s12, $0xb8;
	[tilespmem:$0x1FC00] =	vst v63  }
0x419: {  	_ =	swait.ge [sflag:s18], $0x4000  }
0x41a: {  	s26 =	sld [smem:$0x7C0]  }
0x41b: {  	[sflag:s18] =	ssyncset.done $0x0  }
0x41c: {  	[sflag:s18] =	ssyncadd.s32 $0xFFFFC000  }
0x41d: {  	[spmem:s3] =	stream.indirect.scatter.add.f32 [tilespmem:s15], [sflag:$0x5], $0x80, s26, s12, $0xb8;
	[tilespmem:$0x1FC00] =	vst v63  }
0x41e: {  	_ =	swait.ge [sflag:s8], $0x4000  }
0x41f: {  	[sflag:s8] =	ssyncset.done $0x0  }
0x420: {  	[sflag:s8] =	ssyncadd.s32 $0xFFFFC000  }
0x421: {  	[tilespmem:s15], [sflag:$0x2] =	stream.indirect.gather [hbm4b:s2+s12], $0x80, s6, s12, $0xb8;
	[tilespmem:$0x1FC00] =	vst v63  }
0x422: {  	_ =	swait.ge [sflag:s16], $0x4000  }
0x423: {  	s28 =	sld [smem:$0x7C1]  }
0x424: {  	[sflag:s16] =	ssyncset.done $0x0  }
0x425: {  	[sflag:s16] =	ssyncadd.s32 $0xFFFFC000  }
0x426: {  	[spmem:s3] =	stream.indirect.scatter.add.f32 [tilespmem:s13], [sflag:$0x5], $0x80, s28, s12, $0xb8;
	[tilespmem:$0x1FC00] =	vst v63  }
0x427: {  	_ =	swait.ge [sflag:s8], $0x4000  }
0x428: {  	[sflag:s8] =	ssyncset.done $0x0  }
0x429: {  	[sflag:s8] =	ssyncadd.s32 $0xFFFFC000  }
0x42a: {  	[tilespmem:s13], [sflag:$0x1] =	stream.indirect.gather [hbm4b:s2+s12], $0x80, s7, s12, $0xb8;
	[tilespmem:$0x1FC00] =	vst v63  }
0x42b: {  	_ =	swait.ge [sflag:s18], $0x4000  }
0x42c: {  	s26 =	sld [smem:$0x7C2]  }
0x42d: {  	[sflag:s18] =	ssyncset.done $0x0  }
0x42e: {  	[sflag:s18] =	ssyncadd.s32 $0xFFFFC000  }
0x42f: {  	[spmem:s3] =	stream.indirect.scatter.add.f32 [tilespmem:s15], [sflag:$0x5], $0x80, s26, s12, $0xb8;
	[tilespmem:$0x1FC00] =	vst v63  }
0x430: {  	_ =	swait.ge [sflag:s8], $0x4000  }
0x431: {  	[sflag:s8] =	ssyncset.done $0x0  }
0x432: {  	[sflag:s8] =	ssyncadd.s32 $0xFFFFC000  }
0x433: {  	[tilespmem:s15], [sflag:$0x2] =	stream.indirect.gather [hbm4b:s2+s12], $0x80, s9, s12, $0xb8;
	[tilespmem:$0x1FC00] =	vst v63  }
0x434: {  	_ =	swait.ge [sflag:s16], $0x4000  }
0x435: {  	s28 =	sld [smem:$0x7C3]  }
0x436: {  	[sflag:s16] =	ssyncset.done $0x0  }
0x437: {  	[sflag:s16] =	ssyncadd.s32 $0xFFFFC000  }
0x438: {  	[spmem:s3] =	stream.indirect.scatter.add.f32 [tilespmem:s13], [sflag:$0x5], $0x80, s28, s12, $0xb8;
	[tilespmem:$0x1FC00] =	vst v63  }
0x439: {  	_ =	swait.ge [sflag:s8], $0x4000  }
0x43a: {  	[sflag:s8] =	ssyncset.done $0x0  }
0x43b: {  	[sflag:s8] =	ssyncadd.s32 $0xFFFFC000  }
0x43c: {  	[tilespmem:s13], [sflag:$0x1] =	stream.indirect.gather [hbm4b:s2+s12], $0x80, s10, s12, $0xb8;
	[tilespmem:$0x1FC00] =	vst v63  }
0x43d: {  	_ =	swait.ge [sflag:s18], $0x4000  }
0x43e: {  	s26 =	sld [smem:$0x7C4]  }
0x43f: {  	[sflag:s18] =	ssyncset.done $0x0  }
0x440: {  	[sflag:s18] =	ssyncadd.s32 $0xFFFFC000  }
0x441: {  	[spmem:s3] =	stream.indirect.scatter.add.f32 [tilespmem:s15], [sflag:$0x5], $0x80, s26, s12, $0xb8;
	[tilespmem:$0x1FC00] =	vst v63  }
0x442: {  	_ =	swait.ge [sflag:s8], $0x4000  }
0x443: {  	[sflag:s8] =	ssyncset.done $0x0  }
0x444: {  	[sflag:s8] =	ssyncadd.s32 $0xFFFFC000  }
0x445: {  	[tilespmem:s15], [sflag:$0x2] =	stream.indirect.gather [hbm4b:s2+s12], $0x80, s14, s12, $0xb8;
	[tilespmem:$0x1FC00] =	vst v63  }
0x446: {  	_ =	swait.ge [sflag:s16], $0x4000  }
0x447: {  	s28 =	sld [smem:$0x7C5]  }
0x448: {  	[sflag:s16] =	ssyncset.done $0x0  }
0x449: {  	[sflag:s16] =	ssyncadd.s32 $0xFFFFC000  }
0x44a: {  	[spmem:s3] =	stream.indirect.scatter.add.f32 [tilespmem:s13], [sflag:$0x5], $0x80, s28, s12, $0xb8;
	[tilespmem:$0x1FC00] =	vst v63  }
0x44b: {  	_ =	swait.ge [sflag:s8], $0x4000  }
0x44c: {  	[sflag:s8] =	ssyncset.done $0x0  }
0x44d: {  	[sflag:s8] =	ssyncadd.s32 $0xFFFFC000  }
0x44e: {  	[tilespmem:s13], [sflag:$0x1] =	stream.indirect.gather [hbm4b:s2+s12], $0x80, s19, s12, $0xb8;
	[tilespmem:$0x1FC00] =	vst v63  }
0x44f: {  	_ =	swait.ge [sflag:s18], $0x4000  }
0x450: {  	s26 =	sld [smem:$0x7C6]  }
0x451: {  	[sflag:s18] =	ssyncset.done $0x0  }
0x452: {  	[sflag:s18] =	ssyncadd.s32 $0xFFFFC000  }
0x453: {  	[spmem:s3] =	stream.indirect.scatter.add.f32 [tilespmem:s15], [sflag:$0x5], $0x80, s26, s12, $0xb8;
	[tilespmem:$0x1FC00] =	vst v63  }
0x454: {  	_ =	swait.ge [sflag:s8], $0x4000  }
0x455: {  	[sflag:s8] =	ssyncset.done $0x0  }
0x456: {  	[sflag:s8] =	ssyncadd.s32 $0xFFFFC000  }
0x457: {  	[tilespmem:s15], [sflag:$0x2] =	stream.indirect.gather [hbm4b:s2+s12], $0x80, s20, s12, $0xb8;
	[tilespmem:$0x1FC00] =	vst v63  }
0x458: {  	_ =	swait.ge [sflag:s16], $0x4000  }
0x459: {  	s28 =	sld [smem:$0x7C7]  }
0x45a: {  	[sflag:s16] =	ssyncset.done $0x0  }
0x45b: {  	[sflag:s16] =	ssyncadd.s32 $0xFFFFC000  }
0x45c: {  	[spmem:s3] =	stream.indirect.scatter.add.f32 [tilespmem:s13], [sflag:$0x5], $0x80, s28, s12, $0xb8;
	[tilespmem:$0x1FC00] =	vst v63  }
0x45d: {  	_ =	swait.ge [sflag:s8], $0x4000  }
0x45e: {  	[sflag:s8] =	ssyncset.done $0x0  }
0x45f: {  	[sflag:s8] =	ssyncadd.s32 $0xFFFFC000  }
0x460: {  	[tilespmem:s13], [sflag:$0x1] =	stream.indirect.gather [hbm4b:s2+s12], $0x80, s21, s12, $0xb8;
	[tilespmem:$0x1FC00] =	vst v63  }
0x461: {  	_ =	swait.ge [sflag:s18], $0x4000  }
0x462: {  	s26 =	sld [smem:$0x7C8]  }
0x463: {  	[sflag:s18] =	ssyncset.done $0x0  }
0x464: {  	[sflag:s18] =	ssyncadd.s32 $0xFFFFC000  }
0x465: {  	[spmem:s3] =	stream.indirect.scatter.add.f32 [tilespmem:s15], [sflag:$0x5], $0x80, s26, s12, $0xb8;
	[tilespmem:$0x1FC00] =	vst v63  }
0x466: {  	_ =	swait.ge [sflag:s8], $0x4000  }
0x467: {  	[sflag:s8] =	ssyncset.done $0x0  }
0x468: {  	[sflag:s8] =	ssyncadd.s32 $0xFFFFC000  }
0x469: {  	[tilespmem:s15], [sflag:$0x2] =	stream.indirect.gather [hbm4b:s2+s12], $0x80, s22, s12, $0xb8;
	[tilespmem:$0x1FC00] =	vst v63  }
0x46a: {  	_ =	swait.ge [sflag:s16], $0x4000  }
0x46b: {  	s28 =	sld [smem:$0x7C9]  }
0x46c: {  	[sflag:s16] =	ssyncset.done $0x0  }
0x46d: {  	[sflag:s16] =	ssyncadd.s32 $0xFFFFC000  }
0x46e: {  	[spmem:s3] =	stream.indirect.scatter.add.f32 [tilespmem:s13], [sflag:$0x5], $0x80, s28, s12, $0xb8;
	[tilespmem:$0x1FC00] =	vst v63  }
0x46f: {  	_ =	swait.ge [sflag:s8], $0x4000  }
0x470: {  	[sflag:s8] =	ssyncset.done $0x0  }
0x471: {  	[sflag:s8] =	ssyncadd.s32 $0xFFFFC000  }
0x472: {  	[tilespmem:s13], [sflag:$0x1] =	stream.indirect.gather [hbm4b:s2+s12], $0x80, s23, s12, $0xb8;
	[tilespmem:$0x1FC00] =	vst v63  }
0x473: {  	_ =	swait.ge [sflag:s18], $0x4000  }
0x474: {  	s26 =	sld [smem:$0x7CA]  }
0x475: {  	[sflag:s18] =	ssyncset.done $0x0  }
0x476: {  	[sflag:s18] =	ssyncadd.s32 $0xFFFFC000  }
0x477: {  	[spmem:s3] =	stream.indirect.scatter.add.f32 [tilespmem:s15], [sflag:$0x5], $0x80, s26, s12, $0xb8;
	[tilespmem:$0x1FC00] =	vst v63  }
0x478: {  	_ =	swait.ge [sflag:s8], $0x4000  }
0x479: {  	[sflag:s8] =	ssyncset.done $0x0  }
0x47a: {  	s26 =	simm.s32 $0x14E80;
	[sflag:s8] =	ssyncadd.s32 $0xFFFFC000  }
0x47b: {  	[tilespmem:s15], [sflag:$0x2] =	stream.indirect.gather [hbm4b:s2+s12], $0x80, s26, s12, $0xb8;
	[tilespmem:$0x1FC00] =	vst v63  }
0x47c: {  	_ =	swait.ge [sflag:s16], $0x4000  }
0x47d: {  	s28 =	sld [smem:$0x7CB]  }
0x47e: {  	[sflag:s16] =	ssyncset.done $0x0  }
0x47f: {  	[sflag:s16] =	ssyncadd.s32 $0xFFFFC000  }
0x480: {  	[spmem:s3] =	stream.indirect.scatter.add.f32 [tilespmem:s13], [sflag:$0x5], $0x80, s28, s12, $0xb8;
	[tilespmem:$0x1FC00] =	vst v63  }
0x481: {  	_ =	swait.ge [sflag:s8], $0x4000  }
0x482: {  	[sflag:s8] =	ssyncset.done $0x0  }
0x483: {  	s28 =	simm.s32 $0x14F00;
	[sflag:s8] =	ssyncadd.s32 $0xFFFFC000  }
0x484: {  	[tilespmem:s13], [sflag:$0x1] =	stream.indirect.gather [hbm4b:s2+s12], $0x80, s28, s12, $0xb8;
	[tilespmem:$0x1FC00] =	vst v63  }
0x485: {  	_ =	swait.ge [sflag:s18], $0x4000  }
0x486: {  	s25 =	sld [smem:$0x7CC]  }
0x487: {  	[sflag:s18] =	ssyncset.done $0x0  }
0x488: {  	[sflag:s18] =	ssyncadd.s32 $0xFFFFC000  }
0x489: {  	[spmem:s3] =	stream.indirect.scatter.add.f32 [tilespmem:s15], [sflag:$0x5], $0x80, s25, s12, $0xb8;
	[tilespmem:$0x1FC00] =	vst v63  }
0x48a: {  	_ =	swait.ge [sflag:s8], $0x4000  }
0x48b: {  	[sflag:s8] =	ssyncset.done $0x0  }
0x48c: {  	[sflag:s8] =	ssyncadd.s32 $0xFFFFC000  }
0x48d: {  	[tilespmem:s15], [sflag:$0x2] =	stream.indirect.gather [hbm4b:s2+s12], $0x80, s29, s12, $0xb8;
	[tilespmem:$0x1FC00] =	vst v63  }
0x48e: {  	_ =	swait.ge [sflag:s16], $0x4000  }
0x48f: {  	s25 =	sld [smem:$0x7CD]  }
0x490: {  	[sflag:s16] =	ssyncset.done $0x0  }
0x491: {  	[sflag:s16] =	ssyncadd.s32 $0xFFFFC000  }
0x492: {  	[spmem:s3] =	stream.indirect.scatter.add.f32 [tilespmem:s13], [sflag:$0x5], $0x80, s25, s12, $0xb8;
	[tilespmem:$0x1FC00] =	vst v63  }
0x493: {  	_ =	swait.ge [sflag:s8], $0x4000  }
0x494: {  	[sflag:s8] =	ssyncset.done $0x0  }
0x495: {  	[sflag:s8] =	ssyncadd.s32 $0xFFFFC000  }
0x496: {  	[tilespmem:s13], [sflag:$0x1] =	stream.indirect.gather [hbm4b:s2+s12], $0x80, s30, s12, $0xb8;
	[tilespmem:$0x1FC00] =	vst v63  }
0x497: {  	_ =	swait.ge [sflag:s18], $0x4000  }
0x498: {  	s25 =	sld [smem:$0x7CE]  }
0x499: {  	[sflag:s18] =	ssyncset.done $0x0  }
0x49a: {  	[sflag:s18] =	ssyncadd.s32 $0xFFFFC000  }
0x49b: {  	[spmem:s3] =	stream.indirect.scatter.add.f32 [tilespmem:s15], [sflag:$0x5], $0x80, s25, s12, $0xb8;
	[tilespmem:$0x1FC00] =	vst v63  }
0x49c: {  	_ =	swait.ge [sflag:s8], $0x4000  }
0x49d: {  	[sflag:s8] =	ssyncset.done $0x0  }
0x49e: {  	[sflag:s8] =	ssyncadd.s32 $0xFFFFC000  }
0x49f: {  	[tilespmem:s15], [sflag:$0x2] =	stream.indirect.gather [hbm4b:s2+s12], $0x80, s31, s12, $0xb8;
	[tilespmem:$0x1FC00] =	vst v63  }
0x4a0: {  	_ =	swait.ge [sflag:s16], $0x4000  }
0x4a1: {  	s25 =	sld [smem:$0x7CF]  }
0x4a2: {  	[sflag:s16] =	ssyncset.done $0x0  }
0x4a3: {  	[sflag:s16] =	ssyncadd.s32 $0xFFFFC000  }
0x4a4: {  	[spmem:s3] =	stream.indirect.scatter.add.f32 [tilespmem:s13], [sflag:$0x5], $0x80, s25, s12, $0xb8;
	[tilespmem:$0x1FC00] =	vst v63  }
0x4a5: {  	_ =	swait.ge [sflag:s8], $0x4000  }
0x4a6: {  	[sflag:s8] =	ssyncset.done $0x0  }
0x4a7: {  	s25 =	simm.s32 $0x15100;
	[sflag:s8] =	ssyncadd.s32 $0xFFFFC000  }
0x4a8: {  	[tilespmem:s13], [sflag:$0x1] =	stream.indirect.gather [hbm4b:s2+s12], $0x80, s25, s12, $0xb8;
	[tilespmem:$0x1FC00] =	vst v63  }
0x4a9: {  	_ =	swait.ge [sflag:s18], $0x4000  }
0x4aa: {  	s25 =	sld [smem:$0x7D0]  }
0x4ab: {  	[sflag:s18] =	ssyncset.done $0x0  }
0x4ac: {  	[sflag:s18] =	ssyncadd.s32 $0xFFFFC000  }
0x4ad: {  	[spmem:s3] =	stream.indirect.scatter.add.f32 [tilespmem:s15], [sflag:$0x5], $0x80, s25, s12, $0xb8;
	[tilespmem:$0x1FC00] =	vst v63  }
0x4ae: {  	_ =	swait.ge [sflag:s8], $0x4000  }
0x4af: {  	[sflag:s8] =	ssyncset.done $0x0  }
0x4b0: {  	s25 =	simm.s32 $0x15180;
	[sflag:s8] =	ssyncadd.s32 $0xFFFFC000  }
0x4b1: {  	[tilespmem:s15], [sflag:$0x2] =	stream.indirect.gather [hbm4b:s2+s12], $0x80, s25, s12, $0xb8;
	[tilespmem:$0x1FC00] =	vst v63  }
0x4b2: {  	_ =	swait.ge [sflag:s16], $0x4000  }
0x4b3: {  	s25 =	sld [smem:$0x7D1]  }
0x4b4: {  	[sflag:s16] =	ssyncset.done $0x0  }
0x4b5: {  	[sflag:s16] =	ssyncadd.s32 $0xFFFFC000  }
0x4b6: {  	[spmem:s3] =	stream.indirect.scatter.add.f32 [tilespmem:s13], [sflag:$0x5], $0x80, s25, s12, $0xb8;
	[tilespmem:$0x1FC00] =	vst v63  }
0x4b7: {  	_ =	swait.ge [sflag:s8], $0x4000  }
0x4b8: {  	[sflag:s8] =	ssyncset.done $0x0  }
0x4b9: {  	[sflag:s8] =	ssyncadd.s32 $0xFFFFC000  }
0x4ba: {  	_ =	swait.ge [sflag:s18], $0x4000  }
0x4bb: {  	s25 =	sld [smem:$0x7D2]  }
0x4bc: {  	[sflag:s18] =	ssyncset.done $0x0  }
0x4bd: {  	[sflag:s18] =	ssyncadd.s32 $0xFFFFC000  }
0x4be: {  	[spmem:s3] =	stream.indirect.scatter.add.f32 [tilespmem:s15], [sflag:$0x5], $0x80, s25, s12, $0xb8;
	[tilespmem:$0x1FC00] =	vst v63  }
0x4bf: {  	_ =	swait.ge [sflag:s8], $0x4000  }
0x4c0: {  	[sflag:s8] =	ssyncset.done $0x0  }
0x4c1: {  	s25 =	rddreg [dreg:$0xa];
	[sflag:s8] =	ssyncadd.s32 $0xFFFFC000  }
0x4c2: {  	[tilespmem:s4], [sflag:$0x4] =	stream.linear.gather [hbm4b:s25+s17], $0xA00, $0x38;
	[tilespmem:$0x1FC00] =	vst v63  }
0x4c3: {  	s25 =	simm.s32 $0x3  }
0x4c4: {  	_ =	swait.ge [sflag:s25], $0xA00  }
0x4c5: {  	[sflag:s25] =	ssyncset.done $0x0  }
0x4c6: {  	[sflag:s25] =	ssyncadd.s32 $0xFFFFF600  }
0x4c7: {  	[tilespmem:s13], [sflag:$0x1] =	stream.indirect.gather [hbm4b:s2+s12], $0x80, s11, s12, $0xb8;
	[tilespmem:$0x1FC00] =	vst v63  }
0x4c8: {  	s25 =	simm.s32 $0x13C80  }
0x4c9: {  	[tilespmem:s15], [sflag:$0x2] =	stream.indirect.gather [hbm4b:s2+s12], $0x80, s25, s12, $0xb8;
	[tilespmem:$0x1FC00] =	vst v63  }
0x4ca: {  	_ =	swait.ge [sflag:s16], $0x4000  }
0x4cb: {  	s17 =	sld [smem:$0x7D3]  }
0x4cc: {  	[sflag:s16] =	ssyncset.done $0x0  }
0x4cd: {  	[sflag:s16] =	ssyncadd.s32 $0xFFFFC000  }
0x4ce: {  	[spmem:s3] =	stream.indirect.scatter.add.f32 [tilespmem:s13], [sflag:$0x5], $0x80, s17, s12, $0xb8;
	[tilespmem:$0x1FC00] =	vst v63  }
0x4cf: {  	_ =	swait.ge [sflag:s8], $0x4000  }
0x4d0: {  	[sflag:s8] =	ssyncset.done $0x0  }
0x4d1: {  	s25 =	simm.s32 $0x13D00;
	[sflag:s8] =	ssyncadd.s32 $0xFFFFC000  }
0x4d2: {  	[tilespmem:s13], [sflag:$0x1] =	stream.indirect.gather [hbm4b:s2+s12], $0x80, s25, s12, $0xb8;
	[tilespmem:$0x1FC00] =	vst v63  }
0x4d3: {  	_ =	swait.ge [sflag:s18], $0x4000  }
0x4d4: {  	s17 =	sld [smem:$0x7D4]  }
0x4d5: {  	[sflag:s18] =	ssyncset.done $0x0  }
0x4d6: {  	[sflag:s18] =	ssyncadd.s32 $0xFFFFC000  }
0x4d7: {  	[spmem:s3] =	stream.indirect.scatter.add.f32 [tilespmem:s15], [sflag:$0x5], $0x80, s17, s12, $0xb8;
	[tilespmem:$0x1FC00] =	vst v63  }
0x4d8: {  	_ =	swait.ge [sflag:s8], $0x4000  }
0x4d9: {  	[sflag:s8] =	ssyncset.done $0x0  }
0x4da: {  	s25 =	simm.s32 $0x13D80;
	[sflag:s8] =	ssyncadd.s32 $0xFFFFC000  }
0x4db: {  	[tilespmem:s15], [sflag:$0x2] =	stream.indirect.gather [hbm4b:s2+s12], $0x80, s25, s12, $0xb8;
	[tilespmem:$0x1FC00] =	vst v63  }
0x4dc: {  	_ =	swait.ge [sflag:s16], $0x4000  }
0x4dd: {  	s17 =	sld [smem:$0x7D5]  }
0x4de: {  	[sflag:s16] =	ssyncset.done $0x0  }
0x4df: {  	[sflag:s16] =	ssyncadd.s32 $0xFFFFC000  }
0x4e0: {  	[spmem:s3] =	stream.indirect.scatter.add.f32 [tilespmem:s13], [sflag:$0x5], $0x80, s17, s12, $0xb8;
	[tilespmem:$0x1FC00] =	vst v63  }
0x4e1: {  	_ =	swait.ge [sflag:s8], $0x4000  }
0x4e2: {  	[sflag:s8] =	ssyncset.done $0x0  }
0x4e3: {  	s25 =	simm.s32 $0x13E00;
	[sflag:s8] =	ssyncadd.s32 $0xFFFFC000  }
0x4e4: {  	[tilespmem:s13], [sflag:$0x1] =	stream.indirect.gather [hbm4b:s2+s12], $0x80, s25, s12, $0xb8;
	[tilespmem:$0x1FC00] =	vst v63  }
0x4e5: {  	_ =	swait.ge [sflag:s18], $0x4000  }
0x4e6: {  	s17 =	sld [smem:$0x7D6]  }
0x4e7: {  	[sflag:s18] =	ssyncset.done $0x0  }
0x4e8: {  	[sflag:s18] =	ssyncadd.s32 $0xFFFFC000  }
0x4e9: {  	[spmem:s3] =	stream.indirect.scatter.add.f32 [tilespmem:s15], [sflag:$0x5], $0x80, s17, s12, $0xb8;
	[tilespmem:$0x1FC00] =	vst v63  }
0x4ea: {  	_ =	swait.ge [sflag:s8], $0x4000  }
0x4eb: {  	[sflag:s8] =	ssyncset.done $0x0  }
0x4ec: {  	s25 =	simm.s32 $0x13E80;
	[sflag:s8] =	ssyncadd.s32 $0xFFFFC000  }
0x4ed: {  	[tilespmem:s15], [sflag:$0x2] =	stream.indirect.gather [hbm4b:s2+s12], $0x80, s25, s12, $0xb8;
	[tilespmem:$0x1FC00] =	vst v63  }
0x4ee: {  	_ =	swait.ge [sflag:s16], $0x4000  }
0x4ef: {  	s17 =	sld [smem:$0x7D7]  }
0x4f0: {  	[sflag:s16] =	ssyncset.done $0x0  }
0x4f1: {  	[sflag:s16] =	ssyncadd.s32 $0xFFFFC000  }
0x4f2: {  	[spmem:s3] =	stream.indirect.scatter.add.f32 [tilespmem:s13], [sflag:$0x5], $0x80, s17, s12, $0xb8;
	[tilespmem:$0x1FC00] =	vst v63  }
0x4f3: {  	_ =	swait.ge [sflag:s8], $0x4000  }
0x4f4: {  	[sflag:s8] =	ssyncset.done $0x0  }
0x4f5: {  	s25 =	simm.s32 $0x13F00;
	[sflag:s8] =	ssyncadd.s32 $0xFFFFC000  }
0x4f6: {  	[tilespmem:s13], [sflag:$0x1] =	stream.indirect.gather [hbm4b:s2+s12], $0x80, s25, s12, $0xb8;
	[tilespmem:$0x1FC00] =	vst v63  }
0x4f7: {  	_ =	swait.ge [sflag:s18], $0x4000  }
0x4f8: {  	s17 =	sld [smem:$0x7D8]  }
0x4f9: {  	[sflag:s18] =	ssyncset.done $0x0  }
0x4fa: {  	[sflag:s18] =	ssyncadd.s32 $0xFFFFC000  }
0x4fb: {  	[spmem:s3] =	stream.indirect.scatter.add.f32 [tilespmem:s15], [sflag:$0x5], $0x80, s17, s12, $0xb8;
	[tilespmem:$0x1FC00] =	vst v63  }
0x4fc: {  	_ =	swait.ge [sflag:s8], $0x4000  }
0x4fd: {  	[sflag:s8] =	ssyncset.done $0x0  }
0x4fe: {  	s25 =	simm.s32 $0x13F80;
	[sflag:s8] =	ssyncadd.s32 $0xFFFFC000  }
0x4ff: {  	[tilespmem:s15], [sflag:$0x2] =	stream.indirect.gather [hbm4b:s2+s12], $0x80, s25, s12, $0xb8;
	[tilespmem:$0x1FC00] =	vst v63  }
0x500: {  	_ =	swait.ge [sflag:s16], $0x4000  }
0x501: {  	s17 =	sld [smem:$0x7D9]  }
0x502: {  	[sflag:s16] =	ssyncset.done $0x0  }
0x503: {  	[sflag:s16] =	ssyncadd.s32 $0xFFFFC000  }
0x504: {  	[spmem:s3] =	stream.indirect.scatter.add.f32 [tilespmem:s13], [sflag:$0x5], $0x80, s17, s12, $0xb8;
	[tilespmem:$0x1FC00] =	vst v63  }
0x505: {  	_ =	swait.ge [sflag:s8], $0x4000  }
0x506: {  	[sflag:s8] =	ssyncset.done $0x0  }
0x507: {  	s25 =	simm.s32 $0x14000;
	[sflag:s8] =	ssyncadd.s32 $0xFFFFC000  }
0x508: {  	[tilespmem:s13], [sflag:$0x1] =	stream.indirect.gather [hbm4b:s2+s12], $0x80, s25, s12, $0xb8;
	[tilespmem:$0x1FC00] =	vst v63  }
0x509: {  	_ =	swait.ge [sflag:s18], $0x4000  }
0x50a: {  	s17 =	sld [smem:$0x7DA]  }
0x50b: {  	[sflag:s18] =	ssyncset.done $0x0  }
0x50c: {  	[sflag:s18] =	ssyncadd.s32 $0xFFFFC000  }
0x50d: {  	[spmem:s3] =	stream.indirect.scatter.add.f32 [tilespmem:s15], [sflag:$0x5], $0x80, s17, s12, $0xb8;
	[tilespmem:$0x1FC00] =	vst v63  }
0x50e: {  	_ =	swait.ge [sflag:s8], $0x4000  }
0x50f: {  	[sflag:s8] =	ssyncset.done $0x0  }
0x510: {  	s25 =	simm.s32 $0x14080;
	[sflag:s8] =	ssyncadd.s32 $0xFFFFC000  }
0x511: {  	[tilespmem:s15], [sflag:$0x2] =	stream.indirect.gather [hbm4b:s2+s12], $0x80, s25, s12, $0xb8;
	[tilespmem:$0x1FC00] =	vst v63  }
0x512: {  	_ =	swait.ge [sflag:s16], $0x4000  }
0x513: {  	s17 =	sld [smem:$0x7DB]  }
0x514: {  	[sflag:s16] =	ssyncset.done $0x0  }
0x515: {  	[sflag:s16] =	ssyncadd.s32 $0xFFFFC000  }
0x516: {  	[spmem:s3] =	stream.indirect.scatter.add.f32 [tilespmem:s13], [sflag:$0x5], $0x80, s17, s12, $0xb8;
	[tilespmem:$0x1FC00] =	vst v63  }
0x517: {  	_ =	swait.ge [sflag:s8], $0x4000  }
0x518: {  	[sflag:s8] =	ssyncset.done $0x0  }
0x519: {  	s25 =	simm.s32 $0x14100;
	[sflag:s8] =	ssyncadd.s32 $0xFFFFC000  }
0x51a: {  	[tilespmem:s13], [sflag:$0x1] =	stream.indirect.gather [hbm4b:s2+s12], $0x80, s25, s12, $0xb8;
	[tilespmem:$0x1FC00] =	vst v63  }
0x51b: {  	_ =	swait.ge [sflag:s18], $0x4000  }
0x51c: {  	s17 =	sld [smem:$0x7DC]  }
0x51d: {  	[sflag:s18] =	ssyncset.done $0x0  }
0x51e: {  	[sflag:s18] =	ssyncadd.s32 $0xFFFFC000  }
0x51f: {  	[spmem:s3] =	stream.indirect.scatter.add.f32 [tilespmem:s15], [sflag:$0x5], $0x80, s17, s12, $0xb8;
	[tilespmem:$0x1FC00] =	vst v63  }
0x520: {  	_ =	swait.ge [sflag:s8], $0x4000  }
0x521: {  	[sflag:s8] =	ssyncset.done $0x0  }
0x522: {  	s25 =	simm.s32 $0x14180;
	[sflag:s8] =	ssyncadd.s32 $0xFFFFC000  }
0x523: {  	[tilespmem:s15], [sflag:$0x2] =	stream.indirect.gather [hbm4b:s2+s12], $0x80, s25, s12, $0xb8;
	[tilespmem:$0x1FC00] =	vst v63  }
0x524: {  	_ =	swait.ge [sflag:s16], $0x4000  }
0x525: {  	s17 =	sld [smem:$0x7DD]  }
0x526: {  	[sflag:s16] =	ssyncset.done $0x0  }
0x527: {  	[sflag:s16] =	ssyncadd.s32 $0xFFFFC000  }
0x528: {  	[spmem:s3] =	stream.indirect.scatter.add.f32 [tilespmem:s13], [sflag:$0x5], $0x80, s17, s12, $0xb8;
	[tilespmem:$0x1FC00] =	vst v63  }
0x529: {  	_ =	swait.ge [sflag:s8], $0x4000  }
0x52a: {  	[sflag:s8] =	ssyncset.done $0x0  }
0x52b: {  	s25 =	simm.s32 $0x14200;
	[sflag:s8] =	ssyncadd.s32 $0xFFFFC000  }
0x52c: {  	[tilespmem:s13], [sflag:$0x1] =	stream.indirect.gather [hbm4b:s2+s12], $0x80, s25, s12, $0xb8;
	[tilespmem:$0x1FC00] =	vst v63  }
0x52d: {  	_ =	swait.ge [sflag:s18], $0x4000  }
0x52e: {  	s17 =	sld [smem:$0x7DE]  }
0x52f: {  	[sflag:s18] =	ssyncset.done $0x0  }
0x530: {  	[sflag:s18] =	ssyncadd.s32 $0xFFFFC000  }
0x531: {  	[spmem:s3] =	stream.indirect.scatter.add.f32 [tilespmem:s15], [sflag:$0x5], $0x80, s17, s12, $0xb8;
	[tilespmem:$0x1FC00] =	vst v63  }
0x532: {  	_ =	swait.ge [sflag:s8], $0x4000  }
0x533: {  	[sflag:s8] =	ssyncset.done $0x0  }
0x534: {  	s25 =	simm.s32 $0x14280;
	[sflag:s8] =	ssyncadd.s32 $0xFFFFC000  }
0x535: {  	[tilespmem:s15], [sflag:$0x2] =	stream.indirect.gather [hbm4b:s2+s12], $0x80, s25, s12, $0xb8;
	[tilespmem:$0x1FC00] =	vst v63  }
0x536: {  	_ =	swait.ge [sflag:s16], $0x4000  }
0x537: {  	s17 =	sld [smem:$0x7DF]  }
0x538: {  	[sflag:s16] =	ssyncset.done $0x0  }
0x539: {  	[sflag:s16] =	ssyncadd.s32 $0xFFFFC000  }
0x53a: {  	[spmem:s3] =	stream.indirect.scatter.add.f32 [tilespmem:s13], [sflag:$0x5], $0x80, s17, s12, $0xb8;
	[tilespmem:$0x1FC00] =	vst v63  }
0x53b: {  	_ =	swait.ge [sflag:s8], $0x4000  }
0x53c: {  	[sflag:s8] =	ssyncset.done $0x0  }
0x53d: {  	s25 =	simm.s32 $0x14300;
	[sflag:s8] =	ssyncadd.s32 $0xFFFFC000  }
0x53e: {  	[tilespmem:s13], [sflag:$0x1] =	stream.indirect.gather [hbm4b:s2+s12], $0x80, s25, s12, $0xb8;
	[tilespmem:$0x1FC00] =	vst v63  }
0x53f: {  	_ =	swait.ge [sflag:s18], $0x4000  }
0x540: {  	s17 =	sld [smem:$0x7E0]  }
0x541: {  	[sflag:s18] =	ssyncset.done $0x0  }
0x542: {  	[sflag:s18] =	ssyncadd.s32 $0xFFFFC000  }
0x543: {  	[spmem:s3] =	stream.indirect.scatter.add.f32 [tilespmem:s15], [sflag:$0x5], $0x80, s17, s12, $0xb8;
	[tilespmem:$0x1FC00] =	vst v63  }
0x544: {  	_ =	swait.ge [sflag:s8], $0x4000  }
0x545: {  	[sflag:s8] =	ssyncset.done $0x0  }
0x546: {  	s25 =	simm.s32 $0x14380;
	[sflag:s8] =	ssyncadd.s32 $0xFFFFC000  }
0x547: {  	[tilespmem:s15], [sflag:$0x2] =	stream.indirect.gather [hbm4b:s2+s12], $0x80, s25, s12, $0xb8;
	[tilespmem:$0x1FC00] =	vst v63  }
0x548: {  	_ =	swait.ge [sflag:s16], $0x4000  }
0x549: {  	s17 =	sld [smem:$0x7E1]  }
0x54a: {  	[sflag:s16] =	ssyncset.done $0x0  }
0x54b: {  	[sflag:s16] =	ssyncadd.s32 $0xFFFFC000  }
0x54c: {  	[spmem:s3] =	stream.indirect.scatter.add.f32 [tilespmem:s13], [sflag:$0x5], $0x80, s17, s12, $0xb8;
	[tilespmem:$0x1FC00] =	vst v63  }
0x54d: {  	_ =	swait.ge [sflag:s8], $0x4000  }
0x54e: {  	[sflag:s8] =	ssyncset.done $0x0  }
0x54f: {  	s25 =	simm.s32 $0x14400;
	[sflag:s8] =	ssyncadd.s32 $0xFFFFC000  }
0x550: {  	[tilespmem:s13], [sflag:$0x1] =	stream.indirect.gather [hbm4b:s2+s12], $0x80, s25, s12, $0xb8;
	[tilespmem:$0x1FC00] =	vst v63  }
0x551: {  	_ =	swait.ge [sflag:s18], $0x4000  }
0x552: {  	s17 =	sld [smem:$0x7E2]  }
0x553: {  	[sflag:s18] =	ssyncset.done $0x0  }
0x554: {  	[sflag:s18] =	ssyncadd.s32 $0xFFFFC000  }
0x555: {  	[spmem:s3] =	stream.indirect.scatter.add.f32 [tilespmem:s15], [sflag:$0x5], $0x80, s17, s12, $0xb8;
	[tilespmem:$0x1FC00] =	vst v63  }
0x556: {  	_ =	swait.ge [sflag:s8], $0x4000  }
0x557: {  	[sflag:s8] =	ssyncset.done $0x0  }
0x558: {  	s25 =	simm.s32 $0x14480;
	[sflag:s8] =	ssyncadd.s32 $0xFFFFC000  }
0x559: {  	[tilespmem:s15], [sflag:$0x2] =	stream.indirect.gather [hbm4b:s2+s12], $0x80, s25, s12, $0xb8;
	[tilespmem:$0x1FC00] =	vst v63  }
0x55a: {  	_ =	swait.ge [sflag:s16], $0x4000  }
0x55b: {  	s17 =	sld [smem:$0x7E3]  }
0x55c: {  	[sflag:s16] =	ssyncset.done $0x0  }
0x55d: {  	[sflag:s16] =	ssyncadd.s32 $0xFFFFC000  }
0x55e: {  	[spmem:s3] =	stream.indirect.scatter.add.f32 [tilespmem:s13], [sflag:$0x5], $0x80, s17, s12, $0xb8;
	[tilespmem:$0x1FC00] =	vst v63  }
0x55f: {  	_ =	swait.ge [sflag:s8], $0x4000  }
0x560: {  	[sflag:s8] =	ssyncset.done $0x0  }
0x561: {  	s25 =	simm.s32 $0x14500;
	[sflag:s8] =	ssyncadd.s32 $0xFFFFC000  }
0x562: {  	[tilespmem:s13], [sflag:$0x1] =	stream.indirect.gather [hbm4b:s2+s12], $0x80, s25, s12, $0xb8;
	[tilespmem:$0x1FC00] =	vst v63  }
0x563: {  	_ =	swait.ge [sflag:s18], $0x4000  }
0x564: {  	s17 =	sld [smem:$0x7E4]  }
0x565: {  	[sflag:s18] =	ssyncset.done $0x0  }
0x566: {  	[sflag:s18] =	ssyncadd.s32 $0xFFFFC000  }
0x567: {  	[spmem:s3] =	stream.indirect.scatter.add.f32 [tilespmem:s15], [sflag:$0x5], $0x80, s17, s12, $0xb8;
	[tilespmem:$0x1FC00] =	vst v63  }
0x568: {  	_ =	swait.ge [sflag:s8], $0x4000  }
0x569: {  	[sflag:s8] =	ssyncset.done $0x0  }
0x56a: {  	s25 =	simm.s32 $0x14580;
	[sflag:s8] =	ssyncadd.s32 $0xFFFFC000  }
0x56b: {  	[tilespmem:s15], [sflag:$0x2] =	stream.indirect.gather [hbm4b:s2+s12], $0x80, s25, s12, $0xb8;
	[tilespmem:$0x1FC00] =	vst v63  }
0x56c: {  	_ =	swait.ge [sflag:s16], $0x4000  }
0x56d: {  	s11 =	sld [smem:$0x7E5]  }
0x56e: {  	[sflag:s16] =	ssyncset.done $0x0  }
0x56f: {  	[sflag:s16] =	ssyncadd.s32 $0xFFFFC000  }
0x570: {  	[spmem:s3] =	stream.indirect.scatter.add.f32 [tilespmem:s13], [sflag:$0x5], $0x80, s11, s12, $0xb8;
	[tilespmem:$0x1FC00] =	vst v63  }
0x571: {  	_ =	swait.ge [sflag:s8], $0x4000  }
0x572: {  	[sflag:s8] =	ssyncset.done $0x0  }
0x573: {  	[sflag:s8] =	ssyncadd.s32 $0xFFFFC000  }
0x574: {  	_ =	swait.ge [sflag:s18], $0x4000  }
0x575: {  	s17 =	sld [smem:$0x7E6]  }
0x576: {  	[sflag:s18] =	ssyncset.done $0x0  }
0x577: {  	[sflag:s18] =	ssyncadd.s32 $0xFFFFC000  }
0x578: {  	[spmem:s3] =	stream.indirect.scatter.add.f32 [tilespmem:s15], [sflag:$0x5], $0x80, s17, s12, $0xb8;
	[tilespmem:$0x1FC00] =	vst v63  }
0x579: {  	_ =	swait.ge [sflag:s8], $0x4000  }
0x57a: {  	[sflag:s8] =	ssyncset.done $0x0  }
0x57b: {  	[sflag:s8] =	ssyncadd.s32 $0xFFFFC000  }
0x57c: {  	_ =	swait.ge [sflag:s0], $0xA00  }
0x57d: {  	[sflag:s0] =	ssyncset.done $0x0  }
0x57e: {  	[sflag:s0] =	ssyncadd.s32 $0xFFFFF600  }
0x57f: {  	[tilespmem:s13], [sflag:$0x1] =	stream.indirect.gather [hbm4b:s2+s12], $0x80, s4, s12, $0xb8;
	[tilespmem:$0x1FC00] =	vst v63  }
0x580: {  	_ = 	snop  }
0x581: {  	[tilespmem:s15], [sflag:$0x2] =	stream.indirect.gather [hbm4b:s2+s12], $0x80, s1, s12, $0xb8;
	[tilespmem:$0x1FC00] =	vst v63  }
0x582: {  	_ =	swait.ge [sflag:s16], $0x4000  }
0x583: {  	s0 =	sld [smem:$0x7E7]  }
0x584: {  	[sflag:s16] =	ssyncset.done $0x0  }
0x585: {  	[sflag:s16] =	ssyncadd.s32 $0xFFFFC000  }
0x586: {  	[spmem:s3] =	stream.indirect.scatter.add.f32 [tilespmem:s13], [sflag:$0x5], $0x80, s0, s12, $0xb8;
	[tilespmem:$0x1FC00] =	vst v63  }
0x587: {  	_ =	swait.ge [sflag:s8], $0x4000  }
0x588: {  	[sflag:s8] =	ssyncset.done $0x0  }
0x589: {  	[sflag:s8] =	ssyncadd.s32 $0xFFFFC000  }
0x58a: {  	[tilespmem:s13], [sflag:$0x1] =	stream.indirect.gather [hbm4b:s2+s12], $0x80, s5, s12, $0xb8;
	[tilespmem:$0x1FC00] =	vst v63  }
0x58b: {  	_ =	swait.ge [sflag:s18], $0x4000  }
0x58c: {  	s1 =	sld [smem:$0x7E8]  }
0x58d: {  	[sflag:s18] =	ssyncset.done $0x0  }
0x58e: {  	[sflag:s18] =	ssyncadd.s32 $0xFFFFC000  }
0x58f: {  	[spmem:s3] =	stream.indirect.scatter.add.f32 [tilespmem:s15], [sflag:$0x5], $0x80, s1, s12, $0xb8;
	[tilespmem:$0x1FC00] =	vst v63  }
0x590: {  	_ =	swait.ge [sflag:s8], $0x4000  }
0x591: {  	[sflag:s8] =	ssyncset.done $0x0  }
0x592: {  	[sflag:s8] =	ssyncadd.s32 $0xFFFFC000  }
0x593: {  	[tilespmem:s15], [sflag:$0x2] =	stream.indirect.gather [hbm4b:s2+s12], $0x80, s6, s12, $0xb8;
	[tilespmem:$0x1FC00] =	vst v63  }
0x594: {  	_ =	swait.ge [sflag:s16], $0x4000  }
0x595: {  	s11 =	sld [smem:$0x7E9]  }
0x596: {  	[sflag:s16] =	ssyncset.done $0x0  }
0x597: {  	[sflag:s16] =	ssyncadd.s32 $0xFFFFC000  }
0x598: {  	[spmem:s3] =	stream.indirect.scatter.add.f32 [tilespmem:s13], [sflag:$0x5], $0x80, s11, s12, $0xb8;
	[tilespmem:$0x1FC00] =	vst v63  }
0x599: {  	_ =	swait.ge [sflag:s8], $0x4000  }
0x59a: {  	[sflag:s8] =	ssyncset.done $0x0  }
0x59b: {  	[sflag:s8] =	ssyncadd.s32 $0xFFFFC000  }
0x59c: {  	[tilespmem:s13], [sflag:$0x1] =	stream.indirect.gather [hbm4b:s2+s12], $0x80, s7, s12, $0xb8;
	[tilespmem:$0x1FC00] =	vst v63  }
0x59d: {  	_ =	swait.ge [sflag:s18], $0x4000  }
0x59e: {  	s17 =	sld [smem:$0x7EA]  }
0x59f: {  	[sflag:s18] =	ssyncset.done $0x0  }
0x5a0: {  	[sflag:s18] =	ssyncadd.s32 $0xFFFFC000  }
0x5a1: {  	[spmem:s3] =	stream.indirect.scatter.add.f32 [tilespmem:s15], [sflag:$0x5], $0x80, s17, s12, $0xb8;
	[tilespmem:$0x1FC00] =	vst v63  }
0x5a2: {  	_ =	swait.ge [sflag:s8], $0x4000  }
0x5a3: {  	[sflag:s8] =	ssyncset.done $0x0  }
0x5a4: {  	[sflag:s8] =	ssyncadd.s32 $0xFFFFC000  }
0x5a5: {  	[tilespmem:s15], [sflag:$0x2] =	stream.indirect.gather [hbm4b:s2+s12], $0x80, s9, s12, $0xb8;
	[tilespmem:$0x1FC00] =	vst v63  }
0x5a6: {  	_ =	swait.ge [sflag:s16], $0x4000  }
0x5a7: {  	s0 =	sld [smem:$0x7EB]  }
0x5a8: {  	[sflag:s16] =	ssyncset.done $0x0  }
0x5a9: {  	[sflag:s16] =	ssyncadd.s32 $0xFFFFC000  }
0x5aa: {  	[spmem:s3] =	stream.indirect.scatter.add.f32 [tilespmem:s13], [sflag:$0x5], $0x80, s0, s12, $0xb8;
	[tilespmem:$0x1FC00] =	vst v63  }
0x5ab: {  	_ =	swait.ge [sflag:s8], $0x4000  }
0x5ac: {  	[sflag:s8] =	ssyncset.done $0x0  }
0x5ad: {  	[sflag:s8] =	ssyncadd.s32 $0xFFFFC000  }
0x5ae: {  	[tilespmem:s13], [sflag:$0x1] =	stream.indirect.gather [hbm4b:s2+s12], $0x80, s10, s12, $0xb8;
	[tilespmem:$0x1FC00] =	vst v63  }
0x5af: {  	_ =	swait.ge [sflag:s18], $0x4000  }
0x5b0: {  	s1 =	sld [smem:$0x7EC]  }
0x5b1: {  	[sflag:s18] =	ssyncset.done $0x0  }
0x5b2: {  	[sflag:s18] =	ssyncadd.s32 $0xFFFFC000  }
0x5b3: {  	[spmem:s3] =	stream.indirect.scatter.add.f32 [tilespmem:s15], [sflag:$0x5], $0x80, s1, s12, $0xb8;
	[tilespmem:$0x1FC00] =	vst v63  }
0x5b4: {  	_ =	swait.ge [sflag:s8], $0x4000  }
0x5b5: {  	[sflag:s8] =	ssyncset.done $0x0  }
0x5b6: {  	[sflag:s8] =	ssyncadd.s32 $0xFFFFC000  }
0x5b7: {  	[tilespmem:s15], [sflag:$0x2] =	stream.indirect.gather [hbm4b:s2+s12], $0x80, s14, s12, $0xb8;
	[tilespmem:$0x1FC00] =	vst v63  }
0x5b8: {  	_ =	swait.ge [sflag:s16], $0x4000  }
0x5b9: {  	s11 =	sld [smem:$0x7ED]  }
0x5ba: {  	[sflag:s16] =	ssyncset.done $0x0  }
0x5bb: {  	[sflag:s16] =	ssyncadd.s32 $0xFFFFC000  }
0x5bc: {  	[spmem:s3] =	stream.indirect.scatter.add.f32 [tilespmem:s13], [sflag:$0x5], $0x80, s11, s12, $0xb8;
	[tilespmem:$0x1FC00] =	vst v63  }
0x5bd: {  	_ =	swait.ge [sflag:s8], $0x4000  }
0x5be: {  	[sflag:s8] =	ssyncset.done $0x0  }
0x5bf: {  	[sflag:s8] =	ssyncadd.s32 $0xFFFFC000  }
0x5c0: {  	[tilespmem:s13], [sflag:$0x1] =	stream.indirect.gather [hbm4b:s2+s12], $0x80, s19, s12, $0xb8;
	[tilespmem:$0x1FC00] =	vst v63  }
0x5c1: {  	_ =	swait.ge [sflag:s18], $0x4000  }
0x5c2: {  	s17 =	sld [smem:$0x7EE]  }
0x5c3: {  	[sflag:s18] =	ssyncset.done $0x0  }
0x5c4: {  	[sflag:s18] =	ssyncadd.s32 $0xFFFFC000  }
0x5c5: {  	[spmem:s3] =	stream.indirect.scatter.add.f32 [tilespmem:s15], [sflag:$0x5], $0x80, s17, s12, $0xb8;
	[tilespmem:$0x1FC00] =	vst v63  }
0x5c6: {  	_ =	swait.ge [sflag:s8], $0x4000  }
0x5c7: {  	[sflag:s8] =	ssyncset.done $0x0  }
0x5c8: {  	[sflag:s8] =	ssyncadd.s32 $0xFFFFC000  }
0x5c9: {  	[tilespmem:s15], [sflag:$0x2] =	stream.indirect.gather [hbm4b:s2+s12], $0x80, s20, s12, $0xb8;
	[tilespmem:$0x1FC00] =	vst v63  }
0x5ca: {  	_ =	swait.ge [sflag:s16], $0x4000  }
0x5cb: {  	s0 =	sld [smem:$0x7EF]  }
0x5cc: {  	[sflag:s16] =	ssyncset.done $0x0  }
0x5cd: {  	[sflag:s16] =	ssyncadd.s32 $0xFFFFC000  }
0x5ce: {  	[spmem:s3] =	stream.indirect.scatter.add.f32 [tilespmem:s13], [sflag:$0x5], $0x80, s0, s12, $0xb8;
	[tilespmem:$0x1FC00] =	vst v63  }
0x5cf: {  	_ =	swait.ge [sflag:s8], $0x4000  }
0x5d0: {  	[sflag:s8] =	ssyncset.done $0x0  }
0x5d1: {  	[sflag:s8] =	ssyncadd.s32 $0xFFFFC000  }
0x5d2: {  	[tilespmem:s13], [sflag:$0x1] =	stream.indirect.gather [hbm4b:s2+s12], $0x80, s21, s12, $0xb8;
	[tilespmem:$0x1FC00] =	vst v63  }
0x5d3: {  	_ =	swait.ge [sflag:s18], $0x4000  }
0x5d4: {  	s1 =	sld [smem:$0x7F0]  }
0x5d5: {  	[sflag:s18] =	ssyncset.done $0x0  }
0x5d6: {  	[sflag:s18] =	ssyncadd.s32 $0xFFFFC000  }
0x5d7: {  	[spmem:s3] =	stream.indirect.scatter.add.f32 [tilespmem:s15], [sflag:$0x5], $0x80, s1, s12, $0xb8;
	[tilespmem:$0x1FC00] =	vst v63  }
0x5d8: {  	_ =	swait.ge [sflag:s8], $0x4000  }
0x5d9: {  	[sflag:s8] =	ssyncset.done $0x0  }
0x5da: {  	[sflag:s8] =	ssyncadd.s32 $0xFFFFC000  }
0x5db: {  	[tilespmem:s15], [sflag:$0x2] =	stream.indirect.gather [hbm4b:s2+s12], $0x80, s22, s12, $0xb8;
	[tilespmem:$0x1FC00] =	vst v63  }
0x5dc: {  	_ =	swait.ge [sflag:s16], $0x4000  }
0x5dd: {  	s11 =	sld [smem:$0x7F1]  }
0x5de: {  	[sflag:s16] =	ssyncset.done $0x0  }
0x5df: {  	[sflag:s16] =	ssyncadd.s32 $0xFFFFC000  }
0x5e0: {  	[spmem:s3] =	stream.indirect.scatter.add.f32 [tilespmem:s13], [sflag:$0x5], $0x80, s11, s12, $0xb8;
	[tilespmem:$0x1FC00] =	vst v63  }
0x5e1: {  	_ =	swait.ge [sflag:s8], $0x4000  }
0x5e2: {  	[sflag:s8] =	ssyncset.done $0x0  }
0x5e3: {  	[sflag:s8] =	ssyncadd.s32 $0xFFFFC000  }
0x5e4: {  	[tilespmem:s13], [sflag:$0x1] =	stream.indirect.gather [hbm4b:s2+s12], $0x80, s23, s12, $0xb8;
	[tilespmem:$0x1FC00] =	vst v63  }
0x5e5: {  	_ =	swait.ge [sflag:s18], $0x4000  }
0x5e6: {  	s17 =	sld [smem:$0x7F2]  }
0x5e7: {  	[sflag:s18] =	ssyncset.done $0x0  }
0x5e8: {  	[sflag:s18] =	ssyncadd.s32 $0xFFFFC000  }
0x5e9: {  	[spmem:s3] =	stream.indirect.scatter.add.f32 [tilespmem:s15], [sflag:$0x5], $0x80, s17, s12, $0xb8;
	[tilespmem:$0x1FC00] =	vst v63  }
0x5ea: {  	_ =	swait.ge [sflag:s8], $0x4000  }
0x5eb: {  	[sflag:s8] =	ssyncset.done $0x0  }
0x5ec: {  	[sflag:s8] =	ssyncadd.s32 $0xFFFFC000  }
0x5ed: {  	[tilespmem:s15], [sflag:$0x2] =	stream.indirect.gather [hbm4b:s2+s12], $0x80, s26, s12, $0xb8;
	[tilespmem:$0x1FC00] =	vst v63  }
0x5ee: {  	_ =	swait.ge [sflag:s16], $0x4000  }
0x5ef: {  	s26 =	sld [smem:$0x7F3]  }
0x5f0: {  	[sflag:s16] =	ssyncset.done $0x0  }
0x5f1: {  	[sflag:s16] =	ssyncadd.s32 $0xFFFFC000  }
0x5f2: {  	[spmem:s3] =	stream.indirect.scatter.add.f32 [tilespmem:s13], [sflag:$0x5], $0x80, s26, s12, $0xb8;
	[tilespmem:$0x1FC00] =	vst v63  }
0x5f3: {  	_ =	swait.ge [sflag:s8], $0x4000  }
0x5f4: {  	[sflag:s8] =	ssyncset.done $0x0  }
0x5f5: {  	[sflag:s8] =	ssyncadd.s32 $0xFFFFC000  }
0x5f6: {  	[tilespmem:s13], [sflag:$0x1] =	stream.indirect.gather [hbm4b:s2+s12], $0x80, s28, s12, $0xb8;
	[tilespmem:$0x1FC00] =	vst v63  }
0x5f7: {  	_ =	swait.ge [sflag:s18], $0x4000  }
0x5f8: {  	s0 =	sld [smem:$0x7F4]  }
0x5f9: {  	[sflag:s18] =	ssyncset.done $0x0  }
0x5fa: {  	[sflag:s18] =	ssyncadd.s32 $0xFFFFC000  }
0x5fb: {  	[spmem:s3] =	stream.indirect.scatter.add.f32 [tilespmem:s15], [sflag:$0x5], $0x80, s0, s12, $0xb8;
	[tilespmem:$0x1FC00] =	vst v63  }
0x5fc: {  	_ =	swait.ge [sflag:s8], $0x4000  }
0x5fd: {  	[sflag:s8] =	ssyncset.done $0x0  }
0x5fe: {  	[sflag:s8] =	ssyncadd.s32 $0xFFFFC000  }
0x5ff: {  	[tilespmem:s15], [sflag:$0x2] =	stream.indirect.gather [hbm4b:s2+s12], $0x80, s29, s12, $0xb8;
	[tilespmem:$0x1FC00] =	vst v63  }
0x600: {  	_ =	swait.ge [sflag:s16], $0x4000  }
0x601: {  	s1 =	sld [smem:$0x7F5]  }
0x602: {  	[sflag:s16] =	ssyncset.done $0x0  }
0x603: {  	[sflag:s16] =	ssyncadd.s32 $0xFFFFC000  }
0x604: {  	[spmem:s3] =	stream.indirect.scatter.add.f32 [tilespmem:s13], [sflag:$0x5], $0x80, s1, s12, $0xb8;
	[tilespmem:$0x1FC00] =	vst v63  }
0x605: {  	_ =	swait.ge [sflag:s8], $0x4000  }
0x606: {  	[sflag:s8] =	ssyncset.done $0x0  }
0x607: {  	[sflag:s8] =	ssyncadd.s32 $0xFFFFC000  }
0x608: {  	[tilespmem:s13], [sflag:$0x1] =	stream.indirect.gather [hbm4b:s2+s12], $0x80, s30, s12, $0xb8;
	[tilespmem:$0x1FC00] =	vst v63  }
0x609: {  	_ =	swait.ge [sflag:s18], $0x4000  }
0x60a: {  	s11 =	sld [smem:$0x7F6]  }
0x60b: {  	[sflag:s18] =	ssyncset.done $0x0  }
0x60c: {  	[sflag:s18] =	ssyncadd.s32 $0xFFFFC000  }
0x60d: {  	[spmem:s3] =	stream.indirect.scatter.add.f32 [tilespmem:s15], [sflag:$0x5], $0x80, s11, s12, $0xb8;
	[tilespmem:$0x1FC00] =	vst v63  }
0x60e: {  	_ =	swait.ge [sflag:s8], $0x4000  }
0x60f: {  	[sflag:s8] =	ssyncset.done $0x0  }
0x610: {  	[sflag:s8] =	ssyncadd.s32 $0xFFFFC000  }
0x611: {  	[tilespmem:s15], [sflag:$0x2] =	stream.indirect.gather [hbm4b:s2+s12], $0x80, s31, s12, $0xb8;
	[tilespmem:$0x1FC00] =	vst v63  }
0x612: {  	_ =	swait.ge [sflag:s16], $0x4000  }
0x613: {  	s17 =	sld [smem:$0x7F7]  }
0x614: {  	[sflag:s16] =	ssyncset.done $0x0  }
0x615: {  	[sflag:s16] =	ssyncadd.s32 $0xFFFFC000  }
0x616: {  	[spmem:s3] =	stream.indirect.scatter.add.f32 [tilespmem:s13], [sflag:$0x5], $0x80, s17, s12, $0xb8;
	[tilespmem:$0x1FC00] =	vst v63  }
0x617: {  	_ =	swait.ge [sflag:s8], $0x4000  }
0x618: {  	[sflag:s8] =	ssyncset.done $0x0  }
0x619: {  	s25 =	simm.s32 $0x15100;
	[sflag:s8] =	ssyncadd.s32 $0xFFFFC000  }
0x61a: {  	[tilespmem:s13], [sflag:$0x1] =	stream.indirect.gather [hbm4b:s2+s12], $0x80, s25, s12, $0xb8;
	[tilespmem:$0x1FC00] =	vst v63  }
0x61b: {  	_ =	swait.ge [sflag:s18], $0x4000  }
0x61c: {  	s26 =	sld [smem:$0x7F8]  }
0x61d: {  	[sflag:s18] =	ssyncset.done $0x0  }
0x61e: {  	[sflag:s18] =	ssyncadd.s32 $0xFFFFC000  }
0x61f: {  	[spmem:s3] =	stream.indirect.scatter.add.f32 [tilespmem:s15], [sflag:$0x5], $0x80, s26, s12, $0xb8;
	[tilespmem:$0x1FC00] =	vst v63  }
0x620: {  	_ =	swait.ge [sflag:s8], $0x4000  }
0x621: {  	[sflag:s8] =	ssyncset.done $0x0  }
0x622: {  	s28 =	simm.s32 $0x15180;
	[sflag:s8] =	ssyncadd.s32 $0xFFFFC000  }
0x623: {  	[tilespmem:s15], [sflag:$0x2] =	stream.indirect.gather [hbm4b:s2+s12], $0x80, s28, s12, $0xb8;
	[tilespmem:$0x1FC00] =	vst v63  }
0x624: {  	_ =	swait.ge [sflag:s16], $0x4000  }
0x625: {  	s1 =	sld [smem:$0x7F9]  }
0x626: {  	[sflag:s16] =	ssyncset.done $0x0  }
0x627: {  	[sflag:s16] =	ssyncadd.s32 $0xFFFFC000  }
0x628: {  	[spmem:s3] =	stream.indirect.scatter.add.f32 [tilespmem:s13], [sflag:$0x5], $0x80, s1, s12, $0xb8;
	[tilespmem:$0x1FC00] =	vst v63  }
0x629: {  	_ =	swait.ge [sflag:s8], $0x4000  }
0x62a: {  	[sflag:s8] =	ssyncset.done $0x0  }
0x62b: {  	[sflag:s8] =	ssyncadd.s32 $0xFFFFC000  }
0x62c: {  	_ =	swait.ge [sflag:s18], $0x4000  }
0x62d: {  	s11 =	sld [smem:$0x7FA]  }
0x62e: {  	[sflag:s18] =	ssyncset.done $0x0  }
0x62f: {  	[sflag:s18] =	ssyncadd.s32 $0xFFFFC000  }
0x630: {  	[spmem:s3] =	stream.indirect.scatter.add.f32 [tilespmem:s15], [sflag:$0x5], $0x80, s11, s12, $0xb8;
	[tilespmem:$0x1FC00] =	vst v63  }
0x631: {  	_ =	swait.ge [sflag:s8], $0x4000  }
0x632: {  	[sflag:s8] =	ssyncset.done $0x0  }
0x633: {  	s24 =	sadd.s32 $0xFFFFFFFF, s24;
	[sflag:s8] =	ssyncadd.s32 $0xFFFFC000  }
0x634: {  	p1 =	sne.s32 s24, $0x0;
	[bflag:$0x0] =	sbarrier.arrive $0xFFFF  }
.Ltmp1:
0x635: {  	s26 =	sld [smem:$0x7FC];
	(pc) =	sbr.rel @p1 .LBB2_2-.Ltmp1, $3  }
0x636: {  	s28 =	sld [smem:$0x7FD];
	_ =	sdelay $0x1  }
0x637: {  	s17 =	rddreg [dreg:$0xb]  }
0x638: {  	[hbm:s17], [sflag:s26] =	dma.local [spmem:s28], $0x2780  }
.LBB2_3:
0x639: {  	_ =	swait.ge [sflag:s8], $0x2780  }
0x63a: {  	[sflag:s8] =	ssyncset.done $0x0  }
0x63b: {  	[sflag:s8] =	ssyncadd.s32 $0xFFFFD880  }
0x63c: {  	_ =	sfence.sel $0x180000  }
0x63d: {  	[bflag:$0x0] =	sbarrier.arrive $0xFFFF  }
0x63e: {  	_ =	strace $0x90000047  }
0x63f: {  	s0 =	stileid.u32;
	[bflag:$0x2] =	sbarrier.arrive $0xFFFF  }
0x640: {  	p0 =	sne.s32 s0, $0x0;
	s0 =	rddreg [dreg:$0x3]  }
0x641: {  	s0 =	sadd.s32 @!p0 $0x100000, s0  }
0x642: {  	[sflag:s0] =	ssyncadd.tile.s32 @!p0 $0x1;
	_ =	shalt  }
.Lfunc_end2:
_tile_overlayer_lowered:
.L_overlay_start_2:
0x643: {  	(tag) =	ssettag $0x2  }
0x644: {  	s0 =	rddreg [dreg:$0x0];
	s2 =	stileid.u32  }
0x645: {  	s1 =	rddreg [dreg:$0x1];
	p0 =	sne.s32 s2, $0x0  }
0x646: {  	s3 =	rddreg [dreg:$0x2];
	[bflag:$0x3] =	sbarrier.arrive $0xFFFF;
	s2 =	simm.s32 @!p0 $0x1C05  }
0x647: {  	[timem:s3], [sflag:s2] =	dma.local @!p0 [hbm:s0], s1  }
0x648: {  	s0 =	simm.s32 @!p0 $0x5  }
0x649: {  	_ =	swait.ge @!p0 [sflag:s0], s1  }
0x64a: {  	s1 =	ssub.s32 @!p0 $0x0, s1;
	[sflag:s0] =	ssyncset.done @!p0 $0x0  }
0x64b: {  	[sflag:s0] =	ssyncadd.s32 @!p0 s1  }
0x64c: {  	[bflag:$0x3] =	sbarrier.arrive $0xFFFF  }
0x64d: {  	_ =	shalt  }

</sc_bundles>
